<compile_context>
chip_gen: v7x
topology: tpu7x:2x2x1
jax: 0.10.2.dev20260603
libtpu: 0.0.44.dev20260713+nightly
codegen_flags: <defaults>
</compile_context>

<pallas_src>
import jax
import jax.numpy as jnp
from jax import lax
from jax.experimental import pallas as pl
from jax.experimental.pallas import tpu as pltpu
from jax.experimental.pallas import tpu_sc as plsc

N = 50000
E = 800000
R = 64
ORDER = 3
FLOW_LEN = 100
BS = N // FLOW_LEN
C = 12

HW = R // 2
NTILE = 16
CHUNK = 128
EROWS = E // CHUNK
ROWS_PT = EROWS // NTILE
EXTRA = EROWS - ROWS_PT * NTILE
Z32 = 3128
ACC_ROWS = NTILE * Z32
WB = 3120

BLK = 2000
GRID = N // BLK
GROUPS = BLK // FLOW_LEN


def _segsum_body(h_hbm, src_hbm, dst_hbm, zeros_hbm, agg_hbm,
                 sb0, sb1, db0, db1, lb0, lb1, rb0, rb1, acc,
                 sg0, sg1, si0, si1):
    cid = lax.axis_index("c")
    sid = lax.axis_index("s")

    pltpu.sync_copy(zeros_hbm, acc.at[pl.ds(sid * Z32, Z32)])
    plsc.subcore_barrier()

    srcb = [sb0, sb1]
    dstb = [db0, db1]
    gidx = [lb0, lb1]
    rows = [rb0, rb1]
    sg = [sg0, sg1]
    si = [si0, si1]
    base_row = sid * ROWS_PT
    nloc = jnp.where(sid < EXTRA, ROWS_PT + 1, ROWS_PT)

    def row_of(j):
        return jnp.where(j < ROWS_PT, base_row + j, NTILE * ROWS_PT + sid)

    def sdesc(b, row):
        return pltpu.make_async_copy(src_hbm.at[row], srcb[b], si[b])

    def ddesc(b, row):
        return pltpu.make_async_copy(dst_hbm.at[row], dstb[b], si[b])

    def gdesc(b):
        return pltpu.make_async_copy(h_hbm.at[gidx[b]], rows[b], sg[b])

    def compute_gidx(b):
        for k in range(CHUNK // 16):
            sv = srcb[b][pl.ds(16 * k, 16)]
            gidx[b][pl.ds(16 * k, 16)] = sv + sv + cid

    pltpu.sync_copy(src_hbm.at[base_row], srcb[0])
    pltpu.sync_copy(dst_hbm.at[base_row], dstb[0])
    compute_gidx(0)
    gdesc(0).start()
    sdesc(1, row_of(1)).start()
    ddesc(1, row_of(1)).start()

    def step(j, b):
        bn = 1 - b
        nr = row_of(j + 1)

        @pl.when(j + 1 < nloc)
        def _():
            sdesc(bn, nr).wait()
            ddesc(bn, nr).wait()
            compute_gidx(bn)

        gdesc(b).wait()

        @pl.when(j + 1 < nloc)
        def _():
            gdesc(bn).start()

        @pl.when(j + 2 < nloc)
        def _():
            r2 = row_of(j + 2)
            sdesc(b, r2).start()
            ddesc(b, r2).start()

        pltpu.sync_copy(rows[b], acc.at[dstb[b]], add=True)

    def pair(jj, carry):
        j = jj * 2
        step(j, 0)
        step(j + 1, 1)
        return carry

    lax.fori_loop(0, ROWS_PT // 2, pair, 0)

    @pl.when(nloc > ROWS_PT)
    def _():
        gdesc(0).wait()
        pltpu.sync_copy(rows[0], acc.at[dstb[0]], add=True)

    plsc.subcore_barrier()

    out_base = cid * N

    @pl.when(sid < NTILE - 1)
    def _():
        pltpu.sync_copy(acc.at[pl.ds(sid * WB, WB)],
                        agg_hbm.at[pl.ds(out_base + sid * WB, WB)])

    @pl.when(sid == NTILE - 1)
    def _():
        rest = N - (NTILE - 1) * WB
        pltpu.sync_copy(acc.at[pl.ds((NTILE - 1) * WB, rest)],
                        agg_hbm.at[pl.ds(out_base + (NTILE - 1) * WB, rest)])


def _segsum(table, src2, dst2, zeros):
    return pl.kernel(
        _segsum_body,
        mesh=plsc.VectorSubcoreMesh(core_axis_name="c", subcore_axis_name="s"),
        compiler_params=pltpu.CompilerParams(use_tc_tiling_on_sc=False),
        out_type=jax.ShapeDtypeStruct((2 * N, HW), jnp.float32),
        scratch_types=[
            pltpu.VMEM((CHUNK,), jnp.int32),
            pltpu.VMEM((CHUNK,), jnp.int32),
            pltpu.VMEM((CHUNK,), jnp.int32),
            pltpu.VMEM((CHUNK,), jnp.int32),
            pltpu.VMEM((CHUNK,), jnp.int32),
            pltpu.VMEM((CHUNK,), jnp.int32),
            pltpu.VMEM((CHUNK, HW), jnp.float32),
            pltpu.VMEM((CHUNK, HW), jnp.float32),
            pltpu.VMEM_SHARED((ACC_ROWS, HW), jnp.float32),
            pltpu.SemaphoreType.DMA,
            pltpu.SemaphoreType.DMA,
            pltpu.SemaphoreType.DMA,
            pltpu.SemaphoreType.DMA,
        ],
    )(table, src2, dst2, zeros)



def _seed_body(f_ref, w_ref, b_ref, h_ref):
    h_ref[...] = f_ref[...] * w_ref[...] + b_ref[...]


def _pass1_body(h_ref, agg_ref, g_ref, gb_ref, l_ref, lb_ref, z_ref, s_ref, q_ref):
    x = h_ref[...] + jnp.concatenate([agg_ref[0], agg_ref[1]], axis=-1)
    z = jnp.dot(x, g_ref[...], preferred_element_type=jnp.float32) + gb_ref[...]
    z = jnp.dot(z, l_ref[...], preferred_element_type=jnp.float32) + lb_ref[...]
    z_ref[...] = z

    @pl.when(pl.program_id(0) == 0)
    def _():
        s_ref[...] = jnp.zeros_like(s_ref)
        q_ref[...] = jnp.zeros_like(q_ref)

    s_ref[...] += jnp.sum(z, axis=0, keepdims=True)
    q_ref[...] += jnp.sum(z * z, axis=0, keepdims=True)


def _pass2_body(z_ref, s_ref, q_ref, g_ref, b_ref, h_ref, ro_ref):
    mean = s_ref[...] * (1.0 / N)
    var = q_ref[...] * (1.0 / N) - mean * mean
    inv = lax.rsqrt(var + 1e-5)
    scale = g_ref[...] * inv
    shift = b_ref[...] - mean * scale
    hn = jnp.maximum(z_ref[...] * scale + shift, 0.0)
    h_ref[...] = hn
    ro_ref[...] = hn.reshape(GROUPS, FLOW_LEN, R).sum(axis=1)[None]


def _cls_body(r0_ref, r1_ref, r2_ref, w0_ref, w1_ref, w2_ref, b_ref, y_ref):
    y = jnp.dot(r0_ref[...], w0_ref[...], preferred_element_type=jnp.float32)
    y += jnp.dot(r1_ref[...], w1_ref[...], preferred_element_type=jnp.float32)
    y += jnp.dot(r2_ref[...], w2_ref[...], preferred_element_type=jnp.float32)
    y_ref[...] = y + b_ref[...]


def kernel(feats, edge_index, W_seq, b_seq, gin_W, gin_b, lin_W, lin_b, bn_g, bn_b, cls_W, cls_b):
    f32 = jnp.float32
    src = edge_index[0].astype(jnp.int32)
    dst = edge_index[1].astype(jnp.int32)
    src2 = src.reshape(EROWS, CHUNK)
    dst2 = dst.reshape(EROWS, CHUNK)
    zeros32 = jnp.zeros((Z32, HW), f32)

    h = pl.pallas_call(
        _seed_body,
        grid=(GRID,),
        in_specs=[
            pl.BlockSpec((BLK, 1), lambda i: (i, 0)),
            pl.BlockSpec((1, R), lambda i: (0, 0)),
            pl.BlockSpec((1, R), lambda i: (0, 0)),
        ],
        out_specs=pl.BlockSpec((BLK, R), lambda i: (i, 0)),
        out_shape=jax.ShapeDtypeStruct((N, R), f32),
    )(feats.reshape(N, 1), W_seq, b_seq.reshape(1, R))

    ros = []
    for i in range(0, ORDER):
        agg = _segsum(h.reshape(2 * N, HW), src2, dst2, zeros32).reshape(2, N, HW)

        z, s, q = pl.pallas_call(
            _pass1_body,
            grid=(GRID,),
            in_specs=[
                pl.BlockSpec((BLK, R), lambda i: (i, 0)),
                pl.BlockSpec((2, BLK, HW), lambda i: (0, i, 0)),
                pl.BlockSpec((R, R), lambda i: (0, 0)),
                pl.BlockSpec((1, R), lambda i: (0, 0)),
                pl.BlockSpec((R, R), lambda i: (0, 0)),
                pl.BlockSpec((1, R), lambda i: (0, 0)),
            ],
            out_specs=[
                pl.BlockSpec((BLK, R), lambda i: (i, 0)),
                pl.BlockSpec((1, R), lambda i: (0, 0)),
                pl.BlockSpec((1, R), lambda i: (0, 0)),
            ],
            out_shape=[
                jax.ShapeDtypeStruct((N, R), f32),
                jax.ShapeDtypeStruct((1, R), f32),
                jax.ShapeDtypeStruct((1, R), f32),
            ],
        )(h, agg, gin_W[i], gin_b[i].reshape(1, R), lin_W[i], lin_b[i].reshape(1, R))

        h, ro = pl.pallas_call(
            _pass2_body,
            grid=(GRID,),
            in_specs=[
                pl.BlockSpec((BLK, R), lambda i: (i, 0)),
                pl.BlockSpec((1, R), lambda i: (0, 0)),
                pl.BlockSpec((1, R), lambda i: (0, 0)),
                pl.BlockSpec((1, R), lambda i: (0, 0)),
                pl.BlockSpec((1, R), lambda i: (0, 0)),
            ],
            out_specs=[
                pl.BlockSpec((BLK, R), lambda i: (i, 0)),
                pl.BlockSpec((1, GROUPS, R), lambda i: (i, 0, 0)),
            ],
            out_shape=[
                jax.ShapeDtypeStruct((N, R), f32),
                jax.ShapeDtypeStruct((GRID, GROUPS, R), f32),
            ],
        )(z, s, q, bn_g[i].reshape(1, R), bn_b[i].reshape(1, R))
        ros.append(ro.reshape(BS, R))

    wp = jnp.pad(cls_W, ((0, 0), (0, 128 - C)))
    bp = jnp.pad(cls_b, (0, 128 - C)).reshape(1, 128)
    y = pl.pallas_call(
        _cls_body,
        out_shape=jax.ShapeDtypeStruct((BS, 128), f32),
    )(ros[0], ros[1], ros[2], wp[0:R], wp[R:2 * R], wp[2 * R:3 * R], bp)
    return y[:, :C]

# --- scband reference (transcript-rebuilt; emitter-appended) ---
"""Pipeline reference for scband-dapp-10213432230141 (READ-ONLY COPY).

The authoritative reference and input builder live on the scoring server;
editing this copy changes nothing except your own understanding.
"""

import jax, jax.numpy as jnp
import numpy as np

N = 50000
E = 800000
R = 64
ORDER = 3
FLOW_LEN = 100
BS = N // FLOW_LEN
C = 12


def setup_inputs(seed: int = 0) -> dict:
    key = jax.random.key(seed)
    ks = [jax.random.fold_in(key, i) for i in range(16)]
    feats = jax.random.normal(ks[0], (N,), dtype=jnp.float32)
    edge_index = jax.random.randint(ks[1], (2, E), 0, N, dtype=jnp.int64)
    W_seq = jax.random.normal(ks[2], (1, R), dtype=jnp.float32) * 0.1
    b_seq = jnp.zeros((R,), dtype=jnp.float32)
    gin_W = jax.random.normal(ks[3], (ORDER, R, R), dtype=jnp.float32) * (1.0 / np.sqrt(R))
    gin_b = jnp.zeros((ORDER, R), dtype=jnp.float32)
    lin_W = jax.random.normal(ks[4], (ORDER, R, R), dtype=jnp.float32) * (1.0 / np.sqrt(R))
    lin_b = jnp.zeros((ORDER, R), dtype=jnp.float32)
    bn_g = jnp.ones((ORDER, R), dtype=jnp.float32)
    bn_b = jnp.zeros((ORDER, R), dtype=jnp.float32)
    cls_W = jax.random.normal(ks[5], (R * ORDER, C), dtype=jnp.float32) * (1.0 / np.sqrt(R * ORDER))
    cls_b = jnp.zeros((C,), dtype=jnp.float32)
    return {
        "feats": feats, "edge_index": edge_index,
        "W_seq": W_seq, "b_seq": b_seq,
        "gin_W": gin_W, "gin_b": gin_b,
        "lin_W": lin_W, "lin_b": lin_b,
        "bn_g": bn_g, "bn_b": bn_b,
        "cls_W": cls_W, "cls_b": cls_b,
    }


def reference(feats, edge_index, W_seq, b_seq, gin_W, gin_b, lin_W, lin_b, bn_g, bn_b, cls_W, cls_b):
    n = feats.shape[0]
    src = edge_index[0]
    dst = edge_index[1]
    h = feats.reshape(-1, 1) @ W_seq + b_seq  # seq_encoder
    readouts = []
    for i in range(ORDER):
        # DGL GINConv, aggregator='sum', eps=0: apply_func((1+eps)*h + sum_{j in N(i)} h_j)
        agg = jax.ops.segment_sum(h[src], dst, num_segments=n)
        h = h + agg
        h = h @ gin_W[i] + gin_b[i]
        # extra Linear
        h = h @ lin_W[i] + lin_b[i]
        # BatchNorm1d (training-mode batch statistics)
        mean = jnp.mean(h, axis=0)
        var = jnp.var(h, axis=0)
        h = (h - mean) / jnp.sqrt(var + 1e-5) * bn_g[i] + bn_b[i]
        # dropout is identity in eval / deterministic benchmark
        h = jax.nn.relu(h)
        ro = h.reshape(BS, FLOW_LEN, R).sum(axis=1)
        readouts.append(ro)
    all_ro = jnp.concatenate(readouts, axis=-1)
    y = all_ro @ cls_W + cls_b
    return y

if __name__ == "__main__":
    import jax
    _d = setup_inputs()
    print(jax.jit(kernel)(*tuple(_d.values())))

</pallas_src>

<mosaic_0001>
#map = affine_map<(d0, d1) -> (0, 0)>
module attributes {stable_mosaic.version = 14 : i64} {
  func.func @_segsum_body(%arg0: i32, %arg1: i32, %arg2: memref<100000x32xf32, #tpu.memory_space<hbm>>, %arg3: memref<6250x128xi32, #tpu.memory_space<hbm>>, %arg4: memref<6250x128xi32, #tpu.memory_space<hbm>>, %arg5: memref<3128x32xf32, #tpu.memory_space<hbm>>, %arg6: memref<100000x32xf32, #tpu.memory_space<hbm>>, %arg7: memref<128xi32, #tpu.memory_space<vmem>>, %arg8: memref<128xi32, #tpu.memory_space<vmem>>, %arg9: memref<128xi32, #tpu.memory_space<vmem>>, %arg10: memref<128xi32, #tpu.memory_space<vmem>>, %arg11: memref<128xi32, #tpu.memory_space<vmem>>, %arg12: memref<128xi32, #tpu.memory_space<vmem>>, %arg13: memref<128x32xf32, #tpu.memory_space<vmem>>, %arg14: memref<128x32xf32, #tpu.memory_space<vmem>>, %arg15: memref<50048x32xf32, #tpu.memory_space<vmem_shared>>, %arg16: memref<!tpu.dma_semaphore, #tpu.memory_space<semaphore_mem>>, %arg17: memref<!tpu.dma_semaphore, #tpu.memory_space<semaphore_mem>>, %arg18: memref<!tpu.dma_semaphore, #tpu.memory_space<semaphore_mem>>, %arg19: memref<!tpu.dma_semaphore, #tpu.memory_space<semaphore_mem>>) attributes {dimension_semantics = [#tpu.dimension_semantics<core_parallel>, #tpu.dimension_semantics<subcore_parallel>], iteration_bounds = array<i64: 2, 16>, scalar_prefetch = 0 : i64, scratch_operands = 13 : i64, tpu.core_type = #tpu.core_type<sc_vector_subcore>, window_params = [{transform_indices = #map}, {transform_indices = #map}, {transform_indices = #map}, {transform_indices = #map}, {transform_indices = #map}]} {
    %mul3A = arith.constant 3128 : i32
    %mul3A_0 = arith.muli %arg1, %mul3A : i32
    "tpu.region"() ({
      %run_scoped3A = tpu.sem_alloc : memref<!tpu.dma_semaphore, #tpu.memory_space<semaphore_mem>>
      %dma_start3A_127 = arith.constant 0 : i32
      %dma_start3A_128 = tpu.memref_slice %arg15[%mul3A_0, %dma_start3A_127] : memref<50048x32xf32, #tpu.memory_space<vmem_shared>> -> memref<3128x32xf32, #tpu.memory_space<vmem_shared>>
      tpu.enqueue_dma source(%arg5 : memref<3128x32xf32, #tpu.memory_space<hbm>>) target(%dma_start3A_128 : memref<3128x32xf32, #tpu.memory_space<vmem_shared>>) target_semaphore(%run_scoped3A : memref<!tpu.dma_semaphore, #tpu.memory_space<semaphore_mem>>)
      %dma_wait3A = arith.constant 0 : i32
      %dma_wait3A_129 = tpu.memref_slice %arg15[%mul3A_0, %dma_wait3A] : memref<50048x32xf32, #tpu.memory_space<vmem_shared>> -> memref<3128x32xf32, #tpu.memory_space<vmem_shared>>
      tpu.wait_dma2 semaphore(%run_scoped3A : memref<!tpu.dma_semaphore, #tpu.memory_space<semaphore_mem>>) src(%arg5 : memref<3128x32xf32, #tpu.memory_space<hbm>>) dst(%dma_wait3A_129 : memref<3128x32xf32, #tpu.memory_space<vmem_shared>>)
      tpu.yield
    }) : () -> ()
    %barrier3A = arith.constant 0 : index
    tpu.barrier barrier_id(%barrier3A)
    %mul3A_1 = arith.constant 390 : i32
    %mul3A_2 = arith.muli %arg1, %mul3A_1 : i32
    %lt3A = arith.constant 10 : i32
    %lt3A_3 = arith.cmpi slt, %arg1, %lt3A : i32
    %jit3A = arith.constant 391 : i32
    %jit3A_4 = arith.constant 390 : i32
    %select_n3A = arith.select %lt3A_3, %jit3A, %jit3A_4 : i32
    "tpu.region"() ({
      %run_scoped3A = tpu.sem_alloc : memref<!tpu.dma_semaphore, #tpu.memory_space<semaphore_mem>>
      %dma_start3A_127 = arith.constant 0 : i32
      %dma_start3A_128 = tpu.memref_slice %arg3[%mul3A_2, %dma_start3A_127] : memref<6250x128xi32, #tpu.memory_space<hbm>> -> memref<1x128xi32, #tpu.memory_space<hbm>>
      %dma_start3A_129 = tpu.memref_squeeze %dma_start3A_128 : memref<1x128xi32, #tpu.memory_space<hbm>> -> memref<128xi32, #tpu.memory_space<hbm>>
      %dma_start3A_130 = arith.constant 0 : i32
      %dma_start3A_131 = tpu.memref_slice %arg3[%mul3A_2, %dma_start3A_130] : memref<6250x128xi32, #tpu.memory_space<hbm>> -> memref<1x128xi32, #tpu.memory_space<hbm>>
      %dma_start3A_132 = tpu.memref_squeeze %dma_start3A_131 : memref<1x128xi32, #tpu.memory_space<hbm>> -> memref<128xi32, #tpu.memory_space<hbm>>
      tpu.enqueue_dma source(%dma_start3A_132 : memref<128xi32, #tpu.memory_space<hbm>>) target(%arg7 : memref<128xi32, #tpu.memory_space<vmem>>) target_semaphore(%run_scoped3A : memref<!tpu.dma_semaphore, #tpu.memory_space<semaphore_mem>>)
      %dma_wait3A = arith.constant 0 : i32
      %dma_wait3A_133 = tpu.memref_slice %arg3[%mul3A_2, %dma_wait3A] : memref<6250x128xi32, #tpu.memory_space<hbm>> -> memref<1x128xi32, #tpu.memory_space<hbm>>
      %dma_wait3A_134 = tpu.memref_squeeze %dma_wait3A_133 : memref<1x128xi32, #tpu.memory_space<hbm>> -> memref<128xi32, #tpu.memory_space<hbm>>
      %dma_wait3A_135 = arith.constant 0 : i32
      %dma_wait3A_136 = tpu.memref_slice %arg3[%mul3A_2, %dma_wait3A_135] : memref<6250x128xi32, #tpu.memory_space<hbm>> -> memref<1x128xi32, #tpu.memory_space<hbm>>
      %dma_wait3A_137 = tpu.memref_squeeze %dma_wait3A_136 : memref<1x128xi32, #tpu.memory_space<hbm>> -> memref<128xi32, #tpu.memory_space<hbm>>
      tpu.wait_dma2 semaphore(%run_scoped3A : memref<!tpu.dma_semaphore, #tpu.memory_space<semaphore_mem>>) src(%dma_wait3A_137 : memref<128xi32, #tpu.memory_space<hbm>>) dst(%arg7 : memref<128xi32, #tpu.memory_space<vmem>>)
      tpu.yield
    }) : () -> ()
    "tpu.region"() ({
      %run_scoped3A = tpu.sem_alloc : memref<!tpu.dma_semaphore, #tpu.memory_space<semaphore_mem>>
      %dma_start3A_127 = arith.constant 0 : i32
      %dma_start3A_128 = tpu.memref_slice %arg4[%mul3A_2, %dma_start3A_127] : memref<6250x128xi32, #tpu.memory_space<hbm>> -> memref<1x128xi32, #tpu.memory_space<hbm>>
      %dma_start3A_129 = tpu.memref_squeeze %dma_start3A_128 : memref<1x128xi32, #tpu.memory_space<hbm>> -> memref<128xi32, #tpu.memory_space<hbm>>
      %dma_start3A_130 = arith.constant 0 : i32
      %dma_start3A_131 = tpu.memref_slice %arg4[%mul3A_2, %dma_start3A_130] : memref<6250x128xi32, #tpu.memory_space<hbm>> -> memref<1x128xi32, #tpu.memory_space<hbm>>
      %dma_start3A_132 = tpu.memref_squeeze %dma_start3A_131 : memref<1x128xi32, #tpu.memory_space<hbm>> -> memref<128xi32, #tpu.memory_space<hbm>>
      tpu.enqueue_dma source(%dma_start3A_132 : memref<128xi32, #tpu.memory_space<hbm>>) target(%arg9 : memref<128xi32, #tpu.memory_space<vmem>>) target_semaphore(%run_scoped3A : memref<!tpu.dma_semaphore, #tpu.memory_space<semaphore_mem>>)
      %dma_wait3A = arith.constant 0 : i32
      %dma_wait3A_133 = tpu.memref_slice %arg4[%mul3A_2, %dma_wait3A] : memref<6250x128xi32, #tpu.memory_space<hbm>> -> memref<1x128xi32, #tpu.memory_space<hbm>>
      %dma_wait3A_134 = tpu.memref_squeeze %dma_wait3A_133 : memref<1x128xi32, #tpu.memory_space<hbm>> -> memref<128xi32, #tpu.memory_space<hbm>>
      %dma_wait3A_135 = arith.constant 0 : i32
      %dma_wait3A_136 = tpu.memref_slice %arg4[%mul3A_2, %dma_wait3A_135] : memref<6250x128xi32, #tpu.memory_space<hbm>> -> memref<1x128xi32, #tpu.memory_space<hbm>>
      %dma_wait3A_137 = tpu.memref_squeeze %dma_wait3A_136 : memref<1x128xi32, #tpu.memory_space<hbm>> -> memref<128xi32, #tpu.memory_space<hbm>>
      tpu.wait_dma2 semaphore(%run_scoped3A : memref<!tpu.dma_semaphore, #tpu.memory_space<semaphore_mem>>) src(%dma_wait3A_137 : memref<128xi32, #tpu.memory_space<hbm>>) dst(%arg9 : memref<128xi32, #tpu.memory_space<vmem>>)
      tpu.yield
    }) : () -> ()
    %get3A = arith.constant 0 : index
    %get3A_5 = tpu.vector_load %arg7[%get3A] {strides = array<i32>} : memref<128xi32, #tpu.memory_space<vmem>>, vector<16xi32>,
    %get3A_6 = vector.shape_cast %get3A_5 : vector<16xi32> to vector<16xi32>
    %add3A = arith.addi %get3A_6, %get3A_6 : vector<16xi32>
    %add3A_7 = vector.broadcast %arg0 : i32 to vector<16xi32>
    %add3A_8 = arith.addi %add3A, %add3A_7 : vector<16xi32>
    %swap3A = arith.constant 0 : index
    %swap3A_9 = tpu.vector_load %arg11[%swap3A] {strides = array<i32>} : memref<128xi32, #tpu.memory_space<vmem>>, vector<16xi32>,
    %swap3A_10 = vector.shape_cast %swap3A_9 : vector<16xi32> to vector<16xi32>
    %swap3A_11 = vector.shape_cast %add3A_8 : vector<16xi32> to vector<16xi32>
    tpu.vector_store %arg11[%swap3A], %swap3A_11 {strides = array<i32>} : memref<128xi32, #tpu.memory_space<vmem>>, vector<16xi32>,
    %get3A_12 = arith.constant 16 : index
    %get3A_13 = tpu.vector_load %arg7[%get3A_12] {strides = array<i32>} : memref<128xi32, #tpu.memory_space<vmem>>, vector<16xi32>,
    %get3A_14 = vector.shape_cast %get3A_13 : vector<16xi32> to vector<16xi32>
    %add3A_15 = arith.addi %get3A_14, %get3A_14 : vector<16xi32>
    %add3A_16 = vector.broadcast %arg0 : i32 to vector<16xi32>
    %add3A_17 = arith.addi %add3A_15, %add3A_16 : vector<16xi32>
    %swap3A_18 = arith.constant 16 : index
    %swap3A_19 = tpu.vector_load %arg11[%swap3A_18] {strides = array<i32>} : memref<128xi32, #tpu.memory_space<vmem>>, vector<16xi32>,
    %swap3A_20 = vector.shape_cast %swap3A_19 : vector<16xi32> to vector<16xi32>
    %swap3A_21 = vector.shape_cast %add3A_17 : vector<16xi32> to vector<16xi32>
    tpu.vector_store %arg11[%swap3A_18], %swap3A_21 {strides = array<i32>} : memref<128xi32, #tpu.memory_space<vmem>>, vector<16xi32>,
    %get3A_22 = arith.constant 32 : index
    %get3A_23 = tpu.vector_load %arg7[%get3A_22] {strides = array<i32>} : memref<128xi32, #tpu.memory_space<vmem>>, vector<16xi32>,
    %get3A_24 = vector.shape_cast %get3A_23 : vector<16xi32> to vector<16xi32>
    %add3A_25 = arith.addi %get3A_24, %get3A_24 : vector<16xi32>
    %add3A_26 = vector.broadcast %arg0 : i32 to vector<16xi32>
    %add3A_27 = arith.addi %add3A_25, %add3A_26 : vector<16xi32>
    %swap3A_28 = arith.constant 32 : index
    %swap3A_29 = tpu.vector_load %arg11[%swap3A_28] {strides = array<i32>} : memref<128xi32, #tpu.memory_space<vmem>>, vector<16xi32>,
    %swap3A_30 = vector.shape_cast %swap3A_29 : vector<16xi32> to vector<16xi32>
    %swap3A_31 = vector.shape_cast %add3A_27 : vector<16xi32> to vector<16xi32>
    tpu.vector_store %arg11[%swap3A_28], %swap3A_31 {strides = array<i32>} : memref<128xi32, #tpu.memory_space<vmem>>, vector<16xi32>,
    %get3A_32 = arith.constant 48 : index
    %get3A_33 = tpu.vector_load %arg7[%get3A_32] {strides = array<i32>} : memref<128xi32, #tpu.memory_space<vmem>>, vector<16xi32>,
    %get3A_34 = vector.shape_cast %get3A_33 : vector<16xi32> to vector<16xi32>
    %add3A_35 = arith.addi %get3A_34, %get3A_34 : vector<16xi32>
    %add3A_36 = vector.broadcast %arg0 : i32 to vector<16xi32>
    %add3A_37 = arith.addi %add3A_35, %add3A_36 : vector<16xi32>
    %swap3A_38 = arith.constant 48 : index
    %swap3A_39 = tpu.vector_load %arg11[%swap3A_38] {strides = array<i32>} : memref<128xi32, #tpu.memory_space<vmem>>, vector<16xi32>,
    %swap3A_40 = vector.shape_cast %swap3A_39 : vector<16xi32> to vector<16xi32>
    %swap3A_41 = vector.shape_cast %add3A_37 : vector<16xi32> to vector<16xi32>
    tpu.vector_store %arg11[%swap3A_38], %swap3A_41 {strides = array<i32>} : memref<128xi32, #tpu.memory_space<vmem>>, vector<16xi32>,
    %get3A_42 = arith.constant 64 : index
    %get3A_43 = tpu.vector_load %arg7[%get3A_42] {strides = array<i32>} : memref<128xi32, #tpu.memory_space<vmem>>, vector<16xi32>,
    %get3A_44 = vector.shape_cast %get3A_43 : vector<16xi32> to vector<16xi32>
    %add3A_45 = arith.addi %get3A_44, %get3A_44 : vector<16xi32>
    %add3A_46 = vector.broadcast %arg0 : i32 to vector<16xi32>
    %add3A_47 = arith.addi %add3A_45, %add3A_46 : vector<16xi32>
    %swap3A_48 = arith.constant 64 : index
    %swap3A_49 = tpu.vector_load %arg11[%swap3A_48] {strides = array<i32>} : memref<128xi32, #tpu.memory_space<vmem>>, vector<16xi32>,
    %swap3A_50 = vector.shape_cast %swap3A_49 : vector<16xi32> to vector<16xi32>
    %swap3A_51 = vector.shape_cast %add3A_47 : vector<16xi32> to vector<16xi32>
    tpu.vector_store %arg11[%swap3A_48], %swap3A_51 {strides = array<i32>} : memref<128xi32, #tpu.memory_space<vmem>>, vector<16xi32>,
    %get3A_52 = arith.constant 80 : index
    %get3A_53 = tpu.vector_load %arg7[%get3A_52] {strides = array<i32>} : memref<128xi32, #tpu.memory_space<vmem>>, vector<16xi32>,
    %get3A_54 = vector.shape_cast %get3A_53 : vector<16xi32> to vector<16xi32>
    %add3A_55 = arith.addi %get3A_54, %get3A_54 : vector<16xi32>
    %add3A_56 = vector.broadcast %arg0 : i32 to vector<16xi32>
    %add3A_57 = arith.addi %add3A_55, %add3A_56 : vector<16xi32>
    %swap3A_58 = arith.constant 80 : index
    %swap3A_59 = tpu.vector_load %arg11[%swap3A_58] {strides = array<i32>} : memref<128xi32, #tpu.memory_space<vmem>>, vector<16xi32>,
    %swap3A_60 = vector.shape_cast %swap3A_59 : vector<16xi32> to vector<16xi32>
    %swap3A_61 = vector.shape_cast %add3A_57 : vector<16xi32> to vector<16xi32>
    tpu.vector_store %arg11[%swap3A_58], %swap3A_61 {strides = array<i32>} : memref<128xi32, #tpu.memory_space<vmem>>, vector<16xi32>,
    %get3A_62 = arith.constant 96 : index
    %get3A_63 = tpu.vector_load %arg7[%get3A_62] {strides = array<i32>} : memref<128xi32, #tpu.memory_space<vmem>>, vector<16xi32>,
    %get3A_64 = vector.shape_cast %get3A_63 : vector<16xi32> to vector<16xi32>
    %add3A_65 = arith.addi %get3A_64, %get3A_64 : vector<16xi32>
    %add3A_66 = vector.broadcast %arg0 : i32 to vector<16xi32>
    %add3A_67 = arith.addi %add3A_65, %add3A_66 : vector<16xi32>
    %swap3A_68 = arith.constant 96 : index
    %swap3A_69 = tpu.vector_load %arg11[%swap3A_68] {strides = array<i32>} : memref<128xi32, #tpu.memory_space<vmem>>, vector<16xi32>,
    %swap3A_70 = vector.shape_cast %swap3A_69 : vector<16xi32> to vector<16xi32>
    %swap3A_71 = vector.shape_cast %add3A_67 : vector<16xi32> to vector<16xi32>
    tpu.vector_store %arg11[%swap3A_68], %swap3A_71 {strides = array<i32>} : memref<128xi32, #tpu.memory_space<vmem>>, vector<16xi32>,
    %get3A_72 = arith.constant 112 : index
    %get3A_73 = tpu.vector_load %arg7[%get3A_72] {strides = array<i32>} : memref<128xi32, #tpu.memory_space<vmem>>, vector<16xi32>,
    %get3A_74 = vector.shape_cast %get3A_73 : vector<16xi32> to vector<16xi32>
    %add3A_75 = arith.addi %get3A_74, %get3A_74 : vector<16xi32>
    %add3A_76 = vector.broadcast %arg0 : i32 to vector<16xi32>
    %add3A_77 = arith.addi %add3A_75, %add3A_76 : vector<16xi32>
    %swap3A_78 = arith.constant 112 : index
    %swap3A_79 = tpu.vector_load %arg11[%swap3A_78] {strides = array<i32>} : memref<128xi32, #tpu.memory_space<vmem>>, vector<16xi32>,
    %swap3A_80 = vector.shape_cast %swap3A_79 : vector<16xi32> to vector<16xi32>
    %swap3A_81 = vector.shape_cast %add3A_77 : vector<16xi32> to vector<16xi32>
    tpu.vector_store %arg11[%swap3A_78], %swap3A_81 {strides = array<i32>} : memref<128xi32, #tpu.memory_space<vmem>>, vector<16xi32>,
    %dma_start3A = arith.constant 0 : i32
    %dma_start3A_82 = arith.constant 0 : i32
    %dma_start3A_83 = tpu.memref_slice %arg2[%dma_start3A, %dma_start3A_82] : memref<100000x32xf32, #tpu.memory_space<hbm>> -> memref<100000x32xf32, #tpu.memory_space<hbm>>
    tpu.enqueue_indirect_dma source(%dma_start3A_83 : memref<100000x32xf32, #tpu.memory_space<hbm>>) target(%arg13 : memref<128x32xf32, #tpu.memory_space<vmem>>) offsets(%arg11 : memref<128xi32, #tpu.memory_space<vmem>>) semaphore(%arg16 : memref<!tpu.dma_semaphore, #tpu.memory_space<semaphore_mem>>)
    %add3A_84 = arith.constant 1 : i32
    %add3A_85 = arith.addi %mul3A_2, %add3A_84 : i32
    %add3A_86 = arith.constant 6240 : i32
    %add3A_87 = arith.addi %add3A_86, %arg1 : i32
    %jit3A_88 = arith.constant true
    %select_n3A_89 = arith.select %jit3A_88, %add3A_85, %add3A_87 : i32
    %dma_start3A_90 = arith.constant 0 : i32
    %dma_start3A_91 = tpu.memref_slice %arg3[%select_n3A_89, %dma_start3A_90] : memref<6250x128xi32, #tpu.memory_space<hbm>> -> memref<1x128xi32, #tpu.memory_space<hbm>>
    %dma_start3A_92 = tpu.memref_squeeze %dma_start3A_91 : memref<1x128xi32, #tpu.memory_space<hbm>> -> memref<128xi32, #tpu.memory_space<hbm>>
    %dma_start3A_93 = arith.constant 0 : i32
    %dma_start3A_94 = tpu.memref_slice %arg3[%select_n3A_89, %dma_start3A_93] : memref<6250x128xi32, #tpu.memory_space<hbm>> -> memref<1x128xi32, #tpu.memory_space<hbm>>
    %dma_start3A_95 = tpu.memref_squeeze %dma_start3A_94 : memref<1x128xi32, #tpu.memory_space<hbm>> -> memref<128xi32, #tpu.memory_space<hbm>>
    tpu.enqueue_dma source(%dma_start3A_95 : memref<128xi32, #tpu.memory_space<hbm>>) target(%arg8 : memref<128xi32, #tpu.memory_space<vmem>>) target_semaphore(%arg19 : memref<!tpu.dma_semaphore, #tpu.memory_space<semaphore_mem>>)
    %add3A_96 = arith.constant 1 : i32
    %add3A_97 = arith.addi %mul3A_2, %add3A_96 : i32
    %add3A_98 = arith.constant 6240 : i32
    %add3A_99 = arith.addi %add3A_98, %arg1 : i32
    %jit3A_100 = arith.constant true
    %select_n3A_101 = arith.select %jit3A_100, %add3A_97, %add3A_99 : i32
    %dma_start3A_102 = arith.constant 0 : i32
    %dma_start3A_103 = tpu.memref_slice %arg4[%select_n3A_101, %dma_start3A_102] : memref<6250x128xi32, #tpu.memory_space<hbm>> -> memref<1x128xi32, #tpu.memory_space<hbm>>
    %dma_start3A_104 = tpu.memref_squeeze %dma_start3A_103 : memref<1x128xi32, #tpu.memory_space<hbm>> -> memref<128xi32, #tpu.memory_space<hbm>>
    %dma_start3A_105 = arith.constant 0 : i32
    %dma_start3A_106 = tpu.memref_slice %arg4[%select_n3A_101, %dma_start3A_105] : memref<6250x128xi32, #tpu.memory_space<hbm>> -> memref<1x128xi32, #tpu.memory_space<hbm>>
    %dma_start3A_107 = tpu.memref_squeeze %dma_start3A_106 : memref<1x128xi32, #tpu.memory_space<hbm>> -> memref<128xi32, #tpu.memory_space<hbm>>
    tpu.enqueue_dma source(%dma_start3A_107 : memref<128xi32, #tpu.memory_space<hbm>>) target(%arg10 : memref<128xi32, #tpu.memory_space<vmem>>) target_semaphore(%arg19 : memref<!tpu.dma_semaphore, #tpu.memory_space<semaphore_mem>>)
    %scan3A = arith.constant 0 : i32
    %scan3A_108 = arith.constant 0 : i32
    %scan3A_109 = arith.constant 195 : i32
    %scan3A_110 = arith.addi %scan3A_108, %scan3A_109 : i32
    %scan3A_111 = arith.constant 1 : i32
    scf.for %scan3A_127 = %scan3A_108 to %scan3A_110 step %scan3A_111  : i32 {
      %mul3A_128 = arith.constant 2 : i32
      %mul3A_129 = arith.muli %scan3A_127, %mul3A_128 : i32
      %add3A_130 = arith.constant 1 : i32
      %add3A_131 = arith.addi %mul3A_129, %add3A_130 : i32
      %lt3A_132 = arith.constant 390 : i32
      %lt3A_133 = arith.cmpi slt, %add3A_131, %lt3A_132 : i32
      %add3A_134 = arith.addi %mul3A_2, %add3A_131 : i32
      %add3A_135 = arith.constant 6240 : i32
      %add3A_136 = arith.addi %add3A_135, %arg1 : i32
      %select_n3A_137 = arith.select %lt3A_133, %add3A_134, %add3A_136 : i32
      %add3A_138 = arith.constant 1 : i32
      %add3A_139 = arith.addi %mul3A_129, %add3A_138 : i32
      %lt3A_140 = arith.cmpi slt, %add3A_139, %select_n3A : i32
      %convert_element_type3A_141 = arith.extui %lt3A_140 : i1 to i32
      %cond3A_142 = arith.constant 0 : i32
      %cond3A_143 = arith.cmpi ne, %convert_element_type3A_141, %cond3A_142 : i32
      scf.if %cond3A_143 {
        %dma_wait3A_189 = arith.constant 0 : i32
        %dma_wait3A_190 = tpu.memref_slice %arg3[%select_n3A_137, %dma_wait3A_189] : memref<6250x128xi32, #tpu.memory_space<hbm>> -> memref<1x128xi32, #tpu.memory_space<hbm>>
        %dma_wait3A_191 = tpu.memref_squeeze %dma_wait3A_190 : memref<1x128xi32, #tpu.memory_space<hbm>> -> memref<128xi32, #tpu.memory_space<hbm>>
        %dma_wait3A_192 = arith.constant 0 : i32
        %dma_wait3A_193 = tpu.memref_slice %arg3[%select_n3A_137, %dma_wait3A_192] : memref<6250x128xi32, #tpu.memory_space<hbm>> -> memref<1x128xi32, #tpu.memory_space<hbm>>
        %dma_wait3A_194 = tpu.memref_squeeze %dma_wait3A_193 : memref<1x128xi32, #tpu.memory_space<hbm>> -> memref<128xi32, #tpu.memory_space<hbm>>
        tpu.wait_dma2 semaphore(%arg19 : memref<!tpu.dma_semaphore, #tpu.memory_space<semaphore_mem>>) src(%dma_wait3A_194 : memref<128xi32, #tpu.memory_space<hbm>>) dst(%arg8 : memref<128xi32, #tpu.memory_space<vmem>>)
        %dma_wait3A_195 = arith.constant 0 : i32
        %dma_wait3A_196 = tpu.memref_slice %arg4[%select_n3A_137, %dma_wait3A_195] : memref<6250x128xi32, #tpu.memory_space<hbm>> -> memref<1x128xi32, #tpu.memory_space<hbm>>
        %dma_wait3A_197 = tpu.memref_squeeze %dma_wait3A_196 : memref<1x128xi32, #tpu.memory_space<hbm>> -> memref<128xi32, #tpu.memory_space<hbm>>
        %dma_wait3A_198 = arith.constant 0 : i32
        %dma_wait3A_199 = tpu.memref_slice %arg4[%select_n3A_137, %dma_wait3A_198] : memref<6250x128xi32, #tpu.memory_space<hbm>> -> memref<1x128xi32, #tpu.memory_space<hbm>>
        %dma_wait3A_200 = tpu.memref_squeeze %dma_wait3A_199 : memref<1x128xi32, #tpu.memory_space<hbm>> -> memref<128xi32, #tpu.memory_space<hbm>>
        tpu.wait_dma2 semaphore(%arg19 : memref<!tpu.dma_semaphore, #tpu.memory_space<semaphore_mem>>) src(%dma_wait3A_200 : memref<128xi32, #tpu.memory_space<hbm>>) dst(%arg10 : memref<128xi32, #tpu.memory_space<vmem>>)
        %get3A_201 = arith.constant 0 : index
        %get3A_202 = tpu.vector_load %arg8[%get3A_201] {strides = array<i32>} : memref<128xi32, #tpu.memory_space<vmem>>, vector<16xi32>,
        %get3A_203 = vector.shape_cast %get3A_202 : vector<16xi32> to vector<16xi32>
        %add3A_204 = arith.addi %get3A_203, %get3A_203 : vector<16xi32>
        %add3A_205 = vector.broadcast %arg0 : i32 to vector<16xi32>
        %add3A_206 = arith.addi %add3A_204, %add3A_205 : vector<16xi32>
        %swap3A_207 = arith.constant 0 : index
        %swap3A_208 = tpu.vector_load %arg12[%swap3A_207] {strides = array<i32>} : memref<128xi32, #tpu.memory_space<vmem>>, vector<16xi32>,
        %swap3A_209 = vector.shape_cast %swap3A_208 : vector<16xi32> to vector<16xi32>
        %swap3A_210 = vector.shape_cast %add3A_206 : vector<16xi32> to vector<16xi32>
        tpu.vector_store %arg12[%swap3A_207], %swap3A_210 {strides = array<i32>} : memref<128xi32, #tpu.memory_space<vmem>>, vector<16xi32>,
        %get3A_211 = arith.constant 16 : index
        %get3A_212 = tpu.vector_load %arg8[%get3A_211] {strides = array<i32>} : memref<128xi32, #tpu.memory_space<vmem>>, vector<16xi32>,
        %get3A_213 = vector.shape_cast %get3A_212 : vector<16xi32> to vector<16xi32>
        %add3A_214 = arith.addi %get3A_213, %get3A_213 : vector<16xi32>
        %add3A_215 = vector.broadcast %arg0 : i32 to vector<16xi32>
        %add3A_216 = arith.addi %add3A_214, %add3A_215 : vector<16xi32>
        %swap3A_217 = arith.constant 16 : index
        %swap3A_218 = tpu.vector_load %arg12[%swap3A_217] {strides = array<i32>} : memref<128xi32, #tpu.memory_space<vmem>>, vector<16xi32>,
        %swap3A_219 = vector.shape_cast %swap3A_218 : vector<16xi32> to vector<16xi32>
        %swap3A_220 = vector.shape_cast %add3A_216 : vector<16xi32> to vector<16xi32>
        tpu.vector_store %arg12[%swap3A_217], %swap3A_220 {strides = array<i32>} : memref<128xi32, #tpu.memory_space<vmem>>, vector<16xi32>,
        %get3A_221 = arith.constant 32 : index
        %get3A_222 = tpu.vector_load %arg8[%get3A_221] {strides = array<i32>} : memref<128xi32, #tpu.memory_space<vmem>>, vector<16xi32>,
        %get3A_223 = vector.shape_cast %get3A_222 : vector<16xi32> to vector<16xi32>
        %add3A_224 = arith.addi %get3A_223, %get3A_223 : vector<16xi32>
        %add3A_225 = vector.broadcast %arg0 : i32 to vector<16xi32>
        %add3A_226 = arith.addi %add3A_224, %add3A_225 : vector<16xi32>
        %swap3A_227 = arith.constant 32 : index
        %swap3A_228 = tpu.vector_load %arg12[%swap3A_227] {strides = array<i32>} : memref<128xi32, #tpu.memory_space<vmem>>, vector<16xi32>,
        %swap3A_229 = vector.shape_cast %swap3A_228 : vector<16xi32> to vector<16xi32>
        %swap3A_230 = vector.shape_cast %add3A_226 : vector<16xi32> to vector<16xi32>
        tpu.vector_store %arg12[%swap3A_227], %swap3A_230 {strides = array<i32>} : memref<128xi32, #tpu.memory_space<vmem>>, vector<16xi32>,
        %get3A_231 = arith.constant 48 : index
        %get3A_232 = tpu.vector_load %arg8[%get3A_231] {strides = array<i32>} : memref<128xi32, #tpu.memory_space<vmem>>, vector<16xi32>,
        %get3A_233 = vector.shape_cast %get3A_232 : vector<16xi32> to vector<16xi32>
        %add3A_234 = arith.addi %get3A_233, %get3A_233 : vector<16xi32>
        %add3A_235 = vector.broadcast %arg0 : i32 to vector<16xi32>
        %add3A_236 = arith.addi %add3A_234, %add3A_235 : vector<16xi32>
        %swap3A_237 = arith.constant 48 : index
        %swap3A_238 = tpu.vector_load %arg12[%swap3A_237] {strides = array<i32>} : memref<128xi32, #tpu.memory_space<vmem>>, vector<16xi32>,
        %swap3A_239 = vector.shape_cast %swap3A_238 : vector<16xi32> to vector<16xi32>
        %swap3A_240 = vector.shape_cast %add3A_236 : vector<16xi32> to vector<16xi32>
        tpu.vector_store %arg12[%swap3A_237], %swap3A_240 {strides = array<i32>} : memref<128xi32, #tpu.memory_space<vmem>>, vector<16xi32>,
        %get3A_241 = arith.constant 64 : index
        %get3A_242 = tpu.vector_load %arg8[%get3A_241] {strides = array<i32>} : memref<128xi32, #tpu.memory_space<vmem>>, vector<16xi32>,
        %get3A_243 = vector.shape_cast %get3A_242 : vector<16xi32> to vector<16xi32>
        %add3A_244 = arith.addi %get3A_243, %get3A_243 : vector<16xi32>
        %add3A_245 = vector.broadcast %arg0 : i32 to vector<16xi32>
        %add3A_246 = arith.addi %add3A_244, %add3A_245 : vector<16xi32>
        %swap3A_247 = arith.constant 64 : index
        %swap3A_248 = tpu.vector_load %arg12[%swap3A_247] {strides = array<i32>} : memref<128xi32, #tpu.memory_space<vmem>>, vector<16xi32>,
        %swap3A_249 = vector.shape_cast %swap3A_248 : vector<16xi32> to vector<16xi32>
        %swap3A_250 = vector.shape_cast %add3A_246 : vector<16xi32> to vector<16xi32>
        tpu.vector_store %arg12[%swap3A_247], %swap3A_250 {strides = array<i32>} : memref<128xi32, #tpu.memory_space<vmem>>, vector<16xi32>,
        %get3A_251 = arith.constant 80 : index
        %get3A_252 = tpu.vector_load %arg8[%get3A_251] {strides = array<i32>} : memref<128xi32, #tpu.memory_space<vmem>>, vector<16xi32>,
        %get3A_253 = vector.shape_cast %get3A_252 : vector<16xi32> to vector<16xi32>
        %add3A_254 = arith.addi %get3A_253, %get3A_253 : vector<16xi32>
        %add3A_255 = vector.broadcast %arg0 : i32 to vector<16xi32>
        %add3A_256 = arith.addi %add3A_254, %add3A_255 : vector<16xi32>
        %swap3A_257 = arith.constant 80 : index
        %swap3A_258 = tpu.vector_load %arg12[%swap3A_257] {strides = array<i32>} : memref<128xi32, #tpu.memory_space<vmem>>, vector<16xi32>,
        %swap3A_259 = vector.shape_cast %swap3A_258 : vector<16xi32> to vector<16xi32>
        %swap3A_260 = vector.shape_cast %add3A_256 : vector<16xi32> to vector<16xi32>
        tpu.vector_store %arg12[%swap3A_257], %swap3A_260 {strides = array<i32>} : memref<128xi32, #tpu.memory_space<vmem>>, vector<16xi32>,
        %get3A_261 = arith.constant 96 : index
        %get3A_262 = tpu.vector_load %arg8[%get3A_261] {strides = array<i32>} : memref<128xi32, #tpu.memory_space<vmem>>, vector<16xi32>,
        %get3A_263 = vector.shape_cast %get3A_262 : vector<16xi32> to vector<16xi32>
        %add3A_264 = arith.addi %get3A_263, %get3A_263 : vector<16xi32>
        %add3A_265 = vector.broadcast %arg0 : i32 to vector<16xi32>
        %add3A_266 = arith.addi %add3A_264, %add3A_265 : vector<16xi32>
        %swap3A_267 = arith.constant 96 : index
        %swap3A_268 = tpu.vector_load %arg12[%swap3A_267] {strides = array<i32>} : memref<128xi32, #tpu.memory_space<vmem>>, vector<16xi32>,
        %swap3A_269 = vector.shape_cast %swap3A_268 : vector<16xi32> to vector<16xi32>
        %swap3A_270 = vector.shape_cast %add3A_266 : vector<16xi32> to vector<16xi32>
        tpu.vector_store %arg12[%swap3A_267], %swap3A_270 {strides = array<i32>} : memref<128xi32, #tpu.memory_space<vmem>>, vector<16xi32>,
        %get3A_271 = arith.constant 112 : index
        %get3A_272 = tpu.vector_load %arg8[%get3A_271] {strides = array<i32>} : memref<128xi32, #tpu.memory_space<vmem>>, vector<16xi32>,
        %get3A_273 = vector.shape_cast %get3A_272 : vector<16xi32> to vector<16xi32>
        %add3A_274 = arith.addi %get3A_273, %get3A_273 : vector<16xi32>
        %add3A_275 = vector.broadcast %arg0 : i32 to vector<16xi32>
        %add3A_276 = arith.addi %add3A_274, %add3A_275 : vector<16xi32>
        %swap3A_277 = arith.constant 112 : index
        %swap3A_278 = tpu.vector_load %arg12[%swap3A_277] {strides = array<i32>} : memref<128xi32, #tpu.memory_space<vmem>>, vector<16xi32>,
        %swap3A_279 = vector.shape_cast %swap3A_278 : vector<16xi32> to vector<16xi32>
        %swap3A_280 = vector.shape_cast %add3A_276 : vector<16xi32> to vector<16xi32>
        tpu.vector_store %arg12[%swap3A_277], %swap3A_280 {strides = array<i32>} : memref<128xi32, #tpu.memory_space<vmem>>, vector<16xi32>,
      } else {
      }
      %dma_wait3A = arith.constant 0 : i32
      %dma_wait3A_144 = arith.constant 0 : i32
      %dma_wait3A_145 = tpu.memref_slice %arg2[%dma_wait3A, %dma_wait3A_144] : memref<100000x32xf32, #tpu.memory_space<hbm>> -> memref<100000x32xf32, #tpu.memory_space<hbm>>
      tpu.wait_indirect_dma semaphore(%arg16 : memref<!tpu.dma_semaphore, #tpu.memory_space<semaphore_mem>>) src(%dma_wait3A_145 : memref<100000x32xf32, #tpu.memory_space<hbm>>) dst(%arg13 : memref<128x32xf32, #tpu.memory_space<vmem>>)
      %add3A_146 = arith.constant 1 : i32
      %add3A_147 = arith.addi %mul3A_129, %add3A_146 : i32
      %lt3A_148 = arith.cmpi slt, %add3A_147, %select_n3A : i32
      %convert_element_type3A_149 = arith.extui %lt3A_148 : i1 to i32
      %cond3A_150 = arith.constant 0 : i32
      %cond3A_151 = arith.cmpi ne, %convert_element_type3A_149, %cond3A_150 : i32
      scf.if %cond3A_151 {
        %dma_start3A_189 = arith.constant 0 : i32
        %dma_start3A_190 = arith.constant 0 : i32
        %dma_start3A_191 = tpu.memref_slice %arg2[%dma_start3A_189, %dma_start3A_190] : memref<100000x32xf32, #tpu.memory_space<hbm>> -> memref<100000x32xf32, #tpu.memory_space<hbm>>
        tpu.enqueue_indirect_dma source(%dma_start3A_191 : memref<100000x32xf32, #tpu.memory_space<hbm>>) target(%arg14 : memref<128x32xf32, #tpu.memory_space<vmem>>) offsets(%arg12 : memref<128xi32, #tpu.memory_space<vmem>>) semaphore(%arg17 : memref<!tpu.dma_semaphore, #tpu.memory_space<semaphore_mem>>)
      } else {
      }
      %add3A_152 = arith.constant 2 : i32
      %add3A_153 = arith.addi %mul3A_129, %add3A_152 : i32
      %lt3A_154 = arith.cmpi slt, %add3A_153, %select_n3A : i32
      %convert_element_type3A_155 = arith.extui %lt3A_154 : i1 to i32
      %cond3A_156 = arith.constant 0 : i32
      %cond3A_157 = arith.cmpi ne, %convert_element_type3A_155, %cond3A_156 : i32
      scf.if %cond3A_157 {
        %add3A_189 = arith.constant 2 : i32
        %add3A_190 = arith.addi %mul3A_129, %add3A_189 : i32
        %lt3A_191 = arith.constant 390 : i32
        %lt3A_192 = arith.cmpi slt, %add3A_190, %lt3A_191 : i32
        %add3A_193 = arith.addi %mul3A_2, %add3A_190 : i32
        %add3A_194 = arith.constant 6240 : i32
        %add3A_195 = arith.addi %add3A_194, %arg1 : i32
        %select_n3A_196 = arith.select %lt3A_192, %add3A_193, %add3A_195 : i32
        %dma_start3A_197 = arith.constant 0 : i32
        %dma_start3A_198 = tpu.memref_slice %arg3[%select_n3A_196, %dma_start3A_197] : memref<6250x128xi32, #tpu.memory_space<hbm>> -> memref<1x128xi32, #tpu.memory_space<hbm>>
        %dma_start3A_199 = tpu.memref_squeeze %dma_start3A_198 : memref<1x128xi32, #tpu.memory_space<hbm>> -> memref<128xi32, #tpu.memory_space<hbm>>
        %dma_start3A_200 = arith.constant 0 : i32
        %dma_start3A_201 = tpu.memref_slice %arg3[%select_n3A_196, %dma_start3A_200] : memref<6250x128xi32, #tpu.memory_space<hbm>> -> memref<1x128xi32, #tpu.memory_space<hbm>>
        %dma_start3A_202 = tpu.memref_squeeze %dma_start3A_201 : memref<1x128xi32, #tpu.memory_space<hbm>> -> memref<128xi32, #tpu.memory_space<hbm>>
        tpu.enqueue_dma source(%dma_start3A_202 : memref<128xi32, #tpu.memory_space<hbm>>) target(%arg7 : memref<128xi32, #tpu.memory_space<vmem>>) target_semaphore(%arg18 : memref<!tpu.dma_semaphore, #tpu.memory_space<semaphore_mem>>)
        %dma_start3A_203 = arith.constant 0 : i32
        %dma_start3A_204 = tpu.memref_slice %arg4[%select_n3A_196, %dma_start3A_203] : memref<6250x128xi32, #tpu.memory_space<hbm>> -> memref<1x128xi32, #tpu.memory_space<hbm>>
        %dma_start3A_205 = tpu.memref_squeeze %dma_start3A_204 : memref<1x128xi32, #tpu.memory_space<hbm>> -> memref<128xi32, #tpu.memory_space<hbm>>
        %dma_start3A_206 = arith.constant 0 : i32
        %dma_start3A_207 = tpu.memref_slice %arg4[%select_n3A_196, %dma_start3A_206] : memref<6250x128xi32, #tpu.memory_space<hbm>> -> memref<1x128xi32, #tpu.memory_space<hbm>>
        %dma_start3A_208 = tpu.memref_squeeze %dma_start3A_207 : memref<1x128xi32, #tpu.memory_space<hbm>> -> memref<128xi32, #tpu.memory_space<hbm>>
        tpu.enqueue_dma source(%dma_start3A_208 : memref<128xi32, #tpu.memory_space<hbm>>) target(%arg9 : memref<128xi32, #tpu.memory_space<vmem>>) target_semaphore(%arg18 : memref<!tpu.dma_semaphore, #tpu.memory_space<semaphore_mem>>)
      } else {
      }
      "tpu.region"() ({
        %run_scoped3A = tpu.sem_alloc : memref<!tpu.dma_semaphore, #tpu.memory_space<semaphore_mem>>
        %dma_start3A_189 = arith.constant 0 : i32
        %dma_start3A_190 = arith.constant 0 : i32
        %dma_start3A_191 = tpu.memref_slice %arg15[%dma_start3A_189, %dma_start3A_190] : memref<50048x32xf32, #tpu.memory_space<vmem_shared>> -> memref<50048x32xf32, #tpu.memory_space<vmem_shared>>
        tpu.enqueue_indirect_dma source(%arg13 : memref<128x32xf32, #tpu.memory_space<vmem>>) target(%dma_start3A_191 : memref<50048x32xf32, #tpu.memory_space<vmem_shared>>) offsets(%arg9 : memref<128xi32, #tpu.memory_space<vmem>>) semaphore(%run_scoped3A : memref<!tpu.dma_semaphore, #tpu.memory_space<semaphore_mem>>) {add = true}
        %dma_wait3A_192 = arith.constant 0 : i32
        %dma_wait3A_193 = arith.constant 0 : i32
        %dma_wait3A_194 = tpu.memref_slice %arg15[%dma_wait3A_192, %dma_wait3A_193] : memref<50048x32xf32, #tpu.memory_space<vmem_shared>> -> memref<50048x32xf32, #tpu.memory_space<vmem_shared>>
        tpu.wait_indirect_dma semaphore(%run_scoped3A : memref<!tpu.dma_semaphore, #tpu.memory_space<semaphore_mem>>) src(%arg13 : memref<128x32xf32, #tpu.memory_space<vmem>>) dst(%dma_wait3A_194 : memref<50048x32xf32, #tpu.memory_space<vmem_shared>>)
        tpu.yield
      }) : () -> ()
      %add3A_158 = arith.constant 1 : i32
      %add3A_159 = arith.addi %mul3A_129, %add3A_158 : i32
      %add3A_160 = arith.constant 1 : i32
      %add3A_161 = arith.addi %add3A_159, %add3A_160 : i32
      %lt3A_162 = arith.constant 390 : i32
      %lt3A_163 = arith.cmpi slt, %add3A_161, %lt3A_162 : i32
      %add3A_164 = arith.addi %mul3A_2, %add3A_161 : i32
      %add3A_165 = arith.constant 6240 : i32
      %add3A_166 = arith.addi %add3A_165, %arg1 : i32
      %select_n3A_167 = arith.select %lt3A_163, %add3A_164, %add3A_166 : i32
      %add3A_168 = arith.constant 1 : i32
      %add3A_169 = arith.addi %add3A_159, %add3A_168 : i32
      %lt3A_170 = arith.cmpi slt, %add3A_169, %select_n3A : i32
      %convert_element_type3A_171 = arith.extui %lt3A_170 : i1 to i32
      %cond3A_172 = arith.constant 0 : i32
      %cond3A_173 = arith.cmpi ne, %convert_element_type3A_171, %cond3A_172 : i32
      scf.if %cond3A_173 {
        %dma_wait3A_189 = arith.constant 0 : i32
        %dma_wait3A_190 = tpu.memref_slice %arg3[%select_n3A_167, %dma_wait3A_189] : memref<6250x128xi32, #tpu.memory_space<hbm>> -> memref<1x128xi32, #tpu.memory_space<hbm>>
        %dma_wait3A_191 = tpu.memref_squeeze %dma_wait3A_190 : memref<1x128xi32, #tpu.memory_space<hbm>> -> memref<128xi32, #tpu.memory_space<hbm>>
        %dma_wait3A_192 = arith.constant 0 : i32
        %dma_wait3A_193 = tpu.memref_slice %arg3[%select_n3A_167, %dma_wait3A_192] : memref<6250x128xi32, #tpu.memory_space<hbm>> -> memref<1x128xi32, #tpu.memory_space<hbm>>
        %dma_wait3A_194 = tpu.memref_squeeze %dma_wait3A_193 : memref<1x128xi32, #tpu.memory_space<hbm>> -> memref<128xi32, #tpu.memory_space<hbm>>
        tpu.wait_dma2 semaphore(%arg18 : memref<!tpu.dma_semaphore, #tpu.memory_space<semaphore_mem>>) src(%dma_wait3A_194 : memref<128xi32, #tpu.memory_space<hbm>>) dst(%arg7 : memref<128xi32, #tpu.memory_space<vmem>>)
        %dma_wait3A_195 = arith.constant 0 : i32
        %dma_wait3A_196 = tpu.memref_slice %arg4[%select_n3A_167, %dma_wait3A_195] : memref<6250x128xi32, #tpu.memory_space<hbm>> -> memref<1x128xi32, #tpu.memory_space<hbm>>
        %dma_wait3A_197 = tpu.memref_squeeze %dma_wait3A_196 : memref<1x128xi32, #tpu.memory_space<hbm>> -> memref<128xi32, #tpu.memory_space<hbm>>
        %dma_wait3A_198 = arith.constant 0 : i32
        %dma_wait3A_199 = tpu.memref_slice %arg4[%select_n3A_167, %dma_wait3A_198] : memref<6250x128xi32, #tpu.memory_space<hbm>> -> memref<1x128xi32, #tpu.memory_space<hbm>>
        %dma_wait3A_200 = tpu.memref_squeeze %dma_wait3A_199 : memref<1x128xi32, #tpu.memory_space<hbm>> -> memref<128xi32, #tpu.memory_space<hbm>>
        tpu.wait_dma2 semaphore(%arg18 : memref<!tpu.dma_semaphore, #tpu.memory_space<semaphore_mem>>) src(%dma_wait3A_200 : memref<128xi32, #tpu.memory_space<hbm>>) dst(%arg9 : memref<128xi32, #tpu.memory_space<vmem>>)
        %get3A_201 = arith.constant 0 : index
        %get3A_202 = tpu.vector_load %arg7[%get3A_201] {strides = array<i32>} : memref<128xi32, #tpu.memory_space<vmem>>, vector<16xi32>,
        %get3A_203 = vector.shape_cast %get3A_202 : vector<16xi32> to vector<16xi32>
        %add3A_204 = arith.addi %get3A_203, %get3A_203 : vector<16xi32>
        %add3A_205 = vector.broadcast %arg0 : i32 to vector<16xi32>
        %add3A_206 = arith.addi %add3A_204, %add3A_205 : vector<16xi32>
        %swap3A_207 = arith.constant 0 : index
        %swap3A_208 = tpu.vector_load %arg11[%swap3A_207] {strides = array<i32>} : memref<128xi32, #tpu.memory_space<vmem>>, vector<16xi32>,
        %swap3A_209 = vector.shape_cast %swap3A_208 : vector<16xi32> to vector<16xi32>
        %swap3A_210 = vector.shape_cast %add3A_206 : vector<16xi32> to vector<16xi32>
        tpu.vector_store %arg11[%swap3A_207], %swap3A_210 {strides = array<i32>} : memref<128xi32, #tpu.memory_space<vmem>>, vector<16xi32>,
        %get3A_211 = arith.constant 16 : index
        %get3A_212 = tpu.vector_load %arg7[%get3A_211] {strides = array<i32>} : memref<128xi32, #tpu.memory_space<vmem>>, vector<16xi32>,
        %get3A_213 = vector.shape_cast %get3A_212 : vector<16xi32> to vector<16xi32>
        %add3A_214 = arith.addi %get3A_213, %get3A_213 : vector<16xi32>
        %add3A_215 = vector.broadcast %arg0 : i32 to vector<16xi32>
        %add3A_216 = arith.addi %add3A_214, %add3A_215 : vector<16xi32>
        %swap3A_217 = arith.constant 16 : index
        %swap3A_218 = tpu.vector_load %arg11[%swap3A_217] {strides = array<i32>} : memref<128xi32, #tpu.memory_space<vmem>>, vector<16xi32>,
        %swap3A_219 = vector.shape_cast %swap3A_218 : vector<16xi32> to vector<16xi32>
        %swap3A_220 = vector.shape_cast %add3A_216 : vector<16xi32> to vector<16xi32>
        tpu.vector_store %arg11[%swap3A_217], %swap3A_220 {strides = array<i32>} : memref<128xi32, #tpu.memory_space<vmem>>, vector<16xi32>,
        %get3A_221 = arith.constant 32 : index
        %get3A_222 = tpu.vector_load %arg7[%get3A_221] {strides = array<i32>} : memref<128xi32, #tpu.memory_space<vmem>>, vector<16xi32>,
        %get3A_223 = vector.shape_cast %get3A_222 : vector<16xi32> to vector<16xi32>
        %add3A_224 = arith.addi %get3A_223, %get3A_223 : vector<16xi32>
        %add3A_225 = vector.broadcast %arg0 : i32 to vector<16xi32>
        %add3A_226 = arith.addi %add3A_224, %add3A_225 : vector<16xi32>
        %swap3A_227 = arith.constant 32 : index
        %swap3A_228 = tpu.vector_load %arg11[%swap3A_227] {strides = array<i32>} : memref<128xi32, #tpu.memory_space<vmem>>, vector<16xi32>,
        %swap3A_229 = vector.shape_cast %swap3A_228 : vector<16xi32> to vector<16xi32>
        %swap3A_230 = vector.shape_cast %add3A_226 : vector<16xi32> to vector<16xi32>
        tpu.vector_store %arg11[%swap3A_227], %swap3A_230 {strides = array<i32>} : memref<128xi32, #tpu.memory_space<vmem>>, vector<16xi32>,
        %get3A_231 = arith.constant 48 : index
        %get3A_232 = tpu.vector_load %arg7[%get3A_231] {strides = array<i32>} : memref<128xi32, #tpu.memory_space<vmem>>, vector<16xi32>,
        %get3A_233 = vector.shape_cast %get3A_232 : vector<16xi32> to vector<16xi32>
        %add3A_234 = arith.addi %get3A_233, %get3A_233 : vector<16xi32>
        %add3A_235 = vector.broadcast %arg0 : i32 to vector<16xi32>
        %add3A_236 = arith.addi %add3A_234, %add3A_235 : vector<16xi32>
        %swap3A_237 = arith.constant 48 : index
        %swap3A_238 = tpu.vector_load %arg11[%swap3A_237] {strides = array<i32>} : memref<128xi32, #tpu.memory_space<vmem>>, vector<16xi32>,
        %swap3A_239 = vector.shape_cast %swap3A_238 : vector<16xi32> to vector<16xi32>
        %swap3A_240 = vector.shape_cast %add3A_236 : vector<16xi32> to vector<16xi32>
        tpu.vector_store %arg11[%swap3A_237], %swap3A_240 {strides = array<i32>} : memref<128xi32, #tpu.memory_space<vmem>>, vector<16xi32>,
        %get3A_241 = arith.constant 64 : index
        %get3A_242 = tpu.vector_load %arg7[%get3A_241] {strides = array<i32>} : memref<128xi32, #tpu.memory_space<vmem>>, vector<16xi32>,
        %get3A_243 = vector.shape_cast %get3A_242 : vector<16xi32> to vector<16xi32>
        %add3A_244 = arith.addi %get3A_243, %get3A_243 : vector<16xi32>
        %add3A_245 = vector.broadcast %arg0 : i32 to vector<16xi32>
        %add3A_246 = arith.addi %add3A_244, %add3A_245 : vector<16xi32>
        %swap3A_247 = arith.constant 64 : index
        %swap3A_248 = tpu.vector_load %arg11[%swap3A_247] {strides = array<i32>} : memref<128xi32, #tpu.memory_space<vmem>>, vector<16xi32>,
        %swap3A_249 = vector.shape_cast %swap3A_248 : vector<16xi32> to vector<16xi32>
        %swap3A_250 = vector.shape_cast %add3A_246 : vector<16xi32> to vector<16xi32>
        tpu.vector_store %arg11[%swap3A_247], %swap3A_250 {strides = array<i32>} : memref<128xi32, #tpu.memory_space<vmem>>, vector<16xi32>,
        %get3A_251 = arith.constant 80 : index
        %get3A_252 = tpu.vector_load %arg7[%get3A_251] {strides = array<i32>} : memref<128xi32, #tpu.memory_space<vmem>>, vector<16xi32>,
        %get3A_253 = vector.shape_cast %get3A_252 : vector<16xi32> to vector<16xi32>
        %add3A_254 = arith.addi %get3A_253, %get3A_253 : vector<16xi32>
        %add3A_255 = vector.broadcast %arg0 : i32 to vector<16xi32>
        %add3A_256 = arith.addi %add3A_254, %add3A_255 : vector<16xi32>
        %swap3A_257 = arith.constant 80 : index
        %swap3A_258 = tpu.vector_load %arg11[%swap3A_257] {strides = array<i32>} : memref<128xi32, #tpu.memory_space<vmem>>, vector<16xi32>,
        %swap3A_259 = vector.shape_cast %swap3A_258 : vector<16xi32> to vector<16xi32>
        %swap3A_260 = vector.shape_cast %add3A_256 : vector<16xi32> to vector<16xi32>
        tpu.vector_store %arg11[%swap3A_257], %swap3A_260 {strides = array<i32>} : memref<128xi32, #tpu.memory_space<vmem>>, vector<16xi32>,
        %get3A_261 = arith.constant 96 : index
        %get3A_262 = tpu.vector_load %arg7[%get3A_261] {strides = array<i32>} : memref<128xi32, #tpu.memory_space<vmem>>, vector<16xi32>,
        %get3A_263 = vector.shape_cast %get3A_262 : vector<16xi32> to vector<16xi32>
        %add3A_264 = arith.addi %get3A_263, %get3A_263 : vector<16xi32>
        %add3A_265 = vector.broadcast %arg0 : i32 to vector<16xi32>
        %add3A_266 = arith.addi %add3A_264, %add3A_265 : vector<16xi32>
        %swap3A_267 = arith.constant 96 : index
        %swap3A_268 = tpu.vector_load %arg11[%swap3A_267] {strides = array<i32>} : memref<128xi32, #tpu.memory_space<vmem>>, vector<16xi32>,
        %swap3A_269 = vector.shape_cast %swap3A_268 : vector<16xi32> to vector<16xi32>
        %swap3A_270 = vector.shape_cast %add3A_266 : vector<16xi32> to vector<16xi32>
        tpu.vector_store %arg11[%swap3A_267], %swap3A_270 {strides = array<i32>} : memref<128xi32, #tpu.memory_space<vmem>>, vector<16xi32>,
        %get3A_271 = arith.constant 112 : index
        %get3A_272 = tpu.vector_load %arg7[%get3A_271] {strides = array<i32>} : memref<128xi32, #tpu.memory_space<vmem>>, vector<16xi32>,
        %get3A_273 = vector.shape_cast %get3A_272 : vector<16xi32> to vector<16xi32>
        %add3A_274 = arith.addi %get3A_273, %get3A_273 : vector<16xi32>
        %add3A_275 = vector.broadcast %arg0 : i32 to vector<16xi32>
        %add3A_276 = arith.addi %add3A_274, %add3A_275 : vector<16xi32>
        %swap3A_277 = arith.constant 112 : index
        %swap3A_278 = tpu.vector_load %arg11[%swap3A_277] {strides = array<i32>} : memref<128xi32, #tpu.memory_space<vmem>>, vector<16xi32>,
        %swap3A_279 = vector.shape_cast %swap3A_278 : vector<16xi32> to vector<16xi32>
        %swap3A_280 = vector.shape_cast %add3A_276 : vector<16xi32> to vector<16xi32>
        tpu.vector_store %arg11[%swap3A_277], %swap3A_280 {strides = array<i32>} : memref<128xi32, #tpu.memory_space<vmem>>, vector<16xi32>,
      } else {
      }
      %dma_wait3A_174 = arith.constant 0 : i32
      %dma_wait3A_175 = arith.constant 0 : i32
      %dma_wait3A_176 = tpu.memref_slice %arg2[%dma_wait3A_174, %dma_wait3A_175] : memref<100000x32xf32, #tpu.memory_space<hbm>> -> memref<100000x32xf32, #tpu.memory_space<hbm>>
      tpu.wait_indirect_dma semaphore(%arg17 : memref<!tpu.dma_semaphore, #tpu.memory_space<semaphore_mem>>) src(%dma_wait3A_176 : memref<100000x32xf32, #tpu.memory_space<hbm>>) dst(%arg14 : memref<128x32xf32, #tpu.memory_space<vmem>>)
      %add3A_177 = arith.constant 1 : i32
      %add3A_178 = arith.addi %add3A_159, %add3A_177 : i32
      %lt3A_179 = arith.cmpi slt, %add3A_178, %select_n3A : i32
      %convert_element_type3A_180 = arith.extui %lt3A_179 : i1 to i32
      %cond3A_181 = arith.constant 0 : i32
      %cond3A_182 = arith.cmpi ne, %convert_element_type3A_180, %cond3A_181 : i32
      scf.if %cond3A_182 {
        %dma_start3A_189 = arith.constant 0 : i32
        %dma_start3A_190 = arith.constant 0 : i32
        %dma_start3A_191 = tpu.memref_slice %arg2[%dma_start3A_189, %dma_start3A_190] : memref<100000x32xf32, #tpu.memory_space<hbm>> -> memref<100000x32xf32, #tpu.memory_space<hbm>>
        tpu.enqueue_indirect_dma source(%dma_start3A_191 : memref<100000x32xf32, #tpu.memory_space<hbm>>) target(%arg13 : memref<128x32xf32, #tpu.memory_space<vmem>>) offsets(%arg11 : memref<128xi32, #tpu.memory_space<vmem>>) semaphore(%arg16 : memref<!tpu.dma_semaphore, #tpu.memory_space<semaphore_mem>>)
      } else {
      }
      %add3A_183 = arith.constant 2 : i32
      %add3A_184 = arith.addi %add3A_159, %add3A_183 : i32
      %lt3A_185 = arith.cmpi slt, %add3A_184, %select_n3A : i32
      %convert_element_type3A_186 = arith.extui %lt3A_185 : i1 to i32
      %cond3A_187 = arith.constant 0 : i32
      %cond3A_188 = arith.cmpi ne, %convert_element_type3A_186, %cond3A_187 : i32
      scf.if %cond3A_188 {
        %add3A_189 = arith.constant 2 : i32
        %add3A_190 = arith.addi %add3A_159, %add3A_189 : i32
        %lt3A_191 = arith.constant 390 : i32
        %lt3A_192 = arith.cmpi slt, %add3A_190, %lt3A_191 : i32
        %add3A_193 = arith.addi %mul3A_2, %add3A_190 : i32
        %add3A_194 = arith.constant 6240 : i32
        %add3A_195 = arith.addi %add3A_194, %arg1 : i32
        %select_n3A_196 = arith.select %lt3A_192, %add3A_193, %add3A_195 : i32
        %dma_start3A_197 = arith.constant 0 : i32
        %dma_start3A_198 = tpu.memref_slice %arg3[%select_n3A_196, %dma_start3A_197] : memref<6250x128xi32, #tpu.memory_space<hbm>> -> memref<1x128xi32, #tpu.memory_space<hbm>>
        %dma_start3A_199 = tpu.memref_squeeze %dma_start3A_198 : memref<1x128xi32, #tpu.memory_space<hbm>> -> memref<128xi32, #tpu.memory_space<hbm>>
        %dma_start3A_200 = arith.constant 0 : i32
        %dma_start3A_201 = tpu.memref_slice %arg3[%select_n3A_196, %dma_start3A_200] : memref<6250x128xi32, #tpu.memory_space<hbm>> -> memref<1x128xi32, #tpu.memory_space<hbm>>
        %dma_start3A_202 = tpu.memref_squeeze %dma_start3A_201 : memref<1x128xi32, #tpu.memory_space<hbm>> -> memref<128xi32, #tpu.memory_space<hbm>>
        tpu.enqueue_dma source(%dma_start3A_202 : memref<128xi32, #tpu.memory_space<hbm>>) target(%arg8 : memref<128xi32, #tpu.memory_space<vmem>>) target_semaphore(%arg19 : memref<!tpu.dma_semaphore, #tpu.memory_space<semaphore_mem>>)
        %dma_start3A_203 = arith.constant 0 : i32
        %dma_start3A_204 = tpu.memref_slice %arg4[%select_n3A_196, %dma_start3A_203] : memref<6250x128xi32, #tpu.memory_space<hbm>> -> memref<1x128xi32, #tpu.memory_space<hbm>>
        %dma_start3A_205 = tpu.memref_squeeze %dma_start3A_204 : memref<1x128xi32, #tpu.memory_space<hbm>> -> memref<128xi32, #tpu.memory_space<hbm>>
        %dma_start3A_206 = arith.constant 0 : i32
        %dma_start3A_207 = tpu.memref_slice %arg4[%select_n3A_196, %dma_start3A_206] : memref<6250x128xi32, #tpu.memory_space<hbm>> -> memref<1x128xi32, #tpu.memory_space<hbm>>
        %dma_start3A_208 = tpu.memref_squeeze %dma_start3A_207 : memref<1x128xi32, #tpu.memory_space<hbm>> -> memref<128xi32, #tpu.memory_space<hbm>>
        tpu.enqueue_dma source(%dma_start3A_208 : memref<128xi32, #tpu.memory_space<hbm>>) target(%arg10 : memref<128xi32, #tpu.memory_space<vmem>>) target_semaphore(%arg19 : memref<!tpu.dma_semaphore, #tpu.memory_space<semaphore_mem>>)
      } else {
      }
      "tpu.region"() ({
        %run_scoped3A = tpu.sem_alloc : memref<!tpu.dma_semaphore, #tpu.memory_space<semaphore_mem>>
        %dma_start3A_189 = arith.constant 0 : i32
        %dma_start3A_190 = arith.constant 0 : i32
        %dma_start3A_191 = tpu.memref_slice %arg15[%dma_start3A_189, %dma_start3A_190] : memref<50048x32xf32, #tpu.memory_space<vmem_shared>> -> memref<50048x32xf32, #tpu.memory_space<vmem_shared>>
        tpu.enqueue_indirect_dma source(%arg14 : memref<128x32xf32, #tpu.memory_space<vmem>>) target(%dma_start3A_191 : memref<50048x32xf32, #tpu.memory_space<vmem_shared>>) offsets(%arg10 : memref<128xi32, #tpu.memory_space<vmem>>) semaphore(%run_scoped3A : memref<!tpu.dma_semaphore, #tpu.memory_space<semaphore_mem>>) {add = true}
        %dma_wait3A_192 = arith.constant 0 : i32
        %dma_wait3A_193 = arith.constant 0 : i32
        %dma_wait3A_194 = tpu.memref_slice %arg15[%dma_wait3A_192, %dma_wait3A_193] : memref<50048x32xf32, #tpu.memory_space<vmem_shared>> -> memref<50048x32xf32, #tpu.memory_space<vmem_shared>>
        tpu.wait_indirect_dma semaphore(%run_scoped3A : memref<!tpu.dma_semaphore, #tpu.memory_space<semaphore_mem>>) src(%arg14 : memref<128x32xf32, #tpu.memory_space<vmem>>) dst(%dma_wait3A_194 : memref<50048x32xf32, #tpu.memory_space<vmem_shared>>)
        tpu.yield
      }) : () -> ()
    }
    %scan3A_112 = arith.constant 195 : i32
    %gt3A = arith.constant 390 : i32
    %gt3A_113 = arith.cmpi sgt, %select_n3A, %gt3A : i32
    %convert_element_type3A = arith.extui %gt3A_113 : i1 to i32
    %cond3A = arith.constant 0 : i32
    %cond3A_114 = arith.cmpi ne, %convert_element_type3A, %cond3A : i32
    scf.if %cond3A_114 {
      %dma_wait3A = arith.constant 0 : i32
      %dma_wait3A_127 = arith.constant 0 : i32
      %dma_wait3A_128 = tpu.memref_slice %arg2[%dma_wait3A, %dma_wait3A_127] : memref<100000x32xf32, #tpu.memory_space<hbm>> -> memref<100000x32xf32, #tpu.memory_space<hbm>>
      tpu.wait_indirect_dma semaphore(%arg16 : memref<!tpu.dma_semaphore, #tpu.memory_space<semaphore_mem>>) src(%dma_wait3A_128 : memref<100000x32xf32, #tpu.memory_space<hbm>>) dst(%arg13 : memref<128x32xf32, #tpu.memory_space<vmem>>)
      "tpu.region"() ({
        %run_scoped3A = tpu.sem_alloc : memref<!tpu.dma_semaphore, #tpu.memory_space<semaphore_mem>>
        %dma_start3A_129 = arith.constant 0 : i32
        %dma_start3A_130 = arith.constant 0 : i32
        %dma_start3A_131 = tpu.memref_slice %arg15[%dma_start3A_129, %dma_start3A_130] : memref<50048x32xf32, #tpu.memory_space<vmem_shared>> -> memref<50048x32xf32, #tpu.memory_space<vmem_shared>>
        tpu.enqueue_indirect_dma source(%arg13 : memref<128x32xf32, #tpu.memory_space<vmem>>) target(%dma_start3A_131 : memref<50048x32xf32, #tpu.memory_space<vmem_shared>>) offsets(%arg9 : memref<128xi32, #tpu.memory_space<vmem>>) semaphore(%run_scoped3A : memref<!tpu.dma_semaphore, #tpu.memory_space<semaphore_mem>>) {add = true}
        %dma_wait3A_132 = arith.constant 0 : i32
        %dma_wait3A_133 = arith.constant 0 : i32
        %dma_wait3A_134 = tpu.memref_slice %arg15[%dma_wait3A_132, %dma_wait3A_133] : memref<50048x32xf32, #tpu.memory_space<vmem_shared>> -> memref<50048x32xf32, #tpu.memory_space<vmem_shared>>
        tpu.wait_indirect_dma semaphore(%run_scoped3A : memref<!tpu.dma_semaphore, #tpu.memory_space<semaphore_mem>>) src(%arg13 : memref<128x32xf32, #tpu.memory_space<vmem>>) dst(%dma_wait3A_134 : memref<50048x32xf32, #tpu.memory_space<vmem_shared>>)
        tpu.yield
      }) : () -> ()
    } else {
    }
    %barrier3A_115 = arith.constant 0 : index
    tpu.barrier barrier_id(%barrier3A_115)
    %mul3A_116 = arith.constant 50000 : i32
    %mul3A_117 = arith.muli %arg0, %mul3A_116 : i32
    %lt3A_118 = arith.constant 15 : i32
    %lt3A_119 = arith.cmpi slt, %arg1, %lt3A_118 : i32
    %convert_element_type3A_120 = arith.extui %lt3A_119 : i1 to i32
    %cond3A_121 = arith.constant 0 : i32
    %cond3A_122 = arith.cmpi ne, %convert_element_type3A_120, %cond3A_121 : i32
    scf.if %cond3A_122 {
      %mul3A_127 = arith.constant 3120 : i32
      %mul3A_128 = arith.muli %arg1, %mul3A_127 : i32
      %mul3A_129 = arith.constant 3120 : i32
      %mul3A_130 = arith.muli %arg1, %mul3A_129 : i32
      %add3A_131 = arith.addi %mul3A_117, %mul3A_130 : i32
      "tpu.region"() ({
        %run_scoped3A = tpu.sem_alloc : memref<!tpu.dma_semaphore, #tpu.memory_space<semaphore_mem>>
        %dma_start3A_132 = arith.constant 0 : i32
        %dma_start3A_133 = tpu.memref_slice %arg6[%add3A_131, %dma_start3A_132] : memref<100000x32xf32, #tpu.memory_space<hbm>> -> memref<3120x32xf32, #tpu.memory_space<hbm>>
        %dma_start3A_134 = arith.constant 0 : i32
        %dma_start3A_135 = tpu.memref_slice %arg15[%mul3A_128, %dma_start3A_134] : memref<50048x32xf32, #tpu.memory_space<vmem_shared>> -> memref<3120x32xf32, #tpu.memory_space<vmem_shared>>
        tpu.enqueue_dma source(%dma_start3A_135 : memref<3120x32xf32, #tpu.memory_space<vmem_shared>>) target(%dma_start3A_133 : memref<3120x32xf32, #tpu.memory_space<hbm>>) target_semaphore(%run_scoped3A : memref<!tpu.dma_semaphore, #tpu.memory_space<semaphore_mem>>)
        %dma_wait3A = arith.constant 0 : i32
        %dma_wait3A_136 = tpu.memref_slice %arg6[%add3A_131, %dma_wait3A] : memref<100000x32xf32, #tpu.memory_space<hbm>> -> memref<3120x32xf32, #tpu.memory_space<hbm>>
        %dma_wait3A_137 = arith.constant 0 : i32
        %dma_wait3A_138 = tpu.memref_slice %arg15[%mul3A_128, %dma_wait3A_137] : memref<50048x32xf32, #tpu.memory_space<vmem_shared>> -> memref<3120x32xf32, #tpu.memory_space<vmem_shared>>
        tpu.wait_dma2 semaphore(%run_scoped3A : memref<!tpu.dma_semaphore, #tpu.memory_space<semaphore_mem>>) src(%dma_wait3A_138 : memref<3120x32xf32, #tpu.memory_space<vmem_shared>>) dst(%dma_wait3A_136 : memref<3120x32xf32, #tpu.memory_space<hbm>>)
        tpu.yield
      }) : () -> ()
    } else {
    }
    %eq3A = arith.constant 15 : i32
    %eq3A_123 = arith.cmpi eq, %arg1, %eq3A : i32
    %convert_element_type3A_124 = arith.extui %eq3A_123 : i1 to i32
    %cond3A_125 = arith.constant 0 : i32
    %cond3A_126 = arith.cmpi ne, %convert_element_type3A_124, %cond3A_125 : i32
    scf.if %cond3A_126 {
      %add3A_127 = arith.constant 46800 : i32
      %add3A_128 = arith.addi %mul3A_117, %add3A_127 : i32
      "tpu.region"() ({
        %run_scoped3A = tpu.sem_alloc : memref<!tpu.dma_semaphore, #tpu.memory_space<semaphore_mem>>
        %dma_start3A_129 = arith.constant 0 : i32
        %dma_start3A_130 = tpu.memref_slice %arg6[%add3A_128, %dma_start3A_129] : memref<100000x32xf32, #tpu.memory_space<hbm>> -> memref<3200x32xf32, #tpu.memory_space<hbm>>
        %dma_start3A_131 = arith.constant 46800 : i32
        %dma_start3A_132 = arith.constant 0 : i32
        %dma_start3A_133 = tpu.memref_slice %arg15[%dma_start3A_131, %dma_start3A_132] : memref<50048x32xf32, #tpu.memory_space<vmem_shared>> -> memref<3200x32xf32, #tpu.memory_space<vmem_shared>>
        tpu.enqueue_dma source(%dma_start3A_133 : memref<3200x32xf32, #tpu.memory_space<vmem_shared>>) target(%dma_start3A_130 : memref<3200x32xf32, #tpu.memory_space<hbm>>) target_semaphore(%run_scoped3A : memref<!tpu.dma_semaphore, #tpu.memory_space<semaphore_mem>>)
        %dma_wait3A = arith.constant 0 : i32
        %dma_wait3A_134 = tpu.memref_slice %arg6[%add3A_128, %dma_wait3A] : memref<100000x32xf32, #tpu.memory_space<hbm>> -> memref<3200x32xf32, #tpu.memory_space<hbm>>
        %dma_wait3A_135 = arith.constant 46800 : i32
        %dma_wait3A_136 = arith.constant 0 : i32
        %dma_wait3A_137 = tpu.memref_slice %arg15[%dma_wait3A_135, %dma_wait3A_136] : memref<50048x32xf32, #tpu.memory_space<vmem_shared>> -> memref<3200x32xf32, #tpu.memory_space<vmem_shared>>
        tpu.wait_dma2 semaphore(%run_scoped3A : memref<!tpu.dma_semaphore, #tpu.memory_space<semaphore_mem>>) src(%dma_wait3A_137 : memref<3200x32xf32, #tpu.memory_space<vmem_shared>>) dst(%dma_wait3A_134 : memref<3200x32xf32, #tpu.memory_space<hbm>>)
        tpu.yield
      }) : () -> ()
    } else {
    }
    return
  }
}

#map = affine_map<(d0, d1) -> (0, 0)>
module attributes {stable_mosaic.version = 14 : i64} {
  func.func @_segsum_body(%arg0: i32, %arg1: i32, %arg2: memref<100000x32xf32, #tpu.memory_space<hbm>>, %arg3: memref<6250x128xi32, #tpu.memory_space<hbm>>, %arg4: memref<6250x128xi32, #tpu.memory_space<hbm>>, %arg5: memref<3128x32xf32, #tpu.memory_space<hbm>>, %arg6: memref<100000x32xf32, #tpu.memory_space<hbm>>, %arg7: memref<128xi32, #tpu.memory_space<vmem>>, %arg8: memref<128xi32, #tpu.memory_space<vmem>>, %arg9: memref<128xi32, #tpu.memory_space<vmem>>, %arg10: memref<128xi32, #tpu.memory_space<vmem>>, %arg11: memref<128xi32, #tpu.memory_space<vmem>>, %arg12: memref<128xi32, #tpu.memory_space<vmem>>, %arg13: memref<128x32xf32, #tpu.memory_space<vmem>>, %arg14: memref<128x32xf32, #tpu.memory_space<vmem>>, %arg15: memref<50048x32xf32, #tpu.memory_space<vmem_shared>>, %arg16: memref<!tpu.dma_semaphore, #tpu.memory_space<semaphore_mem>>, %arg17: memref<!tpu.dma_semaphore, #tpu.memory_space<semaphore_mem>>, %arg18: memref<!tpu.dma_semaphore, #tpu.memory_space<semaphore_mem>>, %arg19: memref<!tpu.dma_semaphore, #tpu.memory_space<semaphore_mem>>) attributes {dimension_semantics = [#tpu.dimension_semantics<core_parallel>, #tpu.dimension_semantics<subcore_parallel>], iteration_bounds = array<i64: 2, 16>, scalar_prefetch = 0 : i64, scratch_operands = 13 : i64, tpu.core_type = #tpu.core_type<sc_vector_subcore>, window_params = [{transform_indices = #map}, {transform_indices = #map}, {transform_indices = #map}, {transform_indices = #map}, {transform_indices = #map}]} {
    %mul3A = arith.constant 3128 : i32
    %mul3A_0 = arith.muli %arg1, %mul3A : i32
    "tpu.region"() ({
      %run_scoped3A = tpu.sem_alloc : memref<!tpu.dma_semaphore, #tpu.memory_space<semaphore_mem>>
      %dma_start3A_127 = arith.constant 0 : i32
      %dma_start3A_128 = tpu.memref_slice %arg15[%mul3A_0, %dma_start3A_127] : memref<50048x32xf32, #tpu.memory_space<vmem_shared>> -> memref<3128x32xf32, #tpu.memory_space<vmem_shared>>
      tpu.enqueue_dma source(%arg5 : memref<3128x32xf32, #tpu.memory_space<hbm>>) target(%dma_start3A_128 : memref<3128x32xf32, #tpu.memory_space<vmem_shared>>) target_semaphore(%run_scoped3A : memref<!tpu.dma_semaphore, #tpu.memory_space<semaphore_mem>>)
      %dma_wait3A = arith.constant 0 : i32
      %dma_wait3A_129 = tpu.memref_slice %arg15[%mul3A_0, %dma_wait3A] : memref<50048x32xf32, #tpu.memory_space<vmem_shared>> -> memref<3128x32xf32, #tpu.memory_space<vmem_shared>>
      tpu.wait_dma2 semaphore(%run_scoped3A : memref<!tpu.dma_semaphore, #tpu.memory_space<semaphore_mem>>) src(%arg5 : memref<3128x32xf32, #tpu.memory_space<hbm>>) dst(%dma_wait3A_129 : memref<3128x32xf32, #tpu.memory_space<vmem_shared>>)
      tpu.yield
    }) : () -> ()
    %barrier3A = arith.constant 0 : index
    tpu.barrier barrier_id(%barrier3A)
    %mul3A_1 = arith.constant 390 : i32
    %mul3A_2 = arith.muli %arg1, %mul3A_1 : i32
    %lt3A = arith.constant 10 : i32
    %lt3A_3 = arith.cmpi slt, %arg1, %lt3A : i32
    %jit3A = arith.constant 391 : i32
    %jit3A_4 = arith.constant 390 : i32
    %select_n3A = arith.select %lt3A_3, %jit3A, %jit3A_4 : i32
    "tpu.region"() ({
      %run_scoped3A = tpu.sem_alloc : memref<!tpu.dma_semaphore, #tpu.memory_space<semaphore_mem>>
      %dma_start3A_127 = arith.constant 0 : i32
      %dma_start3A_128 = tpu.memref_slice %arg3[%mul3A_2, %dma_start3A_127] : memref<6250x128xi32, #tpu.memory_space<hbm>> -> memref<1x128xi32, #tpu.memory_space<hbm>>
      %dma_start3A_129 = tpu.memref_squeeze %dma_start3A_128 : memref<1x128xi32, #tpu.memory_space<hbm>> -> memref<128xi32, #tpu.memory_space<hbm>>
      %dma_start3A_130 = arith.constant 0 : i32
      %dma_start3A_131 = tpu.memref_slice %arg3[%mul3A_2, %dma_start3A_130] : memref<6250x128xi32, #tpu.memory_space<hbm>> -> memref<1x128xi32, #tpu.memory_space<hbm>>
      %dma_start3A_132 = tpu.memref_squeeze %dma_start3A_131 : memref<1x128xi32, #tpu.memory_space<hbm>> -> memref<128xi32, #tpu.memory_space<hbm>>
      tpu.enqueue_dma source(%dma_start3A_132 : memref<128xi32, #tpu.memory_space<hbm>>) target(%arg7 : memref<128xi32, #tpu.memory_space<vmem>>) target_semaphore(%run_scoped3A : memref<!tpu.dma_semaphore, #tpu.memory_space<semaphore_mem>>)
      %dma_wait3A = arith.constant 0 : i32
      %dma_wait3A_133 = tpu.memref_slice %arg3[%mul3A_2, %dma_wait3A] : memref<6250x128xi32, #tpu.memory_space<hbm>> -> memref<1x128xi32, #tpu.memory_space<hbm>>
      %dma_wait3A_134 = tpu.memref_squeeze %dma_wait3A_133 : memref<1x128xi32, #tpu.memory_space<hbm>> -> memref<128xi32, #tpu.memory_space<hbm>>
      %dma_wait3A_135 = arith.constant 0 : i32
      %dma_wait3A_136 = tpu.memref_slice %arg3[%mul3A_2, %dma_wait3A_135] : memref<6250x128xi32, #tpu.memory_space<hbm>> -> memref<1x128xi32, #tpu.memory_space<hbm>>
      %dma_wait3A_137 = tpu.memref_squeeze %dma_wait3A_136 : memref<1x128xi32, #tpu.memory_space<hbm>> -> memref<128xi32, #tpu.memory_space<hbm>>
      tpu.wait_dma2 semaphore(%run_scoped3A : memref<!tpu.dma_semaphore, #tpu.memory_space<semaphore_mem>>) src(%dma_wait3A_137 : memref<128xi32, #tpu.memory_space<hbm>>) dst(%arg7 : memref<128xi32, #tpu.memory_space<vmem>>)
      tpu.yield
    }) : () -> ()
    "tpu.region"() ({
      %run_scoped3A = tpu.sem_alloc : memref<!tpu.dma_semaphore, #tpu.memory_space<semaphore_mem>>
      %dma_start3A_127 = arith.constant 0 : i32
      %dma_start3A_128 = tpu.memref_slice %arg4[%mul3A_2, %dma_start3A_127] : memref<6250x128xi32, #tpu.memory_space<hbm>> -> memref<1x128xi32, #tpu.memory_space<hbm>>
      %dma_start3A_129 = tpu.memref_squeeze %dma_start3A_128 : memref<1x128xi32, #tpu.memory_space<hbm>> -> memref<128xi32, #tpu.memory_space<hbm>>
      %dma_start3A_130 = arith.constant 0 : i32
      %dma_start3A_131 = tpu.memref_slice %arg4[%mul3A_2, %dma_start3A_130] : memref<6250x128xi32, #tpu.memory_space<hbm>> -> memref<1x128xi32, #tpu.memory_space<hbm>>
      %dma_start3A_132 = tpu.memref_squeeze %dma_start3A_131 : memref<1x128xi32, #tpu.memory_space<hbm>> -> memref<128xi32, #tpu.memory_space<hbm>>
      tpu.enqueue_dma source(%dma_start3A_132 : memref<128xi32, #tpu.memory_space<hbm>>) target(%arg9 : memref<128xi32, #tpu.memory_space<vmem>>) target_semaphore(%run_scoped3A : memref<!tpu.dma_semaphore, #tpu.memory_space<semaphore_mem>>)
      %dma_wait3A = arith.constant 0 : i32
      %dma_wait3A_133 = tpu.memref_slice %arg4[%mul3A_2, %dma_wait3A] : memref<6250x128xi32, #tpu.memory_space<hbm>> -> memref<1x128xi32, #tpu.memory_space<hbm>>
      %dma_wait3A_134 = tpu.memref_squeeze %dma_wait3A_133 : memref<1x128xi32, #tpu.memory_space<hbm>> -> memref<128xi32, #tpu.memory_space<hbm>>
      %dma_wait3A_135 = arith.constant 0 : i32
      %dma_wait3A_136 = tpu.memref_slice %arg4[%mul3A_2, %dma_wait3A_135] : memref<6250x128xi32, #tpu.memory_space<hbm>> -> memref<1x128xi32, #tpu.memory_space<hbm>>
      %dma_wait3A_137 = tpu.memref_squeeze %dma_wait3A_136 : memref<1x128xi32, #tpu.memory_space<hbm>> -> memref<128xi32, #tpu.memory_space<hbm>>
      tpu.wait_dma2 semaphore(%run_scoped3A : memref<!tpu.dma_semaphore, #tpu.memory_space<semaphore_mem>>) src(%dma_wait3A_137 : memref<128xi32, #tpu.memory_space<hbm>>) dst(%arg9 : memref<128xi32, #tpu.memory_space<vmem>>)
      tpu.yield
    }) : () -> ()
    %get3A = arith.constant 0 : index
    %get3A_5 = tpu.vector_load %arg7[%get3A] {strides = array<i32>} : memref<128xi32, #tpu.memory_space<vmem>>, vector<16xi32>,
    %get3A_6 = vector.shape_cast %get3A_5 : vector<16xi32> to vector<16xi32>
    %add3A = arith.addi %get3A_6, %get3A_6 : vector<16xi32>
    %add3A_7 = vector.broadcast %arg0 : i32 to vector<16xi32>
    %add3A_8 = arith.addi %add3A, %add3A_7 : vector<16xi32>
    %swap3A = arith.constant 0 : index
    %swap3A_9 = tpu.vector_load %arg11[%swap3A] {strides = array<i32>} : memref<128xi32, #tpu.memory_space<vmem>>, vector<16xi32>,
    %swap3A_10 = vector.shape_cast %swap3A_9 : vector<16xi32> to vector<16xi32>
    %swap3A_11 = vector.shape_cast %add3A_8 : vector<16xi32> to vector<16xi32>
    tpu.vector_store %arg11[%swap3A], %swap3A_11 {strides = array<i32>} : memref<128xi32, #tpu.memory_space<vmem>>, vector<16xi32>,
    %get3A_12 = arith.constant 16 : index
    %get3A_13 = tpu.vector_load %arg7[%get3A_12] {strides = array<i32>} : memref<128xi32, #tpu.memory_space<vmem>>, vector<16xi32>,
    %get3A_14 = vector.shape_cast %get3A_13 : vector<16xi32> to vector<16xi32>
    %add3A_15 = arith.addi %get3A_14, %get3A_14 : vector<16xi32>
    %add3A_16 = vector.broadcast %arg0 : i32 to vector<16xi32>
    %add3A_17 = arith.addi %add3A_15, %add3A_16 : vector<16xi32>
    %swap3A_18 = arith.constant 16 : index
    %swap3A_19 = tpu.vector_load %arg11[%swap3A_18] {strides = array<i32>} : memref<128xi32, #tpu.memory_space<vmem>>, vector<16xi32>,
    %swap3A_20 = vector.shape_cast %swap3A_19 : vector<16xi32> to vector<16xi32>
    %swap3A_21 = vector.shape_cast %add3A_17 : vector<16xi32> to vector<16xi32>
    tpu.vector_store %arg11[%swap3A_18], %swap3A_21 {strides = array<i32>} : memref<128xi32, #tpu.memory_space<vmem>>, vector<16xi32>,
    %get3A_22 = arith.constant 32 : index
    %get3A_23 = tpu.vector_load %arg7[%get3A_22] {strides = array<i32>} : memref<128xi32, #tpu.memory_space<vmem>>, vector<16xi32>,
    %get3A_24 = vector.shape_cast %get3A_23 : vector<16xi32> to vector<16xi32>
    %add3A_25 = arith.addi %get3A_24, %get3A_24 : vector<16xi32>
    %add3A_26 = vector.broadcast %arg0 : i32 to vector<16xi32>
    %add3A_27 = arith.addi %add3A_25, %add3A_26 : vector<16xi32>
    %swap3A_28 = arith.constant 32 : index
    %swap3A_29 = tpu.vector_load %arg11[%swap3A_28] {strides = array<i32>} : memref<128xi32, #tpu.memory_space<vmem>>, vector<16xi32>,
    %swap3A_30 = vector.shape_cast %swap3A_29 : vector<16xi32> to vector<16xi32>
    %swap3A_31 = vector.shape_cast %add3A_27 : vector<16xi32> to vector<16xi32>
    tpu.vector_store %arg11[%swap3A_28], %swap3A_31 {strides = array<i32>} : memref<128xi32, #tpu.memory_space<vmem>>, vector<16xi32>,
    %get3A_32 = arith.constant 48 : index
    %get3A_33 = tpu.vector_load %arg7[%get3A_32] {strides = array<i32>} : memref<128xi32, #tpu.memory_space<vmem>>, vector<16xi32>,
    %get3A_34 = vector.shape_cast %get3A_33 : vector<16xi32> to vector<16xi32>
    %add3A_35 = arith.addi %get3A_34, %get3A_34 : vector<16xi32>
    %add3A_36 = vector.broadcast %arg0 : i32 to vector<16xi32>
    %add3A_37 = arith.addi %add3A_35, %add3A_36 : vector<16xi32>
    %swap3A_38 = arith.constant 48 : index
    %swap3A_39 = tpu.vector_load %arg11[%swap3A_38] {strides = array<i32>} : memref<128xi32, #tpu.memory_space<vmem>>, vector<16xi32>,
    %swap3A_40 = vector.shape_cast %swap3A_39 : vector<16xi32> to vector<16xi32>
    %swap3A_41 = vector.shape_cast %add3A_37 : vector<16xi32> to vector<16xi32>
    tpu.vector_store %arg11[%swap3A_38], %swap3A_41 {strides = array<i32>} : memref<128xi32, #tpu.memory_space<vmem>>, vector<16xi32>,
    %get3A_42 = arith.constant 64 : index
    %get3A_43 = tpu.vector_load %arg7[%get3A_42] {strides = array<i32>} : memref<128xi32, #tpu.memory_space<vmem>>, vector<16xi32>,
    %get3A_44 = vector.shape_cast %get3A_43 : vector<16xi32> to vector<16xi32>
    %add3A_45 = arith.addi %get3A_44, %get3A_44 : vector<16xi32>
    %add3A_46 = vector.broadcast %arg0 : i32 to vector<16xi32>
    %add3A_47 = arith.addi %add3A_45, %add3A_46 : vector<16xi32>
    %swap3A_48 = arith.constant 64 : index
    %swap3A_49 = tpu.vector_load %arg11[%swap3A_48] {strides = array<i32>} : memref<128xi32, #tpu.memory_space<vmem>>, vector<16xi32>,
    %swap3A_50 = vector.shape_cast %swap3A_49 : vector<16xi32> to vector<16xi32>
    %swap3A_51 = vector.shape_cast %add3A_47 : vector<16xi32> to vector<16xi32>
    tpu.vector_store %arg11[%swap3A_48], %swap3A_51 {strides = array<i32>} : memref<128xi32, #tpu.memory_space<vmem>>, vector<16xi32>,
    %get3A_52 = arith.constant 80 : index
    %get3A_53 = tpu.vector_load %arg7[%get3A_52] {strides = array<i32>} : memref<128xi32, #tpu.memory_space<vmem>>, vector<16xi32>,
    %get3A_54 = vector.shape_cast %get3A_53 : vector<16xi32> to vector<16xi32>
    %add3A_55 = arith.addi %get3A_54, %get3A_54 : vector<16xi32>
    %add3A_56 = vector.broadcast %arg0 : i32 to vector<16xi32>
    %add3A_57 = arith.addi %add3A_55, %add3A_56 : vector<16xi32>
    %swap3A_58 = arith.constant 80 : index
    %swap3A_59 = tpu.vector_load %arg11[%swap3A_58] {strides = array<i32>} : memref<128xi32, #tpu.memory_space<vmem>>, vector<16xi32>,
    %swap3A_60 = vector.shape_cast %swap3A_59 : vector<16xi32> to vector<16xi32>
    %swap3A_61 = vector.shape_cast %add3A_57 : vector<16xi32> to vector<16xi32>
    tpu.vector_store %arg11[%swap3A_58], %swap3A_61 {strides = array<i32>} : memref<128xi32, #tpu.memory_space<vmem>>, vector<16xi32>,
    %get3A_62 = arith.constant 96 : index
    %get3A_63 = tpu.vector_load %arg7[%get3A_62] {strides = array<i32>} : memref<128xi32, #tpu.memory_space<vmem>>, vector<16xi32>,
    %get3A_64 = vector.shape_cast %get3A_63 : vector<16xi32> to vector<16xi32>
    %add3A_65 = arith.addi %get3A_64, %get3A_64 : vector<16xi32>
    %add3A_66 = vector.broadcast %arg0 : i32 to vector<16xi32>
    %add3A_67 = arith.addi %add3A_65, %add3A_66 : vector<16xi32>
    %swap3A_68 = arith.constant 96 : index
    %swap3A_69 = tpu.vector_load %arg11[%swap3A_68] {strides = array<i32>} : memref<128xi32, #tpu.memory_space<vmem>>, vector<16xi32>,
    %swap3A_70 = vector.shape_cast %swap3A_69 : vector<16xi32> to vector<16xi32>
    %swap3A_71 = vector.shape_cast %add3A_67 : vector<16xi32> to vector<16xi32>
    tpu.vector_store %arg11[%swap3A_68], %swap3A_71 {strides = array<i32>} : memref<128xi32, #tpu.memory_space<vmem>>, vector<16xi32>,
    %get3A_72 = arith.constant 112 : index
    %get3A_73 = tpu.vector_load %arg7[%get3A_72] {strides = array<i32>} : memref<128xi32, #tpu.memory_space<vmem>>, vector<16xi32>,
    %get3A_74 = vector.shape_cast %get3A_73 : vector<16xi32> to vector<16xi32>
    %add3A_75 = arith.addi %get3A_74, %get3A_74 : vector<16xi32>
    %add3A_76 = vector.broadcast %arg0 : i32 to vector<16xi32>
    %add3A_77 = arith.addi %add3A_75, %add3A_76 : vector<16xi32>
    %swap3A_78 = arith.constant 112 : index
    %swap3A_79 = tpu.vector_load %arg11[%swap3A_78] {strides = array<i32>} : memref<128xi32, #tpu.memory_space<vmem>>, vector<16xi32>,
    %swap3A_80 = vector.shape_cast %swap3A_79 : vector<16xi32> to vector<16xi32>
    %swap3A_81 = vector.shape_cast %add3A_77 : vector<16xi32> to vector<16xi32>
    tpu.vector_store %arg11[%swap3A_78], %swap3A_81 {strides = array<i32>} : memref<128xi32, #tpu.memory_space<vmem>>, vector<16xi32>,
    %dma_start3A = arith.constant 0 : i32
    %dma_start3A_82 = arith.constant 0 : i32
    %dma_start3A_83 = tpu.memref_slice %arg2[%dma_start3A, %dma_start3A_82] : memref<100000x32xf32, #tpu.memory_space<hbm>> -> memref<100000x32xf32, #tpu.memory_space<hbm>>
    tpu.enqueue_indirect_dma source(%dma_start3A_83 : memref<100000x32xf32, #tpu.memory_space<hbm>>) target(%arg13 : memref<128x32xf32, #tpu.memory_space<vmem>>) offsets(%arg11 : memref<128xi32, #tpu.memory_space<vmem>>) semaphore(%arg16 : memref<!tpu.dma_semaphore, #tpu.memory_space<semaphore_mem>>)
    %add3A_84 = arith.constant 1 : i32
    %add3A_85 = arith.addi %mul3A_2, %add3A_84 : i32
    %add3A_86 = arith.constant 6240 : i32
    %add3A_87 = arith.addi %add3A_86, %arg1 : i32
    %jit3A_88 = arith.constant true
    %select_n3A_89 = arith.select %jit3A_88, %add3A_85, %add3A_87 : i32
    %dma_start3A_90 = arith.constant 0 : i32
    %dma_start3A_91 = tpu.memref_slice %arg3[%select_n3A_89, %dma_start3A_90] : memref<6250x128xi32, #tpu.memory_space<hbm>> -> memref<1x128xi32, #tpu.memory_space<hbm>>
    %dma_start3A_92 = tpu.memref_squeeze %dma_start3A_91 : memref<1x128xi32, #tpu.memory_space<hbm>> -> memref<128xi32, #tpu.memory_space<hbm>>
    %dma_start3A_93 = arith.constant 0 : i32
    %dma_start3A_94 = tpu.memref_slice %arg3[%select_n3A_89, %dma_start3A_93] : memref<6250x128xi32, #tpu.memory_space<hbm>> -> memref<1x128xi32, #tpu.memory_space<hbm>>
    %dma_start3A_95 = tpu.memref_squeeze %dma_start3A_94 : memref<1x128xi32, #tpu.memory_space<hbm>> -> memref<128xi32, #tpu.memory_space<hbm>>
    tpu.enqueue_dma source(%dma_start3A_95 : memref<128xi32, #tpu.memory_space<hbm>>) target(%arg8 : memref<128xi32, #tpu.memory_space<vmem>>) target_semaphore(%arg19 : memref<!tpu.dma_semaphore, #tpu.memory_space<semaphore_mem>>)
    %add3A_96 = arith.constant 1 : i32
    %add3A_97 = arith.addi %mul3A_2, %add3A_96 : i32
    %add3A_98 = arith.constant 6240 : i32
    %add3A_99 = arith.addi %add3A_98, %arg1 : i32
    %jit3A_100 = arith.constant true
    %select_n3A_101 = arith.select %jit3A_100, %add3A_97, %add3A_99 : i32
    %dma_start3A_102 = arith.constant 0 : i32
    %dma_start3A_103 = tpu.memref_slice %arg4[%select_n3A_101, %dma_start3A_102] : memref<6250x128xi32, #tpu.memory_space<hbm>> -> memref<1x128xi32, #tpu.memory_space<hbm>>
    %dma_start3A_104 = tpu.memref_squeeze %dma_start3A_103 : memref<1x128xi32, #tpu.memory_space<hbm>> -> memref<128xi32, #tpu.memory_space<hbm>>
    %dma_start3A_105 = arith.constant 0 : i32
    %dma_start3A_106 = tpu.memref_slice %arg4[%select_n3A_101, %dma_start3A_105] : memref<6250x128xi32, #tpu.memory_space<hbm>> -> memref<1x128xi32, #tpu.memory_space<hbm>>
    %dma_start3A_107 = tpu.memref_squeeze %dma_start3A_106 : memref<1x128xi32, #tpu.memory_space<hbm>> -> memref<128xi32, #tpu.memory_space<hbm>>
    tpu.enqueue_dma source(%dma_start3A_107 : memref<128xi32, #tpu.memory_space<hbm>>) target(%arg10 : memref<128xi32, #tpu.memory_space<vmem>>) target_semaphore(%arg19 : memref<!tpu.dma_semaphore, #tpu.memory_space<semaphore_mem>>)
    %scan3A = arith.constant 0 : i32
    %scan3A_108 = arith.constant 0 : i32
    %scan3A_109 = arith.constant 195 : i32
    %scan3A_110 = arith.addi %scan3A_108, %scan3A_109 : i32
    %scan3A_111 = arith.constant 1 : i32
    scf.for %scan3A_127 = %scan3A_108 to %scan3A_110 step %scan3A_111  : i32 {
      %mul3A_128 = arith.constant 2 : i32
      %mul3A_129 = arith.muli %scan3A_127, %mul3A_128 : i32
      %add3A_130 = arith.constant 1 : i32
      %add3A_131 = arith.addi %mul3A_129, %add3A_130 : i32
      %lt3A_132 = arith.constant 390 : i32
      %lt3A_133 = arith.cmpi slt, %add3A_131, %lt3A_132 : i32
      %add3A_134 = arith.addi %mul3A_2, %add3A_131 : i32
      %add3A_135 = arith.constant 6240 : i32
      %add3A_136 = arith.addi %add3A_135, %arg1 : i32
      %select_n3A_137 = arith.select %lt3A_133, %add3A_134, %add3A_136 : i32
      %add3A_138 = arith.constant 1 : i32
      %add3A_139 = arith.addi %mul3A_129, %add3A_138 : i32
      %lt3A_140 = arith.cmpi slt, %add3A_139, %select_n3A : i32
      %convert_element_type3A_141 = arith.extui %lt3A_140 : i1 to i32
      %cond3A_142 = arith.constant 0 : i32
      %cond3A_143 = arith.cmpi ne, %convert_element_type3A_141, %cond3A_142 : i32
      scf.if %cond3A_143 {
        %dma_wait3A_189 = arith.constant 0 : i32
        %dma_wait3A_190 = tpu.memref_slice %arg3[%select_n3A_137, %dma_wait3A_189] : memref<6250x128xi32, #tpu.memory_space<hbm>> -> memref<1x128xi32, #tpu.memory_space<hbm>>
        %dma_wait3A_191 = tpu.memref_squeeze %dma_wait3A_190 : memref<1x128xi32, #tpu.memory_space<hbm>> -> memref<128xi32, #tpu.memory_space<hbm>>
        %dma_wait3A_192 = arith.constant 0 : i32
        %dma_wait3A_193 = tpu.memref_slice %arg3[%select_n3A_137, %dma_wait3A_192] : memref<6250x128xi32, #tpu.memory_space<hbm>> -> memref<1x128xi32, #tpu.memory_space<hbm>>
        %dma_wait3A_194 = tpu.memref_squeeze %dma_wait3A_193 : memref<1x128xi32, #tpu.memory_space<hbm>> -> memref<128xi32, #tpu.memory_space<hbm>>
        tpu.wait_dma2 semaphore(%arg19 : memref<!tpu.dma_semaphore, #tpu.memory_space<semaphore_mem>>) src(%dma_wait3A_194 : memref<128xi32, #tpu.memory_space<hbm>>) dst(%arg8 : memref<128xi32, #tpu.memory_space<vmem>>)
        %dma_wait3A_195 = arith.constant 0 : i32
        %dma_wait3A_196 = tpu.memref_slice %arg4[%select_n3A_137, %dma_wait3A_195] : memref<6250x128xi32, #tpu.memory_space<hbm>> -> memref<1x128xi32, #tpu.memory_space<hbm>>
        %dma_wait3A_197 = tpu.memref_squeeze %dma_wait3A_196 : memref<1x128xi32, #tpu.memory_space<hbm>> -> memref<128xi32, #tpu.memory_space<hbm>>
        %dma_wait3A_198 = arith.constant 0 : i32
        %dma_wait3A_199 = tpu.memref_slice %arg4[%select_n3A_137, %dma_wait3A_198] : memref<6250x128xi32, #tpu.memory_space<hbm>> -> memref<1x128xi32, #tpu.memory_space<hbm>>
        %dma_wait3A_200 = tpu.memref_squeeze %dma_wait3A_199 : memref<1x128xi32, #tpu.memory_space<hbm>> -> memref<128xi32, #tpu.memory_space<hbm>>
        tpu.wait_dma2 semaphore(%arg19 : memref<!tpu.dma_semaphore, #tpu.memory_space<semaphore_mem>>) src(%dma_wait3A_200 : memref<128xi32, #tpu.memory_space<hbm>>) dst(%arg10 : memref<128xi32, #tpu.memory_space<vmem>>)
        %get3A_201 = arith.constant 0 : index
        %get3A_202 = tpu.vector_load %arg8[%get3A_201] {strides = array<i32>} : memref<128xi32, #tpu.memory_space<vmem>>, vector<16xi32>,
        %get3A_203 = vector.shape_cast %get3A_202 : vector<16xi32> to vector<16xi32>
        %add3A_204 = arith.addi %get3A_203, %get3A_203 : vector<16xi32>
        %add3A_205 = vector.broadcast %arg0 : i32 to vector<16xi32>
        %add3A_206 = arith.addi %add3A_204, %add3A_205 : vector<16xi32>
        %swap3A_207 = arith.constant 0 : index
        %swap3A_208 = tpu.vector_load %arg12[%swap3A_207] {strides = array<i32>} : memref<128xi32, #tpu.memory_space<vmem>>, vector<16xi32>,
        %swap3A_209 = vector.shape_cast %swap3A_208 : vector<16xi32> to vector<16xi32>
        %swap3A_210 = vector.shape_cast %add3A_206 : vector<16xi32> to vector<16xi32>
        tpu.vector_store %arg12[%swap3A_207], %swap3A_210 {strides = array<i32>} : memref<128xi32, #tpu.memory_space<vmem>>, vector<16xi32>,
        %get3A_211 = arith.constant 16 : index
        %get3A_212 = tpu.vector_load %arg8[%get3A_211] {strides = array<i32>} : memref<128xi32, #tpu.memory_space<vmem>>, vector<16xi32>,
        %get3A_213 = vector.shape_cast %get3A_212 : vector<16xi32> to vector<16xi32>
        %add3A_214 = arith.addi %get3A_213, %get3A_213 : vector<16xi32>
        %add3A_215 = vector.broadcast %arg0 : i32 to vector<16xi32>
        %add3A_216 = arith.addi %add3A_214, %add3A_215 : vector<16xi32>
        %swap3A_217 = arith.constant 16 : index
        %swap3A_218 = tpu.vector_load %arg12[%swap3A_217] {strides = array<i32>} : memref<128xi32, #tpu.memory_space<vmem>>, vector<16xi32>,
        %swap3A_219 = vector.shape_cast %swap3A_218 : vector<16xi32> to vector<16xi32>
        %swap3A_220 = vector.shape_cast %add3A_216 : vector<16xi32> to vector<16xi32>
        tpu.vector_store %arg12[%swap3A_217], %swap3A_220 {strides = array<i32>} : memref<128xi32, #tpu.memory_space<vmem>>, vector<16xi32>,
        %get3A_221 = arith.constant 32 : index
        %get3A_222 = tpu.vector_load %arg8[%get3A_221] {strides = array<i32>} : memref<128xi32, #tpu.memory_space<vmem>>, vector<16xi32>,
        %get3A_223 = vector.shape_cast %get3A_222 : vector<16xi32> to vector<16xi32>
        %add3A_224 = arith.addi %get3A_223, %get3A_223 : vector<16xi32>
        %add3A_225 = vector.broadcast %arg0 : i32 to vector<16xi32>
        %add3A_226 = arith.addi %add3A_224, %add3A_225 : vector<16xi32>
        %swap3A_227 = arith.constant 32 : index
        %swap3A_228 = tpu.vector_load %arg12[%swap3A_227] {strides = array<i32>} : memref<128xi32, #tpu.memory_space<vmem>>, vector<16xi32>,
        %swap3A_229 = vector.shape_cast %swap3A_228 : vector<16xi32> to vector<16xi32>
        %swap3A_230 = vector.shape_cast %add3A_226 : vector<16xi32> to vector<16xi32>
        tpu.vector_store %arg12[%swap3A_227], %swap3A_230 {strides = array<i32>} : memref<128xi32, #tpu.memory_space<vmem>>, vector<16xi32>,
        %get3A_231 = arith.constant 48 : index
        %get3A_232 = tpu.vector_load %arg8[%get3A_231] {strides = array<i32>} : memref<128xi32, #tpu.memory_space<vmem>>, vector<16xi32>,
        %get3A_233 = vector.shape_cast %get3A_232 : vector<16xi32> to vector<16xi32>
        %add3A_234 = arith.addi %get3A_233, %get3A_233 : vector<16xi32>
        %add3A_235 = vector.broadcast %arg0 : i32 to vector<16xi32>
        %add3A_236 = arith.addi %add3A_234, %add3A_235 : vector<16xi32>
        %swap3A_237 = arith.constant 48 : index
        %swap3A_238 = tpu.vector_load %arg12[%swap3A_237] {strides = array<i32>} : memref<128xi32, #tpu.memory_space<vmem>>, vector<16xi32>,
        %swap3A_239 = vector.shape_cast %swap3A_238 : vector<16xi32> to vector<16xi32>
        %swap3A_240 = vector.shape_cast %add3A_236 : vector<16xi32> to vector<16xi32>
        tpu.vector_store %arg12[%swap3A_237], %swap3A_240 {strides = array<i32>} : memref<128xi32, #tpu.memory_space<vmem>>, vector<16xi32>,
        %get3A_241 = arith.constant 64 : index
        %get3A_242 = tpu.vector_load %arg8[%get3A_241] {strides = array<i32>} : memref<128xi32, #tpu.memory_space<vmem>>, vector<16xi32>,
        %get3A_243 = vector.shape_cast %get3A_242 : vector<16xi32> to vector<16xi32>
        %add3A_244 = arith.addi %get3A_243, %get3A_243 : vector<16xi32>
        %add3A_245 = vector.broadcast %arg0 : i32 to vector<16xi32>
        %add3A_246 = arith.addi %add3A_244, %add3A_245 : vector<16xi32>
        %swap3A_247 = arith.constant 64 : index
        %swap3A_248 = tpu.vector_load %arg12[%swap3A_247] {strides = array<i32>} : memref<128xi32, #tpu.memory_space<vmem>>, vector<16xi32>,
        %swap3A_249 = vector.shape_cast %swap3A_248 : vector<16xi32> to vector<16xi32>
        %swap3A_250 = vector.shape_cast %add3A_246 : vector<16xi32> to vector<16xi32>
        tpu.vector_store %arg12[%swap3A_247], %swap3A_250 {strides = array<i32>} : memref<128xi32, #tpu.memory_space<vmem>>, vector<16xi32>,
        %get3A_251 = arith.constant 80 : index
        %get3A_252 = tpu.vector_load %arg8[%get3A_251] {strides = array<i32>} : memref<128xi32, #tpu.memory_space<vmem>>, vector<16xi32>,
        %get3A_253 = vector.shape_cast %get3A_252 : vector<16xi32> to vector<16xi32>
        %add3A_254 = arith.addi %get3A_253, %get3A_253 : vector<16xi32>
        %add3A_255 = vector.broadcast %arg0 : i32 to vector<16xi32>
        %add3A_256 = arith.addi %add3A_254, %add3A_255 : vector<16xi32>
        %swap3A_257 = arith.constant 80 : index
        %swap3A_258 = tpu.vector_load %arg12[%swap3A_257] {strides = array<i32>} : memref<128xi32, #tpu.memory_space<vmem>>, vector<16xi32>,
        %swap3A_259 = vector.shape_cast %swap3A_258 : vector<16xi32> to vector<16xi32>
        %swap3A_260 = vector.shape_cast %add3A_256 : vector<16xi32> to vector<16xi32>
        tpu.vector_store %arg12[%swap3A_257], %swap3A_260 {strides = array<i32>} : memref<128xi32, #tpu.memory_space<vmem>>, vector<16xi32>,
        %get3A_261 = arith.constant 96 : index
        %get3A_262 = tpu.vector_load %arg8[%get3A_261] {strides = array<i32>} : memref<128xi32, #tpu.memory_space<vmem>>, vector<16xi32>,
        %get3A_263 = vector.shape_cast %get3A_262 : vector<16xi32> to vector<16xi32>
        %add3A_264 = arith.addi %get3A_263, %get3A_263 : vector<16xi32>
        %add3A_265 = vector.broadcast %arg0 : i32 to vector<16xi32>
        %add3A_266 = arith.addi %add3A_264, %add3A_265 : vector<16xi32>
        %swap3A_267 = arith.constant 96 : index
        %swap3A_268 = tpu.vector_load %arg12[%swap3A_267] {strides = array<i32>} : memref<128xi32, #tpu.memory_space<vmem>>, vector<16xi32>,
        %swap3A_269 = vector.shape_cast %swap3A_268 : vector<16xi32> to vector<16xi32>
        %swap3A_270 = vector.shape_cast %add3A_266 : vector<16xi32> to vector<16xi32>
        tpu.vector_store %arg12[%swap3A_267], %swap3A_270 {strides = array<i32>} : memref<128xi32, #tpu.memory_space<vmem>>, vector<16xi32>,
        %get3A_271 = arith.constant 112 : index
        %get3A_272 = tpu.vector_load %arg8[%get3A_271] {strides = array<i32>} : memref<128xi32, #tpu.memory_space<vmem>>, vector<16xi32>,
        %get3A_273 = vector.shape_cast %get3A_272 : vector<16xi32> to vector<16xi32>
        %add3A_274 = arith.addi %get3A_273, %get3A_273 : vector<16xi32>
        %add3A_275 = vector.broadcast %arg0 : i32 to vector<16xi32>
        %add3A_276 = arith.addi %add3A_274, %add3A_275 : vector<16xi32>
        %swap3A_277 = arith.constant 112 : index
        %swap3A_278 = tpu.vector_load %arg12[%swap3A_277] {strides = array<i32>} : memref<128xi32, #tpu.memory_space<vmem>>, vector<16xi32>,
        %swap3A_279 = vector.shape_cast %swap3A_278 : vector<16xi32> to vector<16xi32>
        %swap3A_280 = vector.shape_cast %add3A_276 : vector<16xi32> to vector<16xi32>
        tpu.vector_store %arg12[%swap3A_277], %swap3A_280 {strides = array<i32>} : memref<128xi32, #tpu.memory_space<vmem>>, vector<16xi32>,
      } else {
      }
      %dma_wait3A = arith.constant 0 : i32
      %dma_wait3A_144 = arith.constant 0 : i32
      %dma_wait3A_145 = tpu.memref_slice %arg2[%dma_wait3A, %dma_wait3A_144] : memref<100000x32xf32, #tpu.memory_space<hbm>> -> memref<100000x32xf32, #tpu.memory_space<hbm>>
      tpu.wait_indirect_dma semaphore(%arg16 : memref<!tpu.dma_semaphore, #tpu.memory_space<semaphore_mem>>) src(%dma_wait3A_145 : memref<100000x32xf32, #tpu.memory_space<hbm>>) dst(%arg13 : memref<128x32xf32, #tpu.memory_space<vmem>>)
      %add3A_146 = arith.constant 1 : i32
      %add3A_147 = arith.addi %mul3A_129, %add3A_146 : i32
      %lt3A_148 = arith.cmpi slt, %add3A_147, %select_n3A : i32
      %convert_element_type3A_149 = arith.extui %lt3A_148 : i1 to i32
      %cond3A_150 = arith.constant 0 : i32
      %cond3A_151 = arith.cmpi ne, %convert_element_type3A_149, %cond3A_150 : i32
      scf.if %cond3A_151 {
        %dma_start3A_189 = arith.constant 0 : i32
        %dma_start3A_190 = arith.constant 0 : i32
        %dma_start3A_191 = tpu.memref_slice %arg2[%dma_start3A_189, %dma_start3A_190] : memref<100000x32xf32, #tpu.memory_space<hbm>> -> memref<100000x32xf32, #tpu.memory_space<hbm>>
        tpu.enqueue_indirect_dma source(%dma_start3A_191 : memref<100000x32xf32, #tpu.memory_space<hbm>>) target(%arg14 : memref<128x32xf32, #tpu.memory_space<vmem>>) offsets(%arg12 : memref<128xi32, #tpu.memory_space<vmem>>) semaphore(%arg17 : memref<!tpu.dma_semaphore, #tpu.memory_space<semaphore_mem>>)
      } else {
      }
      %add3A_152 = arith.constant 2 : i32
      %add3A_153 = arith.addi %mul3A_129, %add3A_152 : i32
      %lt3A_154 = arith.cmpi slt, %add3A_153, %select_n3A : i32
      %convert_element_type3A_155 = arith.extui %lt3A_154 : i1 to i32
      %cond3A_156 = arith.constant 0 : i32
      %cond3A_157 = arith.cmpi ne, %convert_element_type3A_155, %cond3A_156 : i32
      scf.if %cond3A_157 {
        %add3A_189 = arith.constant 2 : i32
        %add3A_190 = arith.addi %mul3A_129, %add3A_189 : i32
        %lt3A_191 = arith.constant 390 : i32
        %lt3A_192 = arith.cmpi slt, %add3A_190, %lt3A_191 : i32
        %add3A_193 = arith.addi %mul3A_2, %add3A_190 : i32
        %add3A_194 = arith.constant 6240 : i32
        %add3A_195 = arith.addi %add3A_194, %arg1 : i32
        %select_n3A_196 = arith.select %lt3A_192, %add3A_193, %add3A_195 : i32
        %dma_start3A_197 = arith.constant 0 : i32
        %dma_start3A_198 = tpu.memref_slice %arg3[%select_n3A_196, %dma_start3A_197] : memref<6250x128xi32, #tpu.memory_space<hbm>> -> memref<1x128xi32, #tpu.memory_space<hbm>>
        %dma_start3A_199 = tpu.memref_squeeze %dma_start3A_198 : memref<1x128xi32, #tpu.memory_space<hbm>> -> memref<128xi32, #tpu.memory_space<hbm>>
        %dma_start3A_200 = arith.constant 0 : i32
        %dma_start3A_201 = tpu.memref_slice %arg3[%select_n3A_196, %dma_start3A_200] : memref<6250x128xi32, #tpu.memory_space<hbm>> -> memref<1x128xi32, #tpu.memory_space<hbm>>
        %dma_start3A_202 = tpu.memref_squeeze %dma_start3A_201 : memref<1x128xi32, #tpu.memory_space<hbm>> -> memref<128xi32, #tpu.memory_space<hbm>>
        tpu.enqueue_dma source(%dma_start3A_202 : memref<128xi32, #tpu.memory_space<hbm>>) target(%arg7 : memref<128xi32, #tpu.memory_space<vmem>>) target_semaphore(%arg18 : memref<!tpu.dma_semaphore, #tpu.memory_space<semaphore_mem>>)
        %dma_start3A_203 = arith.constant 0 : i32
        %dma_start3A_204 = tpu.memref_slice %arg4[%select_n3A_196, %dma_start3A_203] : memref<6250x128xi32, #tpu.memory_space<hbm>> -> memref<1x128xi32, #tpu.memory_space<hbm>>
        %dma_start3A_205 = tpu.memref_squeeze %dma_start3A_204 : memref<1x128xi32, #tpu.memory_space<hbm>> -> memref<128xi32, #tpu.memory_space<hbm>>
        %dma_start3A_206 = arith.constant 0 : i32
        %dma_start3A_207 = tpu.memref_slice %arg4[%select_n3A_196, %dma_start3A_206] : memref<6250x128xi32, #tpu.memory_space<hbm>> -> memref<1x128xi32, #tpu.memory_space<hbm>>
        %dma_start3A_208 = tpu.memref_squeeze %dma_start3A_207 : memref<1x128xi32, #tpu.memory_space<hbm>> -> memref<128xi32, #tpu.memory_space<hbm>>
        tpu.enqueue_dma source(%dma_start3A_208 : memref<128xi32, #tpu.memory_space<hbm>>) target(%arg9 : memref<128xi32, #tpu.memory_space<vmem>>) target_semaphore(%arg18 : memref<!tpu.dma_semaphore, #tpu.memory_space<semaphore_mem>>)
      } else {
      }
      "tpu.region"() ({
        %run_scoped3A = tpu.sem_alloc : memref<!tpu.dma_semaphore, #tpu.memory_space<semaphore_mem>>
        %dma_start3A_189 = arith.constant 0 : i32
        %dma_start3A_190 = arith.constant 0 : i32
        %dma_start3A_191 = tpu.memref_slice %arg15[%dma_start3A_189, %dma_start3A_190] : memref<50048x32xf32, #tpu.memory_space<vmem_shared>> -> memref<50048x32xf32, #tpu.memory_space<vmem_shared>>
        tpu.enqueue_indirect_dma source(%arg13 : memref<128x32xf32, #tpu.memory_space<vmem>>) target(%dma_start3A_191 : memref<50048x32xf32, #tpu.memory_space<vmem_shared>>) offsets(%arg9 : memref<128xi32, #tpu.memory_space<vmem>>) semaphore(%run_scoped3A : memref<!tpu.dma_semaphore, #tpu.memory_space<semaphore_mem>>) {add = true}
        %dma_wait3A_192 = arith.constant 0 : i32
        %dma_wait3A_193 = arith.constant 0 : i32
        %dma_wait3A_194 = tpu.memref_slice %arg15[%dma_wait3A_192, %dma_wait3A_193] : memref<50048x32xf32, #tpu.memory_space<vmem_shared>> -> memref<50048x32xf32, #tpu.memory_space<vmem_shared>>
        tpu.wait_indirect_dma semaphore(%run_scoped3A : memref<!tpu.dma_semaphore, #tpu.memory_space<semaphore_mem>>) src(%arg13 : memref<128x32xf32, #tpu.memory_space<vmem>>) dst(%dma_wait3A_194 : memref<50048x32xf32, #tpu.memory_space<vmem_shared>>)
        tpu.yield
      }) : () -> ()
      %add3A_158 = arith.constant 1 : i32
      %add3A_159 = arith.addi %mul3A_129, %add3A_158 : i32
      %add3A_160 = arith.constant 1 : i32
      %add3A_161 = arith.addi %add3A_159, %add3A_160 : i32
      %lt3A_162 = arith.constant 390 : i32
      %lt3A_163 = arith.cmpi slt, %add3A_161, %lt3A_162 : i32
      %add3A_164 = arith.addi %mul3A_2, %add3A_161 : i32
      %add3A_165 = arith.constant 6240 : i32
      %add3A_166 = arith.addi %add3A_165, %arg1 : i32
      %select_n3A_167 = arith.select %lt3A_163, %add3A_164, %add3A_166 : i32
      %add3A_168 = arith.constant 1 : i32
      %add3A_169 = arith.addi %add3A_159, %add3A_168 : i32
      %lt3A_170 = arith.cmpi slt, %add3A_169, %select_n3A : i32
      %convert_element_type3A_171 = arith.extui %lt3A_170 : i1 to i32
      %cond3A_172 = arith.constant 0 : i32
      %cond3A_173 = arith.cmpi ne, %convert_element_type3A_171, %cond3A_172 : i32
      scf.if %cond3A_173 {
        %dma_wait3A_189 = arith.constant 0 : i32
        %dma_wait3A_190 = tpu.memref_slice %arg3[%select_n3A_167, %dma_wait3A_189] : memref<6250x128xi32, #tpu.memory_space<hbm>> -> memref<1x128xi32, #tpu.memory_space<hbm>>
        %dma_wait3A_191 = tpu.memref_squeeze %dma_wait3A_190 : memref<1x128xi32, #tpu.memory_space<hbm>> -> memref<128xi32, #tpu.memory_space<hbm>>
        %dma_wait3A_192 = arith.constant 0 : i32
        %dma_wait3A_193 = tpu.memref_slice %arg3[%select_n3A_167, %dma_wait3A_192] : memref<6250x128xi32, #tpu.memory_space<hbm>> -> memref<1x128xi32, #tpu.memory_space<hbm>>
        %dma_wait3A_194 = tpu.memref_squeeze %dma_wait3A_193 : memref<1x128xi32, #tpu.memory_space<hbm>> -> memref<128xi32, #tpu.memory_space<hbm>>
        tpu.wait_dma2 semaphore(%arg18 : memref<!tpu.dma_semaphore, #tpu.memory_space<semaphore_mem>>) src(%dma_wait3A_194 : memref<128xi32, #tpu.memory_space<hbm>>) dst(%arg7 : memref<128xi32, #tpu.memory_space<vmem>>)
        %dma_wait3A_195 = arith.constant 0 : i32
        %dma_wait3A_196 = tpu.memref_slice %arg4[%select_n3A_167, %dma_wait3A_195] : memref<6250x128xi32, #tpu.memory_space<hbm>> -> memref<1x128xi32, #tpu.memory_space<hbm>>
        %dma_wait3A_197 = tpu.memref_squeeze %dma_wait3A_196 : memref<1x128xi32, #tpu.memory_space<hbm>> -> memref<128xi32, #tpu.memory_space<hbm>>
        %dma_wait3A_198 = arith.constant 0 : i32
        %dma_wait3A_199 = tpu.memref_slice %arg4[%select_n3A_167, %dma_wait3A_198] : memref<6250x128xi32, #tpu.memory_space<hbm>> -> memref<1x128xi32, #tpu.memory_space<hbm>>
        %dma_wait3A_200 = tpu.memref_squeeze %dma_wait3A_199 : memref<1x128xi32, #tpu.memory_space<hbm>> -> memref<128xi32, #tpu.memory_space<hbm>>
        tpu.wait_dma2 semaphore(%arg18 : memref<!tpu.dma_semaphore, #tpu.memory_space<semaphore_mem>>) src(%dma_wait3A_200 : memref<128xi32, #tpu.memory_space<hbm>>) dst(%arg9 : memref<128xi32, #tpu.memory_space<vmem>>)
        %get3A_201 = arith.constant 0 : index
        %get3A_202 = tpu.vector_load %arg7[%get3A_201] {strides = array<i32>} : memref<128xi32, #tpu.memory_space<vmem>>, vector<16xi32>,
        %get3A_203 = vector.shape_cast %get3A_202 : vector<16xi32> to vector<16xi32>
        %add3A_204 = arith.addi %get3A_203, %get3A_203 : vector<16xi32>
        %add3A_205 = vector.broadcast %arg0 : i32 to vector<16xi32>
        %add3A_206 = arith.addi %add3A_204, %add3A_205 : vector<16xi32>
        %swap3A_207 = arith.constant 0 : index
        %swap3A_208 = tpu.vector_load %arg11[%swap3A_207] {strides = array<i32>} : memref<128xi32, #tpu.memory_space<vmem>>, vector<16xi32>,
        %swap3A_209 = vector.shape_cast %swap3A_208 : vector<16xi32> to vector<16xi32>
        %swap3A_210 = vector.shape_cast %add3A_206 : vector<16xi32> to vector<16xi32>
        tpu.vector_store %arg11[%swap3A_207], %swap3A_210 {strides = array<i32>} : memref<128xi32, #tpu.memory_space<vmem>>, vector<16xi32>,
        %get3A_211 = arith.constant 16 : index
        %get3A_212 = tpu.vector_load %arg7[%get3A_211] {strides = array<i32>} : memref<128xi32, #tpu.memory_space<vmem>>, vector<16xi32>,
        %get3A_213 = vector.shape_cast %get3A_212 : vector<16xi32> to vector<16xi32>
        %add3A_214 = arith.addi %get3A_213, %get3A_213 : vector<16xi32>
        %add3A_215 = vector.broadcast %arg0 : i32 to vector<16xi32>
        %add3A_216 = arith.addi %add3A_214, %add3A_215 : vector<16xi32>
        %swap3A_217 = arith.constant 16 : index
        %swap3A_218 = tpu.vector_load %arg11[%swap3A_217] {strides = array<i32>} : memref<128xi32, #tpu.memory_space<vmem>>, vector<16xi32>,
        %swap3A_219 = vector.shape_cast %swap3A_218 : vector<16xi32> to vector<16xi32>
        %swap3A_220 = vector.shape_cast %add3A_216 : vector<16xi32> to vector<16xi32>
        tpu.vector_store %arg11[%swap3A_217], %swap3A_220 {strides = array<i32>} : memref<128xi32, #tpu.memory_space<vmem>>, vector<16xi32>,
        %get3A_221 = arith.constant 32 : index
        %get3A_222 = tpu.vector_load %arg7[%get3A_221] {strides = array<i32>} : memref<128xi32, #tpu.memory_space<vmem>>, vector<16xi32>,
        %get3A_223 = vector.shape_cast %get3A_222 : vector<16xi32> to vector<16xi32>
        %add3A_224 = arith.addi %get3A_223, %get3A_223 : vector<16xi32>
        %add3A_225 = vector.broadcast %arg0 : i32 to vector<16xi32>
        %add3A_226 = arith.addi %add3A_224, %add3A_225 : vector<16xi32>
        %swap3A_227 = arith.constant 32 : index
        %swap3A_228 = tpu.vector_load %arg11[%swap3A_227] {strides = array<i32>} : memref<128xi32, #tpu.memory_space<vmem>>, vector<16xi32>,
        %swap3A_229 = vector.shape_cast %swap3A_228 : vector<16xi32> to vector<16xi32>
        %swap3A_230 = vector.shape_cast %add3A_226 : vector<16xi32> to vector<16xi32>
        tpu.vector_store %arg11[%swap3A_227], %swap3A_230 {strides = array<i32>} : memref<128xi32, #tpu.memory_space<vmem>>, vector<16xi32>,
        %get3A_231 = arith.constant 48 : index
        %get3A_232 = tpu.vector_load %arg7[%get3A_231] {strides = array<i32>} : memref<128xi32, #tpu.memory_space<vmem>>, vector<16xi32>,
        %get3A_233 = vector.shape_cast %get3A_232 : vector<16xi32> to vector<16xi32>
        %add3A_234 = arith.addi %get3A_233, %get3A_233 : vector<16xi32>
        %add3A_235 = vector.broadcast %arg0 : i32 to vector<16xi32>
        %add3A_236 = arith.addi %add3A_234, %add3A_235 : vector<16xi32>
        %swap3A_237 = arith.constant 48 : index
        %swap3A_238 = tpu.vector_load %arg11[%swap3A_237] {strides = array<i32>} : memref<128xi32, #tpu.memory_space<vmem>>, vector<16xi32>,
        %swap3A_239 = vector.shape_cast %swap3A_238 : vector<16xi32> to vector<16xi32>
        %swap3A_240 = vector.shape_cast %add3A_236 : vector<16xi32> to vector<16xi32>
        tpu.vector_store %arg11[%swap3A_237], %swap3A_240 {strides = array<i32>} : memref<128xi32, #tpu.memory_space<vmem>>, vector<16xi32>,
        %get3A_241 = arith.constant 64 : index
        %get3A_242 = tpu.vector_load %arg7[%get3A_241] {strides = array<i32>} : memref<128xi32, #tpu.memory_space<vmem>>, vector<16xi32>,
        %get3A_243 = vector.shape_cast %get3A_242 : vector<16xi32> to vector<16xi32>
        %add3A_244 = arith.addi %get3A_243, %get3A_243 : vector<16xi32>
        %add3A_245 = vector.broadcast %arg0 : i32 to vector<16xi32>
        %add3A_246 = arith.addi %add3A_244, %add3A_245 : vector<16xi32>
        %swap3A_247 = arith.constant 64 : index
        %swap3A_248 = tpu.vector_load %arg11[%swap3A_247] {strides = array<i32>} : memref<128xi32, #tpu.memory_space<vmem>>, vector<16xi32>,
        %swap3A_249 = vector.shape_cast %swap3A_248 : vector<16xi32> to vector<16xi32>
        %swap3A_250 = vector.shape_cast %add3A_246 : vector<16xi32> to vector<16xi32>
        tpu.vector_store %arg11[%swap3A_247], %swap3A_250 {strides = array<i32>} : memref<128xi32, #tpu.memory_space<vmem>>, vector<16xi32>,
        %get3A_251 = arith.constant 80 : index
        %get3A_252 = tpu.vector_load %arg7[%get3A_251] {strides = array<i32>} : memref<128xi32, #tpu.memory_space<vmem>>, vector<16xi32>,
        %get3A_253 = vector.shape_cast %get3A_252 : vector<16xi32> to vector<16xi32>
        %add3A_254 = arith.addi %get3A_253, %get3A_253 : vector<16xi32>
        %add3A_255 = vector.broadcast %arg0 : i32 to vector<16xi32>
        %add3A_256 = arith.addi %add3A_254, %add3A_255 : vector<16xi32>
        %swap3A_257 = arith.constant 80 : index
        %swap3A_258 = tpu.vector_load %arg11[%swap3A_257] {strides = array<i32>} : memref<128xi32, #tpu.memory_space<vmem>>, vector<16xi32>,
        %swap3A_259 = vector.shape_cast %swap3A_258 : vector<16xi32> to vector<16xi32>
        %swap3A_260 = vector.shape_cast %add3A_256 : vector<16xi32> to vector<16xi32>
        tpu.vector_store %arg11[%swap3A_257], %swap3A_260 {strides = array<i32>} : memref<128xi32, #tpu.memory_space<vmem>>, vector<16xi32>,
        %get3A_261 = arith.constant 96 : index
        %get3A_262 = tpu.vector_load %arg7[%get3A_261] {strides = array<i32>} : memref<128xi32, #tpu.memory_space<vmem>>, vector<16xi32>,
        %get3A_263 = vector.shape_cast %get3A_262 : vector<16xi32> to vector<16xi32>
        %add3A_264 = arith.addi %get3A_263, %get3A_263 : vector<16xi32>
        %add3A_265 = vector.broadcast %arg0 : i32 to vector<16xi32>
        %add3A_266 = arith.addi %add3A_264, %add3A_265 : vector<16xi32>
        %swap3A_267 = arith.constant 96 : index
        %swap3A_268 = tpu.vector_load %arg11[%swap3A_267] {strides = array<i32>} : memref<128xi32, #tpu.memory_space<vmem>>, vector<16xi32>,
        %swap3A_269 = vector.shape_cast %swap3A_268 : vector<16xi32> to vector<16xi32>
        %swap3A_270 = vector.shape_cast %add3A_266 : vector<16xi32> to vector<16xi32>
        tpu.vector_store %arg11[%swap3A_267], %swap3A_270 {strides = array<i32>} : memref<128xi32, #tpu.memory_space<vmem>>, vector<16xi32>,
        %get3A_271 = arith.constant 112 : index
        %get3A_272 = tpu.vector_load %arg7[%get3A_271] {strides = array<i32>} : memref<128xi32, #tpu.memory_space<vmem>>, vector<16xi32>,
        %get3A_273 = vector.shape_cast %get3A_272 : vector<16xi32> to vector<16xi32>
        %add3A_274 = arith.addi %get3A_273, %get3A_273 : vector<16xi32>
        %add3A_275 = vector.broadcast %arg0 : i32 to vector<16xi32>
        %add3A_276 = arith.addi %add3A_274, %add3A_275 : vector<16xi32>
        %swap3A_277 = arith.constant 112 : index
        %swap3A_278 = tpu.vector_load %arg11[%swap3A_277] {strides = array<i32>} : memref<128xi32, #tpu.memory_space<vmem>>, vector<16xi32>,
        %swap3A_279 = vector.shape_cast %swap3A_278 : vector<16xi32> to vector<16xi32>
        %swap3A_280 = vector.shape_cast %add3A_276 : vector<16xi32> to vector<16xi32>
        tpu.vector_store %arg11[%swap3A_277], %swap3A_280 {strides = array<i32>} : memref<128xi32, #tpu.memory_space<vmem>>, vector<16xi32>,
      } else {
      }
      %dma_wait3A_174 = arith.constant 0 : i32
      %dma_wait3A_175 = arith.constant 0 : i32
      %dma_wait3A_176 = tpu.memref_slice %arg2[%dma_wait3A_174, %dma_wait3A_175] : memref<100000x32xf32, #tpu.memory_space<hbm>> -> memref<100000x32xf32, #tpu.memory_space<hbm>>
      tpu.wait_indirect_dma semaphore(%arg17 : memref<!tpu.dma_semaphore, #tpu.memory_space<semaphore_mem>>) src(%dma_wait3A_176 : memref<100000x32xf32, #tpu.memory_space<hbm>>) dst(%arg14 : memref<128x32xf32, #tpu.memory_space<vmem>>)
      %add3A_177 = arith.constant 1 : i32
      %add3A_178 = arith.addi %add3A_159, %add3A_177 : i32
      %lt3A_179 = arith.cmpi slt, %add3A_178, %select_n3A : i32
      %convert_element_type3A_180 = arith.extui %lt3A_179 : i1 to i32
      %cond3A_181 = arith.constant 0 : i32
      %cond3A_182 = arith.cmpi ne, %convert_element_type3A_180, %cond3A_181 : i32
      scf.if %cond3A_182 {
        %dma_start3A_189 = arith.constant 0 : i32
        %dma_start3A_190 = arith.constant 0 : i32
        %dma_start3A_191 = tpu.memref_slice %arg2[%dma_start3A_189, %dma_start3A_190] : memref<100000x32xf32, #tpu.memory_space<hbm>> -> memref<100000x32xf32, #tpu.memory_space<hbm>>
        tpu.enqueue_indirect_dma source(%dma_start3A_191 : memref<100000x32xf32, #tpu.memory_space<hbm>>) target(%arg13 : memref<128x32xf32, #tpu.memory_space<vmem>>) offsets(%arg11 : memref<128xi32, #tpu.memory_space<vmem>>) semaphore(%arg16 : memref<!tpu.dma_semaphore, #tpu.memory_space<semaphore_mem>>)
      } else {
      }
      %add3A_183 = arith.constant 2 : i32
      %add3A_184 = arith.addi %add3A_159, %add3A_183 : i32
      %lt3A_185 = arith.cmpi slt, %add3A_184, %select_n3A : i32
      %convert_element_type3A_186 = arith.extui %lt3A_185 : i1 to i32
      %cond3A_187 = arith.constant 0 : i32
      %cond3A_188 = arith.cmpi ne, %convert_element_type3A_186, %cond3A_187 : i32
      scf.if %cond3A_188 {
        %add3A_189 = arith.constant 2 : i32
        %add3A_190 = arith.addi %add3A_159, %add3A_189 : i32
        %lt3A_191 = arith.constant 390 : i32
        %lt3A_192 = arith.cmpi slt, %add3A_190, %lt3A_191 : i32
        %add3A_193 = arith.addi %mul3A_2, %add3A_190 : i32
        %add3A_194 = arith.constant 6240 : i32
        %add3A_195 = arith.addi %add3A_194, %arg1 : i32
        %select_n3A_196 = arith.select %lt3A_192, %add3A_193, %add3A_195 : i32
        %dma_start3A_197 = arith.constant 0 : i32
        %dma_start3A_198 = tpu.memref_slice %arg3[%select_n3A_196, %dma_start3A_197] : memref<6250x128xi32, #tpu.memory_space<hbm>> -> memref<1x128xi32, #tpu.memory_space<hbm>>
        %dma_start3A_199 = tpu.memref_squeeze %dma_start3A_198 : memref<1x128xi32, #tpu.memory_space<hbm>> -> memref<128xi32, #tpu.memory_space<hbm>>
        %dma_start3A_200 = arith.constant 0 : i32
        %dma_start3A_201 = tpu.memref_slice %arg3[%select_n3A_196, %dma_start3A_200] : memref<6250x128xi32, #tpu.memory_space<hbm>> -> memref<1x128xi32, #tpu.memory_space<hbm>>
        %dma_start3A_202 = tpu.memref_squeeze %dma_start3A_201 : memref<1x128xi32, #tpu.memory_space<hbm>> -> memref<128xi32, #tpu.memory_space<hbm>>
        tpu.enqueue_dma source(%dma_start3A_202 : memref<128xi32, #tpu.memory_space<hbm>>) target(%arg8 : memref<128xi32, #tpu.memory_space<vmem>>) target_semaphore(%arg19 : memref<!tpu.dma_semaphore, #tpu.memory_space<semaphore_mem>>)
        %dma_start3A_203 = arith.constant 0 : i32
        %dma_start3A_204 = tpu.memref_slice %arg4[%select_n3A_196, %dma_start3A_203] : memref<6250x128xi32, #tpu.memory_space<hbm>> -> memref<1x128xi32, #tpu.memory_space<hbm>>
        %dma_start3A_205 = tpu.memref_squeeze %dma_start3A_204 : memref<1x128xi32, #tpu.memory_space<hbm>> -> memref<128xi32, #tpu.memory_space<hbm>>
        %dma_start3A_206 = arith.constant 0 : i32
        %dma_start3A_207 = tpu.memref_slice %arg4[%select_n3A_196, %dma_start3A_206] : memref<6250x128xi32, #tpu.memory_space<hbm>> -> memref<1x128xi32, #tpu.memory_space<hbm>>
        %dma_start3A_208 = tpu.memref_squeeze %dma_start3A_207 : memref<1x128xi32, #tpu.memory_space<hbm>> -> memref<128xi32, #tpu.memory_space<hbm>>
        tpu.enqueue_dma source(%dma_start3A_208 : memref<128xi32, #tpu.memory_space<hbm>>) target(%arg10 : memref<128xi32, #tpu.memory_space<vmem>>) target_semaphore(%arg19 : memref<!tpu.dma_semaphore, #tpu.memory_space<semaphore_mem>>)
      } else {
      }
      "tpu.region"() ({
        %run_scoped3A = tpu.sem_alloc : memref<!tpu.dma_semaphore, #tpu.memory_space<semaphore_mem>>
        %dma_start3A_189 = arith.constant 0 : i32
        %dma_start3A_190 = arith.constant 0 : i32
        %dma_start3A_191 = tpu.memref_slice %arg15[%dma_start3A_189, %dma_start3A_190] : memref<50048x32xf32, #tpu.memory_space<vmem_shared>> -> memref<50048x32xf32, #tpu.memory_space<vmem_shared>>
        tpu.enqueue_indirect_dma source(%arg14 : memref<128x32xf32, #tpu.memory_space<vmem>>) target(%dma_start3A_191 : memref<50048x32xf32, #tpu.memory_space<vmem_shared>>) offsets(%arg10 : memref<128xi32, #tpu.memory_space<vmem>>) semaphore(%run_scoped3A : memref<!tpu.dma_semaphore, #tpu.memory_space<semaphore_mem>>) {add = true}
        %dma_wait3A_192 = arith.constant 0 : i32
        %dma_wait3A_193 = arith.constant 0 : i32
        %dma_wait3A_194 = tpu.memref_slice %arg15[%dma_wait3A_192, %dma_wait3A_193] : memref<50048x32xf32, #tpu.memory_space<vmem_shared>> -> memref<50048x32xf32, #tpu.memory_space<vmem_shared>>
        tpu.wait_indirect_dma semaphore(%run_scoped3A : memref<!tpu.dma_semaphore, #tpu.memory_space<semaphore_mem>>) src(%arg14 : memref<128x32xf32, #tpu.memory_space<vmem>>) dst(%dma_wait3A_194 : memref<50048x32xf32, #tpu.memory_space<vmem_shared>>)
        tpu.yield
      }) : () -> ()
    }
    %scan3A_112 = arith.constant 195 : i32
    %gt3A = arith.constant 390 : i32
    %gt3A_113 = arith.cmpi sgt, %select_n3A, %gt3A : i32
    %convert_element_type3A = arith.extui %gt3A_113 : i1 to i32
    %cond3A = arith.constant 0 : i32
    %cond3A_114 = arith.cmpi ne, %convert_element_type3A, %cond3A : i32
    scf.if %cond3A_114 {
      %dma_wait3A = arith.constant 0 : i32
      %dma_wait3A_127 = arith.constant 0 : i32
      %dma_wait3A_128 = tpu.memref_slice %arg2[%dma_wait3A, %dma_wait3A_127] : memref<100000x32xf32, #tpu.memory_space<hbm>> -> memref<100000x32xf32, #tpu.memory_space<hbm>>
      tpu.wait_indirect_dma semaphore(%arg16 : memref<!tpu.dma_semaphore, #tpu.memory_space<semaphore_mem>>) src(%dma_wait3A_128 : memref<100000x32xf32, #tpu.memory_space<hbm>>) dst(%arg13 : memref<128x32xf32, #tpu.memory_space<vmem>>)
      "tpu.region"() ({
        %run_scoped3A = tpu.sem_alloc : memref<!tpu.dma_semaphore, #tpu.memory_space<semaphore_mem>>
        %dma_start3A_129 = arith.constant 0 : i32
        %dma_start3A_130 = arith.constant 0 : i32
        %dma_start3A_131 = tpu.memref_slice %arg15[%dma_start3A_129, %dma_start3A_130] : memref<50048x32xf32, #tpu.memory_space<vmem_shared>> -> memref<50048x32xf32, #tpu.memory_space<vmem_shared>>
        tpu.enqueue_indirect_dma source(%arg13 : memref<128x32xf32, #tpu.memory_space<vmem>>) target(%dma_start3A_131 : memref<50048x32xf32, #tpu.memory_space<vmem_shared>>) offsets(%arg9 : memref<128xi32, #tpu.memory_space<vmem>>) semaphore(%run_scoped3A : memref<!tpu.dma_semaphore, #tpu.memory_space<semaphore_mem>>) {add = true}
        %dma_wait3A_132 = arith.constant 0 : i32
        %dma_wait3A_133 = arith.constant 0 : i32
        %dma_wait3A_134 = tpu.memref_slice %arg15[%dma_wait3A_132, %dma_wait3A_133] : memref<50048x32xf32, #tpu.memory_space<vmem_shared>> -> memref<50048x32xf32, #tpu.memory_space<vmem_shared>>
        tpu.wait_indirect_dma semaphore(%run_scoped3A : memref<!tpu.dma_semaphore, #tpu.memory_space<semaphore_mem>>) src(%arg13 : memref<128x32xf32, #tpu.memory_space<vmem>>) dst(%dma_wait3A_134 : memref<50048x32xf32, #tpu.memory_space<vmem_shared>>)
        tpu.yield
      }) : () -> ()
    } else {
    }
    %barrier3A_115 = arith.constant 0 : index
    tpu.barrier barrier_id(%barrier3A_115)
    %mul3A_116 = arith.constant 50000 : i32
    %mul3A_117 = arith.muli %arg0, %mul3A_116 : i32
    %lt3A_118 = arith.constant 15 : i32
    %lt3A_119 = arith.cmpi slt, %arg1, %lt3A_118 : i32
    %convert_element_type3A_120 = arith.extui %lt3A_119 : i1 to i32
    %cond3A_121 = arith.constant 0 : i32
    %cond3A_122 = arith.cmpi ne, %convert_element_type3A_120, %cond3A_121 : i32
    scf.if %cond3A_122 {
      %mul3A_127 = arith.constant 3120 : i32
      %mul3A_128 = arith.muli %arg1, %mul3A_127 : i32
      %mul3A_129 = arith.constant 3120 : i32
      %mul3A_130 = arith.muli %arg1, %mul3A_129 : i32
      %add3A_131 = arith.addi %mul3A_117, %mul3A_130 : i32
      "tpu.region"() ({
        %run_scoped3A = tpu.sem_alloc : memref<!tpu.dma_semaphore, #tpu.memory_space<semaphore_mem>>
        %dma_start3A_132 = arith.constant 0 : i32
        %dma_start3A_133 = tpu.memref_slice %arg6[%add3A_131, %dma_start3A_132] : memref<100000x32xf32, #tpu.memory_space<hbm>> -> memref<3120x32xf32, #tpu.memory_space<hbm>>
        %dma_start3A_134 = arith.constant 0 : i32
        %dma_start3A_135 = tpu.memref_slice %arg15[%mul3A_128, %dma_start3A_134] : memref<50048x32xf32, #tpu.memory_space<vmem_shared>> -> memref<3120x32xf32, #tpu.memory_space<vmem_shared>>
        tpu.enqueue_dma source(%dma_start3A_135 : memref<3120x32xf32, #tpu.memory_space<vmem_shared>>) target(%dma_start3A_133 : memref<3120x32xf32, #tpu.memory_space<hbm>>) target_semaphore(%run_scoped3A : memref<!tpu.dma_semaphore, #tpu.memory_space<semaphore_mem>>)
        %dma_wait3A = arith.constant 0 : i32
        %dma_wait3A_136 = tpu.memref_slice %arg6[%add3A_131, %dma_wait3A] : memref<100000x32xf32, #tpu.memory_space<hbm>> -> memref<3120x32xf32, #tpu.memory_space<hbm>>
        %dma_wait3A_137 = arith.constant 0 : i32
        %dma_wait3A_138 = tpu.memref_slice %arg15[%mul3A_128, %dma_wait3A_137] : memref<50048x32xf32, #tpu.memory_space<vmem_shared>> -> memref<3120x32xf32, #tpu.memory_space<vmem_shared>>
        tpu.wait_dma2 semaphore(%run_scoped3A : memref<!tpu.dma_semaphore, #tpu.memory_space<semaphore_mem>>) src(%dma_wait3A_138 : memref<3120x32xf32, #tpu.memory_space<vmem_shared>>) dst(%dma_wait3A_136 : memref<3120x32xf32, #tpu.memory_space<hbm>>)
        tpu.yield
      }) : () -> ()
    } else {
    }
    %eq3A = arith.constant 15 : i32
    %eq3A_123 = arith.cmpi eq, %arg1, %eq3A : i32
    %convert_element_type3A_124 = arith.extui %eq3A_123 : i1 to i32
    %cond3A_125 = arith.constant 0 : i32
    %cond3A_126 = arith.cmpi ne, %convert_element_type3A_124, %cond3A_125 : i32
    scf.if %cond3A_126 {
      %add3A_127 = arith.constant 46800 : i32
      %add3A_128 = arith.addi %mul3A_117, %add3A_127 : i32
      "tpu.region"() ({
        %run_scoped3A = tpu.sem_alloc : memref<!tpu.dma_semaphore, #tpu.memory_space<semaphore_mem>>
        %dma_start3A_129 = arith.constant 0 : i32
        %dma_start3A_130 = tpu.memref_slice %arg6[%add3A_128, %dma_start3A_129] : memref<100000x32xf32, #tpu.memory_space<hbm>> -> memref<3200x32xf32, #tpu.memory_space<hbm>>
        %dma_start3A_131 = arith.constant 46800 : i32
        %dma_start3A_132 = arith.constant 0 : i32
        %dma_start3A_133 = tpu.memref_slice %arg15[%dma_start3A_131, %dma_start3A_132] : memref<50048x32xf32, #tpu.memory_space<vmem_shared>> -> memref<3200x32xf32, #tpu.memory_space<vmem_shared>>
        tpu.enqueue_dma source(%dma_start3A_133 : memref<3200x32xf32, #tpu.memory_space<vmem_shared>>) target(%dma_start3A_130 : memref<3200x32xf32, #tpu.memory_space<hbm>>) target_semaphore(%run_scoped3A : memref<!tpu.dma_semaphore, #tpu.memory_space<semaphore_mem>>)
        %dma_wait3A = arith.constant 0 : i32
        %dma_wait3A_134 = tpu.memref_slice %arg6[%add3A_128, %dma_wait3A] : memref<100000x32xf32, #tpu.memory_space<hbm>> -> memref<3200x32xf32, #tpu.memory_space<hbm>>
        %dma_wait3A_135 = arith.constant 46800 : i32
        %dma_wait3A_136 = arith.constant 0 : i32
        %dma_wait3A_137 = tpu.memref_slice %arg15[%dma_wait3A_135, %dma_wait3A_136] : memref<50048x32xf32, #tpu.memory_space<vmem_shared>> -> memref<3200x32xf32, #tpu.memory_space<vmem_shared>>
        tpu.wait_dma2 semaphore(%run_scoped3A : memref<!tpu.dma_semaphore, #tpu.memory_space<semaphore_mem>>) src(%dma_wait3A_137 : memref<3200x32xf32, #tpu.memory_space<vmem_shared>>) dst(%dma_wait3A_134 : memref<3200x32xf32, #tpu.memory_space<hbm>>)
        tpu.yield
      }) : () -> ()
    } else {
    }
    return
  }
}

#map = affine_map<(d0, d1) -> (0, 0)>
module attributes {stable_mosaic.version = 14 : i64} {
  func.func @_segsum_body(%arg0: i32, %arg1: i32, %arg2: memref<100000x32xf32, #tpu.memory_space<hbm>>, %arg3: memref<6250x128xi32, #tpu.memory_space<hbm>>, %arg4: memref<6250x128xi32, #tpu.memory_space<hbm>>, %arg5: memref<3128x32xf32, #tpu.memory_space<hbm>>, %arg6: memref<100000x32xf32, #tpu.memory_space<hbm>>, %arg7: memref<128xi32, #tpu.memory_space<vmem>>, %arg8: memref<128xi32, #tpu.memory_space<vmem>>, %arg9: memref<128xi32, #tpu.memory_space<vmem>>, %arg10: memref<128xi32, #tpu.memory_space<vmem>>, %arg11: memref<128xi32, #tpu.memory_space<vmem>>, %arg12: memref<128xi32, #tpu.memory_space<vmem>>, %arg13: memref<128x32xf32, #tpu.memory_space<vmem>>, %arg14: memref<128x32xf32, #tpu.memory_space<vmem>>, %arg15: memref<50048x32xf32, #tpu.memory_space<vmem_shared>>, %arg16: memref<!tpu.dma_semaphore, #tpu.memory_space<semaphore_mem>>, %arg17: memref<!tpu.dma_semaphore, #tpu.memory_space<semaphore_mem>>, %arg18: memref<!tpu.dma_semaphore, #tpu.memory_space<semaphore_mem>>, %arg19: memref<!tpu.dma_semaphore, #tpu.memory_space<semaphore_mem>>) attributes {dimension_semantics = [#tpu.dimension_semantics<core_parallel>, #tpu.dimension_semantics<subcore_parallel>], iteration_bounds = array<i64: 2, 16>, scalar_prefetch = 0 : i64, scratch_operands = 13 : i64, tpu.core_type = #tpu.core_type<sc_vector_subcore>, window_params = [{transform_indices = #map}, {transform_indices = #map}, {transform_indices = #map}, {transform_indices = #map}, {transform_indices = #map}]} {
    %mul3A = arith.constant 3128 : i32
    %mul3A_0 = arith.muli %arg1, %mul3A : i32
    "tpu.region"() ({
      %run_scoped3A = tpu.sem_alloc : memref<!tpu.dma_semaphore, #tpu.memory_space<semaphore_mem>>
      %dma_start3A_127 = arith.constant 0 : i32
      %dma_start3A_128 = tpu.memref_slice %arg15[%mul3A_0, %dma_start3A_127] : memref<50048x32xf32, #tpu.memory_space<vmem_shared>> -> memref<3128x32xf32, #tpu.memory_space<vmem_shared>>
      tpu.enqueue_dma source(%arg5 : memref<3128x32xf32, #tpu.memory_space<hbm>>) target(%dma_start3A_128 : memref<3128x32xf32, #tpu.memory_space<vmem_shared>>) target_semaphore(%run_scoped3A : memref<!tpu.dma_semaphore, #tpu.memory_space<semaphore_mem>>)
      %dma_wait3A = arith.constant 0 : i32
      %dma_wait3A_129 = tpu.memref_slice %arg15[%mul3A_0, %dma_wait3A] : memref<50048x32xf32, #tpu.memory_space<vmem_shared>> -> memref<3128x32xf32, #tpu.memory_space<vmem_shared>>
      tpu.wait_dma2 semaphore(%run_scoped3A : memref<!tpu.dma_semaphore, #tpu.memory_space<semaphore_mem>>) src(%arg5 : memref<3128x32xf32, #tpu.memory_space<hbm>>) dst(%dma_wait3A_129 : memref<3128x32xf32, #tpu.memory_space<vmem_shared>>)
      tpu.yield
    }) : () -> ()
    %barrier3A = arith.constant 0 : index
    tpu.barrier barrier_id(%barrier3A)
    %mul3A_1 = arith.constant 390 : i32
    %mul3A_2 = arith.muli %arg1, %mul3A_1 : i32
    %lt3A = arith.constant 10 : i32
    %lt3A_3 = arith.cmpi slt, %arg1, %lt3A : i32
    %jit3A = arith.constant 391 : i32
    %jit3A_4 = arith.constant 390 : i32
    %select_n3A = arith.select %lt3A_3, %jit3A, %jit3A_4 : i32
    "tpu.region"() ({
      %run_scoped3A = tpu.sem_alloc : memref<!tpu.dma_semaphore, #tpu.memory_space<semaphore_mem>>
      %dma_start3A_127 = arith.constant 0 : i32
      %dma_start3A_128 = tpu.memref_slice %arg3[%mul3A_2, %dma_start3A_127] : memref<6250x128xi32, #tpu.memory_space<hbm>> -> memref<1x128xi32, #tpu.memory_space<hbm>>
      %dma_start3A_129 = tpu.memref_squeeze %dma_start3A_128 : memref<1x128xi32, #tpu.memory_space<hbm>> -> memref<128xi32, #tpu.memory_space<hbm>>
      %dma_start3A_130 = arith.constant 0 : i32
      %dma_start3A_131 = tpu.memref_slice %arg3[%mul3A_2, %dma_start3A_130] : memref<6250x128xi32, #tpu.memory_space<hbm>> -> memref<1x128xi32, #tpu.memory_space<hbm>>
      %dma_start3A_132 = tpu.memref_squeeze %dma_start3A_131 : memref<1x128xi32, #tpu.memory_space<hbm>> -> memref<128xi32, #tpu.memory_space<hbm>>
      tpu.enqueue_dma source(%dma_start3A_132 : memref<128xi32, #tpu.memory_space<hbm>>) target(%arg7 : memref<128xi32, #tpu.memory_space<vmem>>) target_semaphore(%run_scoped3A : memref<!tpu.dma_semaphore, #tpu.memory_space<semaphore_mem>>)
      %dma_wait3A = arith.constant 0 : i32
      %dma_wait3A_133 = tpu.memref_slice %arg3[%mul3A_2, %dma_wait3A] : memref<6250x128xi32, #tpu.memory_space<hbm>> -> memref<1x128xi32, #tpu.memory_space<hbm>>
      %dma_wait3A_134 = tpu.memref_squeeze %dma_wait3A_133 : memref<1x128xi32, #tpu.memory_space<hbm>> -> memref<128xi32, #tpu.memory_space<hbm>>
      %dma_wait3A_135 = arith.constant 0 : i32
      %dma_wait3A_136 = tpu.memref_slice %arg3[%mul3A_2, %dma_wait3A_135] : memref<6250x128xi32, #tpu.memory_space<hbm>> -> memref<1x128xi32, #tpu.memory_space<hbm>>
      %dma_wait3A_137 = tpu.memref_squeeze %dma_wait3A_136 : memref<1x128xi32, #tpu.memory_space<hbm>> -> memref<128xi32, #tpu.memory_space<hbm>>
      tpu.wait_dma2 semaphore(%run_scoped3A : memref<!tpu.dma_semaphore, #tpu.memory_space<semaphore_mem>>) src(%dma_wait3A_137 : memref<128xi32, #tpu.memory_space<hbm>>) dst(%arg7 : memref<128xi32, #tpu.memory_space<vmem>>)
      tpu.yield
    }) : () -> ()
    "tpu.region"() ({
      %run_scoped3A = tpu.sem_alloc : memref<!tpu.dma_semaphore, #tpu.memory_space<semaphore_mem>>
      %dma_start3A_127 = arith.constant 0 : i32
      %dma_start3A_128 = tpu.memref_slice %arg4[%mul3A_2, %dma_start3A_127] : memref<6250x128xi32, #tpu.memory_space<hbm>> -> memref<1x128xi32, #tpu.memory_space<hbm>>
      %dma_start3A_129 = tpu.memref_squeeze %dma_start3A_128 : memref<1x128xi32, #tpu.memory_space<hbm>> -> memref<128xi32, #tpu.memory_space<hbm>>
      %dma_start3A_130 = arith.constant 0 : i32
      %dma_start3A_131 = tpu.memref_slice %arg4[%mul3A_2, %dma_start3A_130] : memref<6250x128xi32, #tpu.memory_space<hbm>> -> memref<1x128xi32, #tpu.memory_space<hbm>>
      %dma_start3A_132 = tpu.memref_squeeze %dma_start3A_131 : memref<1x128xi32, #tpu.memory_space<hbm>> -> memref<128xi32, #tpu.memory_space<hbm>>
      tpu.enqueue_dma source(%dma_start3A_132 : memref<128xi32, #tpu.memory_space<hbm>>) target(%arg9 : memref<128xi32, #tpu.memory_space<vmem>>) target_semaphore(%run_scoped3A : memref<!tpu.dma_semaphore, #tpu.memory_space<semaphore_mem>>)
      %dma_wait3A = arith.constant 0 : i32
      %dma_wait3A_133 = tpu.memref_slice %arg4[%mul3A_2, %dma_wait3A] : memref<6250x128xi32, #tpu.memory_space<hbm>> -> memref<1x128xi32, #tpu.memory_space<hbm>>
      %dma_wait3A_134 = tpu.memref_squeeze %dma_wait3A_133 : memref<1x128xi32, #tpu.memory_space<hbm>> -> memref<128xi32, #tpu.memory_space<hbm>>
      %dma_wait3A_135 = arith.constant 0 : i32
      %dma_wait3A_136 = tpu.memref_slice %arg4[%mul3A_2, %dma_wait3A_135] : memref<6250x128xi32, #tpu.memory_space<hbm>> -> memref<1x128xi32, #tpu.memory_space<hbm>>
      %dma_wait3A_137 = tpu.memref_squeeze %dma_wait3A_136 : memref<1x128xi32, #tpu.memory_space<hbm>> -> memref<128xi32, #tpu.memory_space<hbm>>
      tpu.wait_dma2 semaphore(%run_scoped3A : memref<!tpu.dma_semaphore, #tpu.memory_space<semaphore_mem>>) src(%dma_wait3A_137 : memref<128xi32, #tpu.memory_space<hbm>>) dst(%arg9 : memref<128xi32, #tpu.memory_space<vmem>>)
      tpu.yield
    }) : () -> ()
    %get3A = arith.constant 0 : index
    %get3A_5 = tpu.vector_load %arg7[%get3A] {strides = array<i32>} : memref<128xi32, #tpu.memory_space<vmem>>, vector<16xi32>,
    %get3A_6 = vector.shape_cast %get3A_5 : vector<16xi32> to vector<16xi32>
    %add3A = arith.addi %get3A_6, %get3A_6 : vector<16xi32>
    %add3A_7 = vector.broadcast %arg0 : i32 to vector<16xi32>
    %add3A_8 = arith.addi %add3A, %add3A_7 : vector<16xi32>
    %swap3A = arith.constant 0 : index
    %swap3A_9 = tpu.vector_load %arg11[%swap3A] {strides = array<i32>} : memref<128xi32, #tpu.memory_space<vmem>>, vector<16xi32>,
    %swap3A_10 = vector.shape_cast %swap3A_9 : vector<16xi32> to vector<16xi32>
    %swap3A_11 = vector.shape_cast %add3A_8 : vector<16xi32> to vector<16xi32>
    tpu.vector_store %arg11[%swap3A], %swap3A_11 {strides = array<i32>} : memref<128xi32, #tpu.memory_space<vmem>>, vector<16xi32>,
    %get3A_12 = arith.constant 16 : index
    %get3A_13 = tpu.vector_load %arg7[%get3A_12] {strides = array<i32>} : memref<128xi32, #tpu.memory_space<vmem>>, vector<16xi32>,
    %get3A_14 = vector.shape_cast %get3A_13 : vector<16xi32> to vector<16xi32>
    %add3A_15 = arith.addi %get3A_14, %get3A_14 : vector<16xi32>
    %add3A_16 = vector.broadcast %arg0 : i32 to vector<16xi32>
    %add3A_17 = arith.addi %add3A_15, %add3A_16 : vector<16xi32>
    %swap3A_18 = arith.constant 16 : index
    %swap3A_19 = tpu.vector_load %arg11[%swap3A_18] {strides = array<i32>} : memref<128xi32, #tpu.memory_space<vmem>>, vector<16xi32>,
    %swap3A_20 = vector.shape_cast %swap3A_19 : vector<16xi32> to vector<16xi32>
    %swap3A_21 = vector.shape_cast %add3A_17 : vector<16xi32> to vector<16xi32>
    tpu.vector_store %arg11[%swap3A_18], %swap3A_21 {strides = array<i32>} : memref<128xi32, #tpu.memory_space<vmem>>, vector<16xi32>,
    %get3A_22 = arith.constant 32 : index
    %get3A_23 = tpu.vector_load %arg7[%get3A_22] {strides = array<i32>} : memref<128xi32, #tpu.memory_space<vmem>>, vector<16xi32>,
    %get3A_24 = vector.shape_cast %get3A_23 : vector<16xi32> to vector<16xi32>
    %add3A_25 = arith.addi %get3A_24, %get3A_24 : vector<16xi32>
    %add3A_26 = vector.broadcast %arg0 : i32 to vector<16xi32>
    %add3A_27 = arith.addi %add3A_25, %add3A_26 : vector<16xi32>
    %swap3A_28 = arith.constant 32 : index
    %swap3A_29 = tpu.vector_load %arg11[%swap3A_28] {strides = array<i32>} : memref<128xi32, #tpu.memory_space<vmem>>, vector<16xi32>,
    %swap3A_30 = vector.shape_cast %swap3A_29 : vector<16xi32> to vector<16xi32>
    %swap3A_31 = vector.shape_cast %add3A_27 : vector<16xi32> to vector<16xi32>
    tpu.vector_store %arg11[%swap3A_28], %swap3A_31 {strides = array<i32>} : memref<128xi32, #tpu.memory_space<vmem>>, vector<16xi32>,
    %get3A_32 = arith.constant 48 : index
    %get3A_33 = tpu.vector_load %arg7[%get3A_32] {strides = array<i32>} : memref<128xi32, #tpu.memory_space<vmem>>, vector<16xi32>,
    %get3A_34 = vector.shape_cast %get3A_33 : vector<16xi32> to vector<16xi32>
    %add3A_35 = arith.addi %get3A_34, %get3A_34 : vector<16xi32>
    %add3A_36 = vector.broadcast %arg0 : i32 to vector<16xi32>
    %add3A_37 = arith.addi %add3A_35, %add3A_36 : vector<16xi32>
    %swap3A_38 = arith.constant 48 : index
    %swap3A_39 = tpu.vector_load %arg11[%swap3A_38] {strides = array<i32>} : memref<128xi32, #tpu.memory_space<vmem>>, vector<16xi32>,
    %swap3A_40 = vector.shape_cast %swap3A_39 : vector<16xi32> to vector<16xi32>
    %swap3A_41 = vector.shape_cast %add3A_37 : vector<16xi32> to vector<16xi32>
    tpu.vector_store %arg11[%swap3A_38], %swap3A_41 {strides = array<i32>} : memref<128xi32, #tpu.memory_space<vmem>>, vector<16xi32>,
    %get3A_42 = arith.constant 64 : index
    %get3A_43 = tpu.vector_load %arg7[%get3A_42] {strides = array<i32>} : memref<128xi32, #tpu.memory_space<vmem>>, vector<16xi32>,
    %get3A_44 = vector.shape_cast %get3A_43 : vector<16xi32> to vector<16xi32>
    %add3A_45 = arith.addi %get3A_44, %get3A_44 : vector<16xi32>
    %add3A_46 = vector.broadcast %arg0 : i32 to vector<16xi32>
    %add3A_47 = arith.addi %add3A_45, %add3A_46 : vector<16xi32>
    %swap3A_48 = arith.constant 64 : index
    %swap3A_49 = tpu.vector_load %arg11[%swap3A_48] {strides = array<i32>} : memref<128xi32, #tpu.memory_space<vmem>>, vector<16xi32>,
    %swap3A_50 = vector.shape_cast %swap3A_49 : vector<16xi32> to vector<16xi32>
    %swap3A_51 = vector.shape_cast %add3A_47 : vector<16xi32> to vector<16xi32>
    tpu.vector_store %arg11[%swap3A_48], %swap3A_51 {strides = array<i32>} : memref<128xi32, #tpu.memory_space<vmem>>, vector<16xi32>,
    %get3A_52 = arith.constant 80 : index
    %get3A_53 = tpu.vector_load %arg7[%get3A_52] {strides = array<i32>} : memref<128xi32, #tpu.memory_space<vmem>>, vector<16xi32>,
    %get3A_54 = vector.shape_cast %get3A_53 : vector<16xi32> to vector<16xi32>
    %add3A_55 = arith.addi %get3A_54, %get3A_54 : vector<16xi32>
    %add3A_56 = vector.broadcast %arg0 : i32 to vector<16xi32>
    %add3A_57 = arith.addi %add3A_55, %add3A_56 : vector<16xi32>
    %swap3A_58 = arith.constant 80 : index
    %swap3A_59 = tpu.vector_load %arg11[%swap3A_58] {strides = array<i32>} : memref<128xi32, #tpu.memory_space<vmem>>, vector<16xi32>,
    %swap3A_60 = vector.shape_cast %swap3A_59 : vector<16xi32> to vector<16xi32>
    %swap3A_61 = vector.shape_cast %add3A_57 : vector<16xi32> to vector<16xi32>
    tpu.vector_store %arg11[%swap3A_58], %swap3A_61 {strides = array<i32>} : memref<128xi32, #tpu.memory_space<vmem>>, vector<16xi32>,
    %get3A_62 = arith.constant 96 : index
    %get3A_63 = tpu.vector_load %arg7[%get3A_62] {strides = array<i32>} : memref<128xi32, #tpu.memory_space<vmem>>, vector<16xi32>,
    %get3A_64 = vector.shape_cast %get3A_63 : vector<16xi32> to vector<16xi32>
    %add3A_65 = arith.addi %get3A_64, %get3A_64 : vector<16xi32>
    %add3A_66 = vector.broadcast %arg0 : i32 to vector<16xi32>
    %add3A_67 = arith.addi %add3A_65, %add3A_66 : vector<16xi32>
    %swap3A_68 = arith.constant 96 : index
    %swap3A_69 = tpu.vector_load %arg11[%swap3A_68] {strides = array<i32>} : memref<128xi32, #tpu.memory_space<vmem>>, vector<16xi32>,
    %swap3A_70 = vector.shape_cast %swap3A_69 : vector<16xi32> to vector<16xi32>
    %swap3A_71 = vector.shape_cast %add3A_67 : vector<16xi32> to vector<16xi32>
    tpu.vector_store %arg11[%swap3A_68], %swap3A_71 {strides = array<i32>} : memref<128xi32, #tpu.memory_space<vmem>>, vector<16xi32>,
    %get3A_72 = arith.constant 112 : index
    %get3A_73 = tpu.vector_load %arg7[%get3A_72] {strides = array<i32>} : memref<128xi32, #tpu.memory_space<vmem>>, vector<16xi32>,
    %get3A_74 = vector.shape_cast %get3A_73 : vector<16xi32> to vector<16xi32>
    %add3A_75 = arith.addi %get3A_74, %get3A_74 : vector<16xi32>
    %add3A_76 = vector.broadcast %arg0 : i32 to vector<16xi32>
    %add3A_77 = arith.addi %add3A_75, %add3A_76 : vector<16xi32>
    %swap3A_78 = arith.constant 112 : index
    %swap3A_79 = tpu.vector_load %arg11[%swap3A_78] {strides = array<i32>} : memref<128xi32, #tpu.memory_space<vmem>>, vector<16xi32>,
    %swap3A_80 = vector.shape_cast %swap3A_79 : vector<16xi32> to vector<16xi32>
    %swap3A_81 = vector.shape_cast %add3A_77 : vector<16xi32> to vector<16xi32>
    tpu.vector_store %arg11[%swap3A_78], %swap3A_81 {strides = array<i32>} : memref<128xi32, #tpu.memory_space<vmem>>, vector<16xi32>,
    %dma_start3A = arith.constant 0 : i32
    %dma_start3A_82 = arith.constant 0 : i32
    %dma_start3A_83 = tpu.memref_slice %arg2[%dma_start3A, %dma_start3A_82] : memref<100000x32xf32, #tpu.memory_space<hbm>> -> memref<100000x32xf32, #tpu.memory_space<hbm>>
    tpu.enqueue_indirect_dma source(%dma_start3A_83 : memref<100000x32xf32, #tpu.memory_space<hbm>>) target(%arg13 : memref<128x32xf32, #tpu.memory_space<vmem>>) offsets(%arg11 : memref<128xi32, #tpu.memory_space<vmem>>) semaphore(%arg16 : memref<!tpu.dma_semaphore, #tpu.memory_space<semaphore_mem>>)
    %add3A_84 = arith.constant 1 : i32
    %add3A_85 = arith.addi %mul3A_2, %add3A_84 : i32
    %add3A_86 = arith.constant 6240 : i32
    %add3A_87 = arith.addi %add3A_86, %arg1 : i32
    %jit3A_88 = arith.constant true
    %select_n3A_89 = arith.select %jit3A_88, %add3A_85, %add3A_87 : i32
    %dma_start3A_90 = arith.constant 0 : i32
    %dma_start3A_91 = tpu.memref_slice %arg3[%select_n3A_89, %dma_start3A_90] : memref<6250x128xi32, #tpu.memory_space<hbm>> -> memref<1x128xi32, #tpu.memory_space<hbm>>
    %dma_start3A_92 = tpu.memref_squeeze %dma_start3A_91 : memref<1x128xi32, #tpu.memory_space<hbm>> -> memref<128xi32, #tpu.memory_space<hbm>>
    %dma_start3A_93 = arith.constant 0 : i32
    %dma_start3A_94 = tpu.memref_slice %arg3[%select_n3A_89, %dma_start3A_93] : memref<6250x128xi32, #tpu.memory_space<hbm>> -> memref<1x128xi32, #tpu.memory_space<hbm>>
    %dma_start3A_95 = tpu.memref_squeeze %dma_start3A_94 : memref<1x128xi32, #tpu.memory_space<hbm>> -> memref<128xi32, #tpu.memory_space<hbm>>
    tpu.enqueue_dma source(%dma_start3A_95 : memref<128xi32, #tpu.memory_space<hbm>>) target(%arg8 : memref<128xi32, #tpu.memory_space<vmem>>) target_semaphore(%arg19 : memref<!tpu.dma_semaphore, #tpu.memory_space<semaphore_mem>>)
    %add3A_96 = arith.constant 1 : i32
    %add3A_97 = arith.addi %mul3A_2, %add3A_96 : i32
    %add3A_98 = arith.constant 6240 : i32
    %add3A_99 = arith.addi %add3A_98, %arg1 : i32
    %jit3A_100 = arith.constant true
    %select_n3A_101 = arith.select %jit3A_100, %add3A_97, %add3A_99 : i32
    %dma_start3A_102 = arith.constant 0 : i32
    %dma_start3A_103 = tpu.memref_slice %arg4[%select_n3A_101, %dma_start3A_102] : memref<6250x128xi32, #tpu.memory_space<hbm>> -> memref<1x128xi32, #tpu.memory_space<hbm>>
    %dma_start3A_104 = tpu.memref_squeeze %dma_start3A_103 : memref<1x128xi32, #tpu.memory_space<hbm>> -> memref<128xi32, #tpu.memory_space<hbm>>
    %dma_start3A_105 = arith.constant 0 : i32
    %dma_start3A_106 = tpu.memref_slice %arg4[%select_n3A_101, %dma_start3A_105] : memref<6250x128xi32, #tpu.memory_space<hbm>> -> memref<1x128xi32, #tpu.memory_space<hbm>>
    %dma_start3A_107 = tpu.memref_squeeze %dma_start3A_106 : memref<1x128xi32, #tpu.memory_space<hbm>> -> memref<128xi32, #tpu.memory_space<hbm>>
    tpu.enqueue_dma source(%dma_start3A_107 : memref<128xi32, #tpu.memory_space<hbm>>) target(%arg10 : memref<128xi32, #tpu.memory_space<vmem>>) target_semaphore(%arg19 : memref<!tpu.dma_semaphore, #tpu.memory_space<semaphore_mem>>)
    %scan3A = arith.constant 0 : i32
    %scan3A_108 = arith.constant 0 : i32
    %scan3A_109 = arith.constant 195 : i32
    %scan3A_110 = arith.addi %scan3A_108, %scan3A_109 : i32
    %scan3A_111 = arith.constant 1 : i32
    scf.for %scan3A_127 = %scan3A_108 to %scan3A_110 step %scan3A_111  : i32 {
      %mul3A_128 = arith.constant 2 : i32
      %mul3A_129 = arith.muli %scan3A_127, %mul3A_128 : i32
      %add3A_130 = arith.constant 1 : i32
      %add3A_131 = arith.addi %mul3A_129, %add3A_130 : i32
      %lt3A_132 = arith.constant 390 : i32
      %lt3A_133 = arith.cmpi slt, %add3A_131, %lt3A_132 : i32
      %add3A_134 = arith.addi %mul3A_2, %add3A_131 : i32
      %add3A_135 = arith.constant 6240 : i32
      %add3A_136 = arith.addi %add3A_135, %arg1 : i32
      %select_n3A_137 = arith.select %lt3A_133, %add3A_134, %add3A_136 : i32
      %add3A_138 = arith.constant 1 : i32
      %add3A_139 = arith.addi %mul3A_129, %add3A_138 : i32
      %lt3A_140 = arith.cmpi slt, %add3A_139, %select_n3A : i32
      %convert_element_type3A_141 = arith.extui %lt3A_140 : i1 to i32
      %cond3A_142 = arith.constant 0 : i32
      %cond3A_143 = arith.cmpi ne, %convert_element_type3A_141, %cond3A_142 : i32
      scf.if %cond3A_143 {
        %dma_wait3A_189 = arith.constant 0 : i32
        %dma_wait3A_190 = tpu.memref_slice %arg3[%select_n3A_137, %dma_wait3A_189] : memref<6250x128xi32, #tpu.memory_space<hbm>> -> memref<1x128xi32, #tpu.memory_space<hbm>>
        %dma_wait3A_191 = tpu.memref_squeeze %dma_wait3A_190 : memref<1x128xi32, #tpu.memory_space<hbm>> -> memref<128xi32, #tpu.memory_space<hbm>>
        %dma_wait3A_192 = arith.constant 0 : i32
        %dma_wait3A_193 = tpu.memref_slice %arg3[%select_n3A_137, %dma_wait3A_192] : memref<6250x128xi32, #tpu.memory_space<hbm>> -> memref<1x128xi32, #tpu.memory_space<hbm>>
        %dma_wait3A_194 = tpu.memref_squeeze %dma_wait3A_193 : memref<1x128xi32, #tpu.memory_space<hbm>> -> memref<128xi32, #tpu.memory_space<hbm>>
        tpu.wait_dma2 semaphore(%arg19 : memref<!tpu.dma_semaphore, #tpu.memory_space<semaphore_mem>>) src(%dma_wait3A_194 : memref<128xi32, #tpu.memory_space<hbm>>) dst(%arg8 : memref<128xi32, #tpu.memory_space<vmem>>)
        %dma_wait3A_195 = arith.constant 0 : i32
        %dma_wait3A_196 = tpu.memref_slice %arg4[%select_n3A_137, %dma_wait3A_195] : memref<6250x128xi32, #tpu.memory_space<hbm>> -> memref<1x128xi32, #tpu.memory_space<hbm>>
        %dma_wait3A_197 = tpu.memref_squeeze %dma_wait3A_196 : memref<1x128xi32, #tpu.memory_space<hbm>> -> memref<128xi32, #tpu.memory_space<hbm>>
        %dma_wait3A_198 = arith.constant 0 : i32
        %dma_wait3A_199 = tpu.memref_slice %arg4[%select_n3A_137, %dma_wait3A_198] : memref<6250x128xi32, #tpu.memory_space<hbm>> -> memref<1x128xi32, #tpu.memory_space<hbm>>
        %dma_wait3A_200 = tpu.memref_squeeze %dma_wait3A_199 : memref<1x128xi32, #tpu.memory_space<hbm>> -> memref<128xi32, #tpu.memory_space<hbm>>
        tpu.wait_dma2 semaphore(%arg19 : memref<!tpu.dma_semaphore, #tpu.memory_space<semaphore_mem>>) src(%dma_wait3A_200 : memref<128xi32, #tpu.memory_space<hbm>>) dst(%arg10 : memref<128xi32, #tpu.memory_space<vmem>>)
        %get3A_201 = arith.constant 0 : index
        %get3A_202 = tpu.vector_load %arg8[%get3A_201] {strides = array<i32>} : memref<128xi32, #tpu.memory_space<vmem>>, vector<16xi32>,
        %get3A_203 = vector.shape_cast %get3A_202 : vector<16xi32> to vector<16xi32>
        %add3A_204 = arith.addi %get3A_203, %get3A_203 : vector<16xi32>
        %add3A_205 = vector.broadcast %arg0 : i32 to vector<16xi32>
        %add3A_206 = arith.addi %add3A_204, %add3A_205 : vector<16xi32>
        %swap3A_207 = arith.constant 0 : index
        %swap3A_208 = tpu.vector_load %arg12[%swap3A_207] {strides = array<i32>} : memref<128xi32, #tpu.memory_space<vmem>>, vector<16xi32>,
        %swap3A_209 = vector.shape_cast %swap3A_208 : vector<16xi32> to vector<16xi32>
        %swap3A_210 = vector.shape_cast %add3A_206 : vector<16xi32> to vector<16xi32>
        tpu.vector_store %arg12[%swap3A_207], %swap3A_210 {strides = array<i32>} : memref<128xi32, #tpu.memory_space<vmem>>, vector<16xi32>,
        %get3A_211 = arith.constant 16 : index
        %get3A_212 = tpu.vector_load %arg8[%get3A_211] {strides = array<i32>} : memref<128xi32, #tpu.memory_space<vmem>>, vector<16xi32>,
        %get3A_213 = vector.shape_cast %get3A_212 : vector<16xi32> to vector<16xi32>
        %add3A_214 = arith.addi %get3A_213, %get3A_213 : vector<16xi32>
        %add3A_215 = vector.broadcast %arg0 : i32 to vector<16xi32>
        %add3A_216 = arith.addi %add3A_214, %add3A_215 : vector<16xi32>
        %swap3A_217 = arith.constant 16 : index
        %swap3A_218 = tpu.vector_load %arg12[%swap3A_217] {strides = array<i32>} : memref<128xi32, #tpu.memory_space<vmem>>, vector<16xi32>,
        %swap3A_219 = vector.shape_cast %swap3A_218 : vector<16xi32> to vector<16xi32>
        %swap3A_220 = vector.shape_cast %add3A_216 : vector<16xi32> to vector<16xi32>
        tpu.vector_store %arg12[%swap3A_217], %swap3A_220 {strides = array<i32>} : memref<128xi32, #tpu.memory_space<vmem>>, vector<16xi32>,
        %get3A_221 = arith.constant 32 : index
        %get3A_222 = tpu.vector_load %arg8[%get3A_221] {strides = array<i32>} : memref<128xi32, #tpu.memory_space<vmem>>, vector<16xi32>,
        %get3A_223 = vector.shape_cast %get3A_222 : vector<16xi32> to vector<16xi32>
        %add3A_224 = arith.addi %get3A_223, %get3A_223 : vector<16xi32>
        %add3A_225 = vector.broadcast %arg0 : i32 to vector<16xi32>
        %add3A_226 = arith.addi %add3A_224, %add3A_225 : vector<16xi32>
        %swap3A_227 = arith.constant 32 : index
        %swap3A_228 = tpu.vector_load %arg12[%swap3A_227] {strides = array<i32>} : memref<128xi32, #tpu.memory_space<vmem>>, vector<16xi32>,
        %swap3A_229 = vector.shape_cast %swap3A_228 : vector<16xi32> to vector<16xi32>
        %swap3A_230 = vector.shape_cast %add3A_226 : vector<16xi32> to vector<16xi32>
        tpu.vector_store %arg12[%swap3A_227], %swap3A_230 {strides = array<i32>} : memref<128xi32, #tpu.memory_space<vmem>>, vector<16xi32>,
        %get3A_231 = arith.constant 48 : index
        %get3A_232 = tpu.vector_load %arg8[%get3A_231] {strides = array<i32>} : memref<128xi32, #tpu.memory_space<vmem>>, vector<16xi32>,
        %get3A_233 = vector.shape_cast %get3A_232 : vector<16xi32> to vector<16xi32>
        %add3A_234 = arith.addi %get3A_233, %get3A_233 : vector<16xi32>
        %add3A_235 = vector.broadcast %arg0 : i32 to vector<16xi32>
        %add3A_236 = arith.addi %add3A_234, %add3A_235 : vector<16xi32>
        %swap3A_237 = arith.constant 48 : index
        %swap3A_238 = tpu.vector_load %arg12[%swap3A_237] {strides = array<i32>} : memref<128xi32, #tpu.memory_space<vmem>>, vector<16xi32>,
        %swap3A_239 = vector.shape_cast %swap3A_238 : vector<16xi32> to vector<16xi32>
        %swap3A_240 = vector.shape_cast %add3A_236 : vector<16xi32> to vector<16xi32>
        tpu.vector_store %arg12[%swap3A_237], %swap3A_240 {strides = array<i32>} : memref<128xi32, #tpu.memory_space<vmem>>, vector<16xi32>,
        %get3A_241 = arith.constant 64 : index
        %get3A_242 = tpu.vector_load %arg8[%get3A_241] {strides = array<i32>} : memref<128xi32, #tpu.memory_space<vmem>>, vector<16xi32>,
        %get3A_243 = vector.shape_cast %get3A_242 : vector<16xi32> to vector<16xi32>
        %add3A_244 = arith.addi %get3A_243, %get3A_243 : vector<16xi32>
        %add3A_245 = vector.broadcast %arg0 : i32 to vector<16xi32>
        %add3A_246 = arith.addi %add3A_244, %add3A_245 : vector<16xi32>
        %swap3A_247 = arith.constant 64 : index
        %swap3A_248 = tpu.vector_load %arg12[%swap3A_247] {strides = array<i32>} : memref<128xi32, #tpu.memory_space<vmem>>, vector<16xi32>,
        %swap3A_249 = vector.shape_cast %swap3A_248 : vector<16xi32> to vector<16xi32>
        %swap3A_250 = vector.shape_cast %add3A_246 : vector<16xi32> to vector<16xi32>
        tpu.vector_store %arg12[%swap3A_247], %swap3A_250 {strides = array<i32>} : memref<128xi32, #tpu.memory_space<vmem>>, vector<16xi32>,
        %get3A_251 = arith.constant 80 : index
        %get3A_252 = tpu.vector_load %arg8[%get3A_251] {strides = array<i32>} : memref<128xi32, #tpu.memory_space<vmem>>, vector<16xi32>,
        %get3A_253 = vector.shape_cast %get3A_252 : vector<16xi32> to vector<16xi32>
        %add3A_254 = arith.addi %get3A_253, %get3A_253 : vector<16xi32>
        %add3A_255 = vector.broadcast %arg0 : i32 to vector<16xi32>
        %add3A_256 = arith.addi %add3A_254, %add3A_255 : vector<16xi32>
        %swap3A_257 = arith.constant 80 : index
        %swap3A_258 = tpu.vector_load %arg12[%swap3A_257] {strides = array<i32>} : memref<128xi32, #tpu.memory_space<vmem>>, vector<16xi32>,
        %swap3A_259 = vector.shape_cast %swap3A_258 : vector<16xi32> to vector<16xi32>
        %swap3A_260 = vector.shape_cast %add3A_256 : vector<16xi32> to vector<16xi32>
        tpu.vector_store %arg12[%swap3A_257], %swap3A_260 {strides = array<i32>} : memref<128xi32, #tpu.memory_space<vmem>>, vector<16xi32>,
        %get3A_261 = arith.constant 96 : index
        %get3A_262 = tpu.vector_load %arg8[%get3A_261] {strides = array<i32>} : memref<128xi32, #tpu.memory_space<vmem>>, vector<16xi32>,
        %get3A_263 = vector.shape_cast %get3A_262 : vector<16xi32> to vector<16xi32>
        %add3A_264 = arith.addi %get3A_263, %get3A_263 : vector<16xi32>
        %add3A_265 = vector.broadcast %arg0 : i32 to vector<16xi32>
        %add3A_266 = arith.addi %add3A_264, %add3A_265 : vector<16xi32>
        %swap3A_267 = arith.constant 96 : index
        %swap3A_268 = tpu.vector_load %arg12[%swap3A_267] {strides = array<i32>} : memref<128xi32, #tpu.memory_space<vmem>>, vector<16xi32>,
        %swap3A_269 = vector.shape_cast %swap3A_268 : vector<16xi32> to vector<16xi32>
        %swap3A_270 = vector.shape_cast %add3A_266 : vector<16xi32> to vector<16xi32>
        tpu.vector_store %arg12[%swap3A_267], %swap3A_270 {strides = array<i32>} : memref<128xi32, #tpu.memory_space<vmem>>, vector<16xi32>,
        %get3A_271 = arith.constant 112 : index
        %get3A_272 = tpu.vector_load %arg8[%get3A_271] {strides = array<i32>} : memref<128xi32, #tpu.memory_space<vmem>>, vector<16xi32>,
        %get3A_273 = vector.shape_cast %get3A_272 : vector<16xi32> to vector<16xi32>
        %add3A_274 = arith.addi %get3A_273, %get3A_273 : vector<16xi32>
        %add3A_275 = vector.broadcast %arg0 : i32 to vector<16xi32>
        %add3A_276 = arith.addi %add3A_274, %add3A_275 : vector<16xi32>
        %swap3A_277 = arith.constant 112 : index
        %swap3A_278 = tpu.vector_load %arg12[%swap3A_277] {strides = array<i32>} : memref<128xi32, #tpu.memory_space<vmem>>, vector<16xi32>,
        %swap3A_279 = vector.shape_cast %swap3A_278 : vector<16xi32> to vector<16xi32>
        %swap3A_280 = vector.shape_cast %add3A_276 : vector<16xi32> to vector<16xi32>
        tpu.vector_store %arg12[%swap3A_277], %swap3A_280 {strides = array<i32>} : memref<128xi32, #tpu.memory_space<vmem>>, vector<16xi32>,
      } else {
      }
      %dma_wait3A = arith.constant 0 : i32
      %dma_wait3A_144 = arith.constant 0 : i32
      %dma_wait3A_145 = tpu.memref_slice %arg2[%dma_wait3A, %dma_wait3A_144] : memref<100000x32xf32, #tpu.memory_space<hbm>> -> memref<100000x32xf32, #tpu.memory_space<hbm>>
      tpu.wait_indirect_dma semaphore(%arg16 : memref<!tpu.dma_semaphore, #tpu.memory_space<semaphore_mem>>) src(%dma_wait3A_145 : memref<100000x32xf32, #tpu.memory_space<hbm>>) dst(%arg13 : memref<128x32xf32, #tpu.memory_space<vmem>>)
      %add3A_146 = arith.constant 1 : i32
      %add3A_147 = arith.addi %mul3A_129, %add3A_146 : i32
      %lt3A_148 = arith.cmpi slt, %add3A_147, %select_n3A : i32
      %convert_element_type3A_149 = arith.extui %lt3A_148 : i1 to i32
      %cond3A_150 = arith.constant 0 : i32
      %cond3A_151 = arith.cmpi ne, %convert_element_type3A_149, %cond3A_150 : i32
      scf.if %cond3A_151 {
        %dma_start3A_189 = arith.constant 0 : i32
        %dma_start3A_190 = arith.constant 0 : i32
        %dma_start3A_191 = tpu.memref_slice %arg2[%dma_start3A_189, %dma_start3A_190] : memref<100000x32xf32, #tpu.memory_space<hbm>> -> memref<100000x32xf32, #tpu.memory_space<hbm>>
        tpu.enqueue_indirect_dma source(%dma_start3A_191 : memref<100000x32xf32, #tpu.memory_space<hbm>>) target(%arg14 : memref<128x32xf32, #tpu.memory_space<vmem>>) offsets(%arg12 : memref<128xi32, #tpu.memory_space<vmem>>) semaphore(%arg17 : memref<!tpu.dma_semaphore, #tpu.memory_space<semaphore_mem>>)
      } else {
      }
      %add3A_152 = arith.constant 2 : i32
      %add3A_153 = arith.addi %mul3A_129, %add3A_152 : i32
      %lt3A_154 = arith.cmpi slt, %add3A_153, %select_n3A : i32
      %convert_element_type3A_155 = arith.extui %lt3A_154 : i1 to i32
      %cond3A_156 = arith.constant 0 : i32
      %cond3A_157 = arith.cmpi ne, %convert_element_type3A_155, %cond3A_156 : i32
      scf.if %cond3A_157 {
        %add3A_189 = arith.constant 2 : i32
        %add3A_190 = arith.addi %mul3A_129, %add3A_189 : i32
        %lt3A_191 = arith.constant 390 : i32
        %lt3A_192 = arith.cmpi slt, %add3A_190, %lt3A_191 : i32
        %add3A_193 = arith.addi %mul3A_2, %add3A_190 : i32
        %add3A_194 = arith.constant 6240 : i32
        %add3A_195 = arith.addi %add3A_194, %arg1 : i32
        %select_n3A_196 = arith.select %lt3A_192, %add3A_193, %add3A_195 : i32
        %dma_start3A_197 = arith.constant 0 : i32
        %dma_start3A_198 = tpu.memref_slice %arg3[%select_n3A_196, %dma_start3A_197] : memref<6250x128xi32, #tpu.memory_space<hbm>> -> memref<1x128xi32, #tpu.memory_space<hbm>>
        %dma_start3A_199 = tpu.memref_squeeze %dma_start3A_198 : memref<1x128xi32, #tpu.memory_space<hbm>> -> memref<128xi32, #tpu.memory_space<hbm>>
        %dma_start3A_200 = arith.constant 0 : i32
        %dma_start3A_201 = tpu.memref_slice %arg3[%select_n3A_196, %dma_start3A_200] : memref<6250x128xi32, #tpu.memory_space<hbm>> -> memref<1x128xi32, #tpu.memory_space<hbm>>
        %dma_start3A_202 = tpu.memref_squeeze %dma_start3A_201 : memref<1x128xi32, #tpu.memory_space<hbm>> -> memref<128xi32, #tpu.memory_space<hbm>>
        tpu.enqueue_dma source(%dma_start3A_202 : memref<128xi32, #tpu.memory_space<hbm>>) target(%arg7 : memref<128xi32, #tpu.memory_space<vmem>>) target_semaphore(%arg18 : memref<!tpu.dma_semaphore, #tpu.memory_space<semaphore_mem>>)
        %dma_start3A_203 = arith.constant 0 : i32
        %dma_start3A_204 = tpu.memref_slice %arg4[%select_n3A_196, %dma_start3A_203] : memref<6250x128xi32, #tpu.memory_space<hbm>> -> memref<1x128xi32, #tpu.memory_space<hbm>>
        %dma_start3A_205 = tpu.memref_squeeze %dma_start3A_204 : memref<1x128xi32, #tpu.memory_space<hbm>> -> memref<128xi32, #tpu.memory_space<hbm>>
        %dma_start3A_206 = arith.constant 0 : i32
        %dma_start3A_207 = tpu.memref_slice %arg4[%select_n3A_196, %dma_start3A_206] : memref<6250x128xi32, #tpu.memory_space<hbm>> -> memref<1x128xi32, #tpu.memory_space<hbm>>
        %dma_start3A_208 = tpu.memref_squeeze %dma_start3A_207 : memref<1x128xi32, #tpu.memory_space<hbm>> -> memref<128xi32, #tpu.memory_space<hbm>>
        tpu.enqueue_dma source(%dma_start3A_208 : memref<128xi32, #tpu.memory_space<hbm>>) target(%arg9 : memref<128xi32, #tpu.memory_space<vmem>>) target_semaphore(%arg18 : memref<!tpu.dma_semaphore, #tpu.memory_space<semaphore_mem>>)
      } else {
      }
      "tpu.region"() ({
        %run_scoped3A = tpu.sem_alloc : memref<!tpu.dma_semaphore, #tpu.memory_space<semaphore_mem>>
        %dma_start3A_189 = arith.constant 0 : i32
        %dma_start3A_190 = arith.constant 0 : i32
        %dma_start3A_191 = tpu.memref_slice %arg15[%dma_start3A_189, %dma_start3A_190] : memref<50048x32xf32, #tpu.memory_space<vmem_shared>> -> memref<50048x32xf32, #tpu.memory_space<vmem_shared>>
        tpu.enqueue_indirect_dma source(%arg13 : memref<128x32xf32, #tpu.memory_space<vmem>>) target(%dma_start3A_191 : memref<50048x32xf32, #tpu.memory_space<vmem_shared>>) offsets(%arg9 : memref<128xi32, #tpu.memory_space<vmem>>) semaphore(%run_scoped3A : memref<!tpu.dma_semaphore, #tpu.memory_space<semaphore_mem>>) {add = true}
        %dma_wait3A_192 = arith.constant 0 : i32
        %dma_wait3A_193 = arith.constant 0 : i32
        %dma_wait3A_194 = tpu.memref_slice %arg15[%dma_wait3A_192, %dma_wait3A_193] : memref<50048x32xf32, #tpu.memory_space<vmem_shared>> -> memref<50048x32xf32, #tpu.memory_space<vmem_shared>>
        tpu.wait_indirect_dma semaphore(%run_scoped3A : memref<!tpu.dma_semaphore, #tpu.memory_space<semaphore_mem>>) src(%arg13 : memref<128x32xf32, #tpu.memory_space<vmem>>) dst(%dma_wait3A_194 : memref<50048x32xf32, #tpu.memory_space<vmem_shared>>)
        tpu.yield
      }) : () -> ()
      %add3A_158 = arith.constant 1 : i32
      %add3A_159 = arith.addi %mul3A_129, %add3A_158 : i32
      %add3A_160 = arith.constant 1 : i32
      %add3A_161 = arith.addi %add3A_159, %add3A_160 : i32
      %lt3A_162 = arith.constant 390 : i32
      %lt3A_163 = arith.cmpi slt, %add3A_161, %lt3A_162 : i32
      %add3A_164 = arith.addi %mul3A_2, %add3A_161 : i32
      %add3A_165 = arith.constant 6240 : i32
      %add3A_166 = arith.addi %add3A_165, %arg1 : i32
      %select_n3A_167 = arith.select %lt3A_163, %add3A_164, %add3A_166 : i32
      %add3A_168 = arith.constant 1 : i32
      %add3A_169 = arith.addi %add3A_159, %add3A_168 : i32
      %lt3A_170 = arith.cmpi slt, %add3A_169, %select_n3A : i32
      %convert_element_type3A_171 = arith.extui %lt3A_170 : i1 to i32
      %cond3A_172 = arith.constant 0 : i32
      %cond3A_173 = arith.cmpi ne, %convert_element_type3A_171, %cond3A_172 : i32
      scf.if %cond3A_173 {
        %dma_wait3A_189 = arith.constant 0 : i32
        %dma_wait3A_190 = tpu.memref_slice %arg3[%select_n3A_167, %dma_wait3A_189] : memref<6250x128xi32, #tpu.memory_space<hbm>> -> memref<1x128xi32, #tpu.memory_space<hbm>>
        %dma_wait3A_191 = tpu.memref_squeeze %dma_wait3A_190 : memref<1x128xi32, #tpu.memory_space<hbm>> -> memref<128xi32, #tpu.memory_space<hbm>>
        %dma_wait3A_192 = arith.constant 0 : i32
        %dma_wait3A_193 = tpu.memref_slice %arg3[%select_n3A_167, %dma_wait3A_192] : memref<6250x128xi32, #tpu.memory_space<hbm>> -> memref<1x128xi32, #tpu.memory_space<hbm>>
        %dma_wait3A_194 = tpu.memref_squeeze %dma_wait3A_193 : memref<1x128xi32, #tpu.memory_space<hbm>> -> memref<128xi32, #tpu.memory_space<hbm>>
        tpu.wait_dma2 semaphore(%arg18 : memref<!tpu.dma_semaphore, #tpu.memory_space<semaphore_mem>>) src(%dma_wait3A_194 : memref<128xi32, #tpu.memory_space<hbm>>) dst(%arg7 : memref<128xi32, #tpu.memory_space<vmem>>)
        %dma_wait3A_195 = arith.constant 0 : i32
        %dma_wait3A_196 = tpu.memref_slice %arg4[%select_n3A_167, %dma_wait3A_195] : memref<6250x128xi32, #tpu.memory_space<hbm>> -> memref<1x128xi32, #tpu.memory_space<hbm>>
        %dma_wait3A_197 = tpu.memref_squeeze %dma_wait3A_196 : memref<1x128xi32, #tpu.memory_space<hbm>> -> memref<128xi32, #tpu.memory_space<hbm>>
        %dma_wait3A_198 = arith.constant 0 : i32
        %dma_wait3A_199 = tpu.memref_slice %arg4[%select_n3A_167, %dma_wait3A_198] : memref<6250x128xi32, #tpu.memory_space<hbm>> -> memref<1x128xi32, #tpu.memory_space<hbm>>
        %dma_wait3A_200 = tpu.memref_squeeze %dma_wait3A_199 : memref<1x128xi32, #tpu.memory_space<hbm>> -> memref<128xi32, #tpu.memory_space<hbm>>
        tpu.wait_dma2 semaphore(%arg18 : memref<!tpu.dma_semaphore, #tpu.memory_space<semaphore_mem>>) src(%dma_wait3A_200 : memref<128xi32, #tpu.memory_space<hbm>>) dst(%arg9 : memref<128xi32, #tpu.memory_space<vmem>>)
        %get3A_201 = arith.constant 0 : index
        %get3A_202 = tpu.vector_load %arg7[%get3A_201] {strides = array<i32>} : memref<128xi32, #tpu.memory_space<vmem>>, vector<16xi32>,
        %get3A_203 = vector.shape_cast %get3A_202 : vector<16xi32> to vector<16xi32>
        %add3A_204 = arith.addi %get3A_203, %get3A_203 : vector<16xi32>
        %add3A_205 = vector.broadcast %arg0 : i32 to vector<16xi32>
        %add3A_206 = arith.addi %add3A_204, %add3A_205 : vector<16xi32>
        %swap3A_207 = arith.constant 0 : index
        %swap3A_208 = tpu.vector_load %arg11[%swap3A_207] {strides = array<i32>} : memref<128xi32, #tpu.memory_space<vmem>>, vector<16xi32>,
        %swap3A_209 = vector.shape_cast %swap3A_208 : vector<16xi32> to vector<16xi32>
        %swap3A_210 = vector.shape_cast %add3A_206 : vector<16xi32> to vector<16xi32>
        tpu.vector_store %arg11[%swap3A_207], %swap3A_210 {strides = array<i32>} : memref<128xi32, #tpu.memory_space<vmem>>, vector<16xi32>,
        %get3A_211 = arith.constant 16 : index
        %get3A_212 = tpu.vector_load %arg7[%get3A_211] {strides = array<i32>} : memref<128xi32, #tpu.memory_space<vmem>>, vector<16xi32>,
        %get3A_213 = vector.shape_cast %get3A_212 : vector<16xi32> to vector<16xi32>
        %add3A_214 = arith.addi %get3A_213, %get3A_213 : vector<16xi32>
        %add3A_215 = vector.broadcast %arg0 : i32 to vector<16xi32>
        %add3A_216 = arith.addi %add3A_214, %add3A_215 : vector<16xi32>
        %swap3A_217 = arith.constant 16 : index
        %swap3A_218 = tpu.vector_load %arg11[%swap3A_217] {strides = array<i32>} : memref<128xi32, #tpu.memory_space<vmem>>, vector<16xi32>,
        %swap3A_219 = vector.shape_cast %swap3A_218 : vector<16xi32> to vector<16xi32>
        %swap3A_220 = vector.shape_cast %add3A_216 : vector<16xi32> to vector<16xi32>
        tpu.vector_store %arg11[%swap3A_217], %swap3A_220 {strides = array<i32>} : memref<128xi32, #tpu.memory_space<vmem>>, vector<16xi32>,
        %get3A_221 = arith.constant 32 : index
        %get3A_222 = tpu.vector_load %arg7[%get3A_221] {strides = array<i32>} : memref<128xi32, #tpu.memory_space<vmem>>, vector<16xi32>,
        %get3A_223 = vector.shape_cast %get3A_222 : vector<16xi32> to vector<16xi32>
        %add3A_224 = arith.addi %get3A_223, %get3A_223 : vector<16xi32>
        %add3A_225 = vector.broadcast %arg0 : i32 to vector<16xi32>
        %add3A_226 = arith.addi %add3A_224, %add3A_225 : vector<16xi32>
        %swap3A_227 = arith.constant 32 : index
        %swap3A_228 = tpu.vector_load %arg11[%swap3A_227] {strides = array<i32>} : memref<128xi32, #tpu.memory_space<vmem>>, vector<16xi32>,
        %swap3A_229 = vector.shape_cast %swap3A_228 : vector<16xi32> to vector<16xi32>
        %swap3A_230 = vector.shape_cast %add3A_226 : vector<16xi32> to vector<16xi32>
        tpu.vector_store %arg11[%swap3A_227], %swap3A_230 {strides = array<i32>} : memref<128xi32, #tpu.memory_space<vmem>>, vector<16xi32>,
        %get3A_231 = arith.constant 48 : index
        %get3A_232 = tpu.vector_load %arg7[%get3A_231] {strides = array<i32>} : memref<128xi32, #tpu.memory_space<vmem>>, vector<16xi32>,
        %get3A_233 = vector.shape_cast %get3A_232 : vector<16xi32> to vector<16xi32>
        %add3A_234 = arith.addi %get3A_233, %get3A_233 : vector<16xi32>
        %add3A_235 = vector.broadcast %arg0 : i32 to vector<16xi32>
        %add3A_236 = arith.addi %add3A_234, %add3A_235 : vector<16xi32>
        %swap3A_237 = arith.constant 48 : index
        %swap3A_238 = tpu.vector_load %arg11[%swap3A_237] {strides = array<i32>} : memref<128xi32, #tpu.memory_space<vmem>>, vector<16xi32>,
        %swap3A_239 = vector.shape_cast %swap3A_238 : vector<16xi32> to vector<16xi32>
        %swap3A_240 = vector.shape_cast %add3A_236 : vector<16xi32> to vector<16xi32>
        tpu.vector_store %arg11[%swap3A_237], %swap3A_240 {strides = array<i32>} : memref<128xi32, #tpu.memory_space<vmem>>, vector<16xi32>,
        %get3A_241 = arith.constant 64 : index
        %get3A_242 = tpu.vector_load %arg7[%get3A_241] {strides = array<i32>} : memref<128xi32, #tpu.memory_space<vmem>>, vector<16xi32>,
        %get3A_243 = vector.shape_cast %get3A_242 : vector<16xi32> to vector<16xi32>
        %add3A_244 = arith.addi %get3A_243, %get3A_243 : vector<16xi32>
        %add3A_245 = vector.broadcast %arg0 : i32 to vector<16xi32>
        %add3A_246 = arith.addi %add3A_244, %add3A_245 : vector<16xi32>
        %swap3A_247 = arith.constant 64 : index
        %swap3A_248 = tpu.vector_load %arg11[%swap3A_247] {strides = array<i32>} : memref<128xi32, #tpu.memory_space<vmem>>, vector<16xi32>,
        %swap3A_249 = vector.shape_cast %swap3A_248 : vector<16xi32> to vector<16xi32>
        %swap3A_250 = vector.shape_cast %add3A_246 : vector<16xi32> to vector<16xi32>
        tpu.vector_store %arg11[%swap3A_247], %swap3A_250 {strides = array<i32>} : memref<128xi32, #tpu.memory_space<vmem>>, vector<16xi32>,
        %get3A_251 = arith.constant 80 : index
        %get3A_252 = tpu.vector_load %arg7[%get3A_251] {strides = array<i32>} : memref<128xi32, #tpu.memory_space<vmem>>, vector<16xi32>,
        %get3A_253 = vector.shape_cast %get3A_252 : vector<16xi32> to vector<16xi32>
        %add3A_254 = arith.addi %get3A_253, %get3A_253 : vector<16xi32>
        %add3A_255 = vector.broadcast %arg0 : i32 to vector<16xi32>
        %add3A_256 = arith.addi %add3A_254, %add3A_255 : vector<16xi32>
        %swap3A_257 = arith.constant 80 : index
        %swap3A_258 = tpu.vector_load %arg11[%swap3A_257] {strides = array<i32>} : memref<128xi32, #tpu.memory_space<vmem>>, vector<16xi32>,
        %swap3A_259 = vector.shape_cast %swap3A_258 : vector<16xi32> to vector<16xi32>
        %swap3A_260 = vector.shape_cast %add3A_256 : vector<16xi32> to vector<16xi32>
        tpu.vector_store %arg11[%swap3A_257], %swap3A_260 {strides = array<i32>} : memref<128xi32, #tpu.memory_space<vmem>>, vector<16xi32>,
        %get3A_261 = arith.constant 96 : index
        %get3A_262 = tpu.vector_load %arg7[%get3A_261] {strides = array<i32>} : memref<128xi32, #tpu.memory_space<vmem>>, vector<16xi32>,
        %get3A_263 = vector.shape_cast %get3A_262 : vector<16xi32> to vector<16xi32>
        %add3A_264 = arith.addi %get3A_263, %get3A_263 : vector<16xi32>
        %add3A_265 = vector.broadcast %arg0 : i32 to vector<16xi32>
        %add3A_266 = arith.addi %add3A_264, %add3A_265 : vector<16xi32>
        %swap3A_267 = arith.constant 96 : index
        %swap3A_268 = tpu.vector_load %arg11[%swap3A_267] {strides = array<i32>} : memref<128xi32, #tpu.memory_space<vmem>>, vector<16xi32>,
        %swap3A_269 = vector.shape_cast %swap3A_268 : vector<16xi32> to vector<16xi32>
        %swap3A_270 = vector.shape_cast %add3A_266 : vector<16xi32> to vector<16xi32>
        tpu.vector_store %arg11[%swap3A_267], %swap3A_270 {strides = array<i32>} : memref<128xi32, #tpu.memory_space<vmem>>, vector<16xi32>,
        %get3A_271 = arith.constant 112 : index
        %get3A_272 = tpu.vector_load %arg7[%get3A_271] {strides = array<i32>} : memref<128xi32, #tpu.memory_space<vmem>>, vector<16xi32>,
        %get3A_273 = vector.shape_cast %get3A_272 : vector<16xi32> to vector<16xi32>
        %add3A_274 = arith.addi %get3A_273, %get3A_273 : vector<16xi32>
        %add3A_275 = vector.broadcast %arg0 : i32 to vector<16xi32>
        %add3A_276 = arith.addi %add3A_274, %add3A_275 : vector<16xi32>
        %swap3A_277 = arith.constant 112 : index
        %swap3A_278 = tpu.vector_load %arg11[%swap3A_277] {strides = array<i32>} : memref<128xi32, #tpu.memory_space<vmem>>, vector<16xi32>,
        %swap3A_279 = vector.shape_cast %swap3A_278 : vector<16xi32> to vector<16xi32>
        %swap3A_280 = vector.shape_cast %add3A_276 : vector<16xi32> to vector<16xi32>
        tpu.vector_store %arg11[%swap3A_277], %swap3A_280 {strides = array<i32>} : memref<128xi32, #tpu.memory_space<vmem>>, vector<16xi32>,
      } else {
      }
      %dma_wait3A_174 = arith.constant 0 : i32
      %dma_wait3A_175 = arith.constant 0 : i32
      %dma_wait3A_176 = tpu.memref_slice %arg2[%dma_wait3A_174, %dma_wait3A_175] : memref<100000x32xf32, #tpu.memory_space<hbm>> -> memref<100000x32xf32, #tpu.memory_space<hbm>>
      tpu.wait_indirect_dma semaphore(%arg17 : memref<!tpu.dma_semaphore, #tpu.memory_space<semaphore_mem>>) src(%dma_wait3A_176 : memref<100000x32xf32, #tpu.memory_space<hbm>>) dst(%arg14 : memref<128x32xf32, #tpu.memory_space<vmem>>)
      %add3A_177 = arith.constant 1 : i32
      %add3A_178 = arith.addi %add3A_159, %add3A_177 : i32
      %lt3A_179 = arith.cmpi slt, %add3A_178, %select_n3A : i32
      %convert_element_type3A_180 = arith.extui %lt3A_179 : i1 to i32
      %cond3A_181 = arith.constant 0 : i32
      %cond3A_182 = arith.cmpi ne, %convert_element_type3A_180, %cond3A_181 : i32
      scf.if %cond3A_182 {
        %dma_start3A_189 = arith.constant 0 : i32
        %dma_start3A_190 = arith.constant 0 : i32
        %dma_start3A_191 = tpu.memref_slice %arg2[%dma_start3A_189, %dma_start3A_190] : memref<100000x32xf32, #tpu.memory_space<hbm>> -> memref<100000x32xf32, #tpu.memory_space<hbm>>
        tpu.enqueue_indirect_dma source(%dma_start3A_191 : memref<100000x32xf32, #tpu.memory_space<hbm>>) target(%arg13 : memref<128x32xf32, #tpu.memory_space<vmem>>) offsets(%arg11 : memref<128xi32, #tpu.memory_space<vmem>>) semaphore(%arg16 : memref<!tpu.dma_semaphore, #tpu.memory_space<semaphore_mem>>)
      } else {
      }
      %add3A_183 = arith.constant 2 : i32
      %add3A_184 = arith.addi %add3A_159, %add3A_183 : i32
      %lt3A_185 = arith.cmpi slt, %add3A_184, %select_n3A : i32
      %convert_element_type3A_186 = arith.extui %lt3A_185 : i1 to i32
      %cond3A_187 = arith.constant 0 : i32
      %cond3A_188 = arith.cmpi ne, %convert_element_type3A_186, %cond3A_187 : i32
      scf.if %cond3A_188 {
        %add3A_189 = arith.constant 2 : i32
        %add3A_190 = arith.addi %add3A_159, %add3A_189 : i32
        %lt3A_191 = arith.constant 390 : i32
        %lt3A_192 = arith.cmpi slt, %add3A_190, %lt3A_191 : i32
        %add3A_193 = arith.addi %mul3A_2, %add3A_190 : i32
        %add3A_194 = arith.constant 6240 : i32
        %add3A_195 = arith.addi %add3A_194, %arg1 : i32
        %select_n3A_196 = arith.select %lt3A_192, %add3A_193, %add3A_195 : i32
        %dma_start3A_197 = arith.constant 0 : i32
        %dma_start3A_198 = tpu.memref_slice %arg3[%select_n3A_196, %dma_start3A_197] : memref<6250x128xi32, #tpu.memory_space<hbm>> -> memref<1x128xi32, #tpu.memory_space<hbm>>
        %dma_start3A_199 = tpu.memref_squeeze %dma_start3A_198 : memref<1x128xi32, #tpu.memory_space<hbm>> -> memref<128xi32, #tpu.memory_space<hbm>>
        %dma_start3A_200 = arith.constant 0 : i32
        %dma_start3A_201 = tpu.memref_slice %arg3[%select_n3A_196, %dma_start3A_200] : memref<6250x128xi32, #tpu.memory_space<hbm>> -> memref<1x128xi32, #tpu.memory_space<hbm>>
        %dma_start3A_202 = tpu.memref_squeeze %dma_start3A_201 : memref<1x128xi32, #tpu.memory_space<hbm>> -> memref<128xi32, #tpu.memory_space<hbm>>
        tpu.enqueue_dma source(%dma_start3A_202 : memref<128xi32, #tpu.memory_space<hbm>>) target(%arg8 : memref<128xi32, #tpu.memory_space<vmem>>) target_semaphore(%arg19 : memref<!tpu.dma_semaphore, #tpu.memory_space<semaphore_mem>>)
        %dma_start3A_203 = arith.constant 0 : i32
        %dma_start3A_204 = tpu.memref_slice %arg4[%select_n3A_196, %dma_start3A_203] : memref<6250x128xi32, #tpu.memory_space<hbm>> -> memref<1x128xi32, #tpu.memory_space<hbm>>
        %dma_start3A_205 = tpu.memref_squeeze %dma_start3A_204 : memref<1x128xi32, #tpu.memory_space<hbm>> -> memref<128xi32, #tpu.memory_space<hbm>>
        %dma_start3A_206 = arith.constant 0 : i32
        %dma_start3A_207 = tpu.memref_slice %arg4[%select_n3A_196, %dma_start3A_206] : memref<6250x128xi32, #tpu.memory_space<hbm>> -> memref<1x128xi32, #tpu.memory_space<hbm>>
        %dma_start3A_208 = tpu.memref_squeeze %dma_start3A_207 : memref<1x128xi32, #tpu.memory_space<hbm>> -> memref<128xi32, #tpu.memory_space<hbm>>
        tpu.enqueue_dma source(%dma_start3A_208 : memref<128xi32, #tpu.memory_space<hbm>>) target(%arg10 : memref<128xi32, #tpu.memory_space<vmem>>) target_semaphore(%arg19 : memref<!tpu.dma_semaphore, #tpu.memory_space<semaphore_mem>>)
      } else {
      }
      "tpu.region"() ({
        %run_scoped3A = tpu.sem_alloc : memref<!tpu.dma_semaphore, #tpu.memory_space<semaphore_mem>>
        %dma_start3A_189 = arith.constant 0 : i32
        %dma_start3A_190 = arith.constant 0 : i32
        %dma_start3A_191 = tpu.memref_slice %arg15[%dma_start3A_189, %dma_start3A_190] : memref<50048x32xf32, #tpu.memory_space<vmem_shared>> -> memref<50048x32xf32, #tpu.memory_space<vmem_shared>>
        tpu.enqueue_indirect_dma source(%arg14 : memref<128x32xf32, #tpu.memory_space<vmem>>) target(%dma_start3A_191 : memref<50048x32xf32, #tpu.memory_space<vmem_shared>>) offsets(%arg10 : memref<128xi32, #tpu.memory_space<vmem>>) semaphore(%run_scoped3A : memref<!tpu.dma_semaphore, #tpu.memory_space<semaphore_mem>>) {add = true}
        %dma_wait3A_192 = arith.constant 0 : i32
        %dma_wait3A_193 = arith.constant 0 : i32
        %dma_wait3A_194 = tpu.memref_slice %arg15[%dma_wait3A_192, %dma_wait3A_193] : memref<50048x32xf32, #tpu.memory_space<vmem_shared>> -> memref<50048x32xf32, #tpu.memory_space<vmem_shared>>
        tpu.wait_indirect_dma semaphore(%run_scoped3A : memref<!tpu.dma_semaphore, #tpu.memory_space<semaphore_mem>>) src(%arg14 : memref<128x32xf32, #tpu.memory_space<vmem>>) dst(%dma_wait3A_194 : memref<50048x32xf32, #tpu.memory_space<vmem_shared>>)
        tpu.yield
      }) : () -> ()
    }
    %scan3A_112 = arith.constant 195 : i32
    %gt3A = arith.constant 390 : i32
    %gt3A_113 = arith.cmpi sgt, %select_n3A, %gt3A : i32
    %convert_element_type3A = arith.extui %gt3A_113 : i1 to i32
    %cond3A = arith.constant 0 : i32
    %cond3A_114 = arith.cmpi ne, %convert_element_type3A, %cond3A : i32
    scf.if %cond3A_114 {
      %dma_wait3A = arith.constant 0 : i32
      %dma_wait3A_127 = arith.constant 0 : i32
      %dma_wait3A_128 = tpu.memref_slice %arg2[%dma_wait3A, %dma_wait3A_127] : memref<100000x32xf32, #tpu.memory_space<hbm>> -> memref<100000x32xf32, #tpu.memory_space<hbm>>
      tpu.wait_indirect_dma semaphore(%arg16 : memref<!tpu.dma_semaphore, #tpu.memory_space<semaphore_mem>>) src(%dma_wait3A_128 : memref<100000x32xf32, #tpu.memory_space<hbm>>) dst(%arg13 : memref<128x32xf32, #tpu.memory_space<vmem>>)
      "tpu.region"() ({
        %run_scoped3A = tpu.sem_alloc : memref<!tpu.dma_semaphore, #tpu.memory_space<semaphore_mem>>
        %dma_start3A_129 = arith.constant 0 : i32
        %dma_start3A_130 = arith.constant 0 : i32
        %dma_start3A_131 = tpu.memref_slice %arg15[%dma_start3A_129, %dma_start3A_130] : memref<50048x32xf32, #tpu.memory_space<vmem_shared>> -> memref<50048x32xf32, #tpu.memory_space<vmem_shared>>
        tpu.enqueue_indirect_dma source(%arg13 : memref<128x32xf32, #tpu.memory_space<vmem>>) target(%dma_start3A_131 : memref<50048x32xf32, #tpu.memory_space<vmem_shared>>) offsets(%arg9 : memref<128xi32, #tpu.memory_space<vmem>>) semaphore(%run_scoped3A : memref<!tpu.dma_semaphore, #tpu.memory_space<semaphore_mem>>) {add = true}
        %dma_wait3A_132 = arith.constant 0 : i32
        %dma_wait3A_133 = arith.constant 0 : i32
        %dma_wait3A_134 = tpu.memref_slice %arg15[%dma_wait3A_132, %dma_wait3A_133] : memref<50048x32xf32, #tpu.memory_space<vmem_shared>> -> memref<50048x32xf32, #tpu.memory_space<vmem_shared>>
        tpu.wait_indirect_dma semaphore(%run_scoped3A : memref<!tpu.dma_semaphore, #tpu.memory_space<semaphore_mem>>) src(%arg13 : memref<128x32xf32, #tpu.memory_space<vmem>>) dst(%dma_wait3A_134 : memref<50048x32xf32, #tpu.memory_space<vmem_shared>>)
        tpu.yield
      }) : () -> ()
    } else {
    }
    %barrier3A_115 = arith.constant 0 : index
    tpu.barrier barrier_id(%barrier3A_115)
    %mul3A_116 = arith.constant 50000 : i32
    %mul3A_117 = arith.muli %arg0, %mul3A_116 : i32
    %lt3A_118 = arith.constant 15 : i32
    %lt3A_119 = arith.cmpi slt, %arg1, %lt3A_118 : i32
    %convert_element_type3A_120 = arith.extui %lt3A_119 : i1 to i32
    %cond3A_121 = arith.constant 0 : i32
    %cond3A_122 = arith.cmpi ne, %convert_element_type3A_120, %cond3A_121 : i32
    scf.if %cond3A_122 {
      %mul3A_127 = arith.constant 3120 : i32
      %mul3A_128 = arith.muli %arg1, %mul3A_127 : i32
      %mul3A_129 = arith.constant 3120 : i32
      %mul3A_130 = arith.muli %arg1, %mul3A_129 : i32
      %add3A_131 = arith.addi %mul3A_117, %mul3A_130 : i32
      "tpu.region"() ({
        %run_scoped3A = tpu.sem_alloc : memref<!tpu.dma_semaphore, #tpu.memory_space<semaphore_mem>>
        %dma_start3A_132 = arith.constant 0 : i32
        %dma_start3A_133 = tpu.memref_slice %arg6[%add3A_131, %dma_start3A_132] : memref<100000x32xf32, #tpu.memory_space<hbm>> -> memref<3120x32xf32, #tpu.memory_space<hbm>>
        %dma_start3A_134 = arith.constant 0 : i32
        %dma_start3A_135 = tpu.memref_slice %arg15[%mul3A_128, %dma_start3A_134] : memref<50048x32xf32, #tpu.memory_space<vmem_shared>> -> memref<3120x32xf32, #tpu.memory_space<vmem_shared>>
        tpu.enqueue_dma source(%dma_start3A_135 : memref<3120x32xf32, #tpu.memory_space<vmem_shared>>) target(%dma_start3A_133 : memref<3120x32xf32, #tpu.memory_space<hbm>>) target_semaphore(%run_scoped3A : memref<!tpu.dma_semaphore, #tpu.memory_space<semaphore_mem>>)
        %dma_wait3A = arith.constant 0 : i32
        %dma_wait3A_136 = tpu.memref_slice %arg6[%add3A_131, %dma_wait3A] : memref<100000x32xf32, #tpu.memory_space<hbm>> -> memref<3120x32xf32, #tpu.memory_space<hbm>>
        %dma_wait3A_137 = arith.constant 0 : i32
        %dma_wait3A_138 = tpu.memref_slice %arg15[%mul3A_128, %dma_wait3A_137] : memref<50048x32xf32, #tpu.memory_space<vmem_shared>> -> memref<3120x32xf32, #tpu.memory_space<vmem_shared>>
        tpu.wait_dma2 semaphore(%run_scoped3A : memref<!tpu.dma_semaphore, #tpu.memory_space<semaphore_mem>>) src(%dma_wait3A_138 : memref<3120x32xf32, #tpu.memory_space<vmem_shared>>) dst(%dma_wait3A_136 : memref<3120x32xf32, #tpu.memory_space<hbm>>)
        tpu.yield
      }) : () -> ()
    } else {
    }
    %eq3A = arith.constant 15 : i32
    %eq3A_123 = arith.cmpi eq, %arg1, %eq3A : i32
    %convert_element_type3A_124 = arith.extui %eq3A_123 : i1 to i32
    %cond3A_125 = arith.constant 0 : i32
    %cond3A_126 = arith.cmpi ne, %convert_element_type3A_124, %cond3A_125 : i32
    scf.if %cond3A_126 {
      %add3A_127 = arith.constant 46800 : i32
      %add3A_128 = arith.addi %mul3A_117, %add3A_127 : i32
      "tpu.region"() ({
        %run_scoped3A = tpu.sem_alloc : memref<!tpu.dma_semaphore, #tpu.memory_space<semaphore_mem>>
        %dma_start3A_129 = arith.constant 0 : i32
        %dma_start3A_130 = tpu.memref_slice %arg6[%add3A_128, %dma_start3A_129] : memref<100000x32xf32, #tpu.memory_space<hbm>> -> memref<3200x32xf32, #tpu.memory_space<hbm>>
        %dma_start3A_131 = arith.constant 46800 : i32
        %dma_start3A_132 = arith.constant 0 : i32
        %dma_start3A_133 = tpu.memref_slice %arg15[%dma_start3A_131, %dma_start3A_132] : memref<50048x32xf32, #tpu.memory_space<vmem_shared>> -> memref<3200x32xf32, #tpu.memory_space<vmem_shared>>
        tpu.enqueue_dma source(%dma_start3A_133 : memref<3200x32xf32, #tpu.memory_space<vmem_shared>>) target(%dma_start3A_130 : memref<3200x32xf32, #tpu.memory_space<hbm>>) target_semaphore(%run_scoped3A : memref<!tpu.dma_semaphore, #tpu.memory_space<semaphore_mem>>)
        %dma_wait3A = arith.constant 0 : i32
        %dma_wait3A_134 = tpu.memref_slice %arg6[%add3A_128, %dma_wait3A] : memref<100000x32xf32, #tpu.memory_space<hbm>> -> memref<3200x32xf32, #tpu.memory_space<hbm>>
        %dma_wait3A_135 = arith.constant 46800 : i32
        %dma_wait3A_136 = arith.constant 0 : i32
        %dma_wait3A_137 = tpu.memref_slice %arg15[%dma_wait3A_135, %dma_wait3A_136] : memref<50048x32xf32, #tpu.memory_space<vmem_shared>> -> memref<3200x32xf32, #tpu.memory_space<vmem_shared>>
        tpu.wait_dma2 semaphore(%run_scoped3A : memref<!tpu.dma_semaphore, #tpu.memory_space<semaphore_mem>>) src(%dma_wait3A_137 : memref<3200x32xf32, #tpu.memory_space<vmem_shared>>) dst(%dma_wait3A_134 : memref<3200x32xf32, #tpu.memory_space<hbm>>)
        tpu.yield
      }) : () -> ()
    } else {
    }
    return
  }
}

module attributes {stable_mosaic.version = 14 : i64} {
  func.func @_seed_body(%arg0: i32, %arg1: memref<2000x1xf32, #tpu.memory_space<vmem>>, %arg2: memref<1x64xf32, #tpu.memory_space<vmem>>, %arg3: memref<1x64xf32, #tpu.memory_space<vmem>>, %arg4: memref<2000x64xf32, #tpu.memory_space<vmem>>) attributes {dimension_semantics = [#tpu.dimension_semantics<arbitrary>], iteration_bounds = array<i64: 25>, scalar_prefetch = 0 : i64, scratch_operands = 0 : i64, tpu.core_type = #tpu.core_type<tc>, window_params = [{transform_indices = @transform_0, window_bounds = array<i64: 2000, 1>}, {pipeline_mode = #tpu.pipeline_mode<synchronous>, transform_indices = @transform_1, window_bounds = array<i64: 1, 64>}, {pipeline_mode = #tpu.pipeline_mode<synchronous>, transform_indices = @transform_2, window_bounds = array<i64: 1, 64>}, {transform_indices = @transform_3, window_bounds = array<i64: 2000, 64>}]} {
    %get3A = arith.constant 0 : index
    %get3A_0 = arith.constant 0 : index
    %get3A_1 = vector.load %arg1[%get3A, %get3A_0] : memref<2000x1xf32, #tpu.memory_space<vmem>>, vector<2000x1xf32>
    %get3A_2 = arith.constant 0 : index
    %get3A_3 = arith.constant 0 : index
    %get3A_4 = vector.load %arg2[%get3A_2, %get3A_3] : memref<1x64xf32, #tpu.memory_space<vmem>>, vector<1x64xf32>
    %mul3A = vector.broadcast %get3A_1 : vector<2000x1xf32> to vector<2000x64xf32>
    %mul3A_5 = vector.broadcast %get3A_4 : vector<1x64xf32> to vector<2000x64xf32>
    %mul3A_6 = arith.mulf %mul3A, %mul3A_5 : vector<2000x64xf32>
    %get3A_7 = arith.constant 0 : index
    %get3A_8 = arith.constant 0 : index
    %get3A_9 = vector.load %arg3[%get3A_7, %get3A_8] : memref<1x64xf32, #tpu.memory_space<vmem>>, vector<1x64xf32>
    %add3A = vector.broadcast %get3A_9 : vector<1x64xf32> to vector<2000x64xf32>
    %add3A_10 = arith.addf %mul3A_6, %add3A : vector<2000x64xf32>
    %swap3A = arith.constant 0 : index
    %swap3A_11 = arith.constant 0 : index
    %swap3A_12 = vector.load %arg4[%swap3A, %swap3A_11] : memref<2000x64xf32, #tpu.memory_space<vmem>>, vector<2000x64xf32>
    tpu.vector_store %arg4[%swap3A, %swap3A_11], %add3A_10 {strides = array<i32>} : memref<2000x64xf32, #tpu.memory_space<vmem>>, vector<2000x64xf32>,
    return
  }
  func.func @transform_0(%arg0: i32) -> (i32, i32) {
    %c0_i32 = arith.constant 0 : i32
    %c0_i32_0 = arith.constant 0 : i32
    return %arg0, %c0_i32 : i32, i32
  }
  func.func @transform_1(%arg0: i32) -> (i32, i32) {
    %c0_i32 = arith.constant 0 : i32
    %c0_i32_0 = arith.constant 0 : i32
    %c0_i32_1 = arith.constant 0 : i32
    return %c0_i32, %c0_i32_0 : i32, i32
  }
  func.func @transform_2(%arg0: i32) -> (i32, i32) {
    %c0_i32 = arith.constant 0 : i32
    %c0_i32_0 = arith.constant 0 : i32
    %c0_i32_1 = arith.constant 0 : i32
    return %c0_i32, %c0_i32_0 : i32, i32
  }
  func.func @transform_3(%arg0: i32) -> (i32, i32) {
    %c0_i32 = arith.constant 0 : i32
    %c0_i32_0 = arith.constant 0 : i32
    return %arg0, %c0_i32 : i32, i32
  }
}

module attributes {stable_mosaic.version = 14 : i64} {
  func.func @_pass1_body(%arg0: i32, %arg1: memref<2000x64xf32, #tpu.memory_space<vmem>>, %arg2: memref<2x2000x32xf32, #tpu.memory_space<vmem>>, %arg3: memref<64x64xf32, #tpu.memory_space<vmem>>, %arg4: memref<1x64xf32, #tpu.memory_space<vmem>>, %arg5: memref<64x64xf32, #tpu.memory_space<vmem>>, %arg6: memref<1x64xf32, #tpu.memory_space<vmem>>, %arg7: memref<2000x64xf32, #tpu.memory_space<vmem>>, %arg8: memref<1x64xf32, #tpu.memory_space<vmem>>, %arg9: memref<1x64xf32, #tpu.memory_space<vmem>>) attributes {dimension_semantics = [#tpu.dimension_semantics<arbitrary>], iteration_bounds = array<i64: 25>, scalar_prefetch = 0 : i64, scratch_operands = 0 : i64, tpu.core_type = #tpu.core_type<tc>, window_params = [{transform_indices = @transform_0, window_bounds = array<i64: 2000, 64>}, {transform_indices = @transform_1, window_bounds = array<i64: 2, 2000, 32>}, {pipeline_mode = #tpu.pipeline_mode<synchronous>, transform_indices = @transform_2, window_bounds = array<i64: 64, 64>}, {pipeline_mode = #tpu.pipeline_mode<synchronous>, transform_indices = @transform_3, window_bounds = array<i64: 1, 64>}, {pipeline_mode = #tpu.pipeline_mode<synchronous>, transform_indices = @transform_4, window_bounds = array<i64: 64, 64>}, {pipeline_mode = #tpu.pipeline_mode<synchronous>, transform_indices = @transform_5, window_bounds = array<i64: 1, 64>}, {transform_indices = @transform_6, window_bounds = array<i64: 2000, 64>}, {pipeline_mode = #tpu.pipeline_mode<synchronous>, transform_indices = @transform_7, window_bounds = array<i64: 1, 64>}, {pipeline_mode = #tpu.pipeline_mode<synchronous>, transform_indices = @transform_8, window_bounds = array<i64: 1, 64>}]} {
    %get3A = arith.constant 0 : index
    %get3A_0 = arith.constant 0 : index
    %get3A_1 = vector.load %arg1[%get3A, %get3A_0] : memref<2000x64xf32, #tpu.memory_space<vmem>>, vector<2000x64xf32>
    %get3A_2 = arith.constant 0 : index
    %get3A_3 = arith.constant 0 : index
    %get3A_4 = arith.constant 0 : index
    %get3A_5 = vector.load %arg2[%get3A_2, %get3A_3, %get3A_4] : memref<2x2000x32xf32, #tpu.memory_space<vmem>>, vector<1x2000x32xf32>
    %get3A_6 = vector.shape_cast %get3A_5 : vector<1x2000x32xf32> to vector<2000x32xf32>
    %get3A_7 = arith.constant 1 : index
    %get3A_8 = arith.constant 0 : index
    %get3A_9 = arith.constant 0 : index
    %get3A_10 = vector.load %arg2[%get3A_7, %get3A_8, %get3A_9] : memref<2x2000x32xf32, #tpu.memory_space<vmem>>, vector<1x2000x32xf32>
    %get3A_11 = vector.shape_cast %get3A_10 : vector<1x2000x32xf32> to vector<2000x32xf32>
    %concatenate3A = tpu.concatenate %get3A_6, %get3A_11 in 1 : vector<2000x32xf32>, vector<2000x32xf32> -> vector<2000x64xf32>
    %add3A = arith.addf %get3A_1, %concatenate3A : vector<2000x64xf32>
    %get3A_12 = arith.constant 0 : index
    %get3A_13 = arith.constant 0 : index
    %get3A_14 = vector.load %arg3[%get3A_12, %get3A_13] : memref<64x64xf32, #tpu.memory_space<vmem>>, vector<64x64xf32>
    %dot_general3A = arith.constant dense<0.000000e+00> : vector<2000x64xf32>
    %dot_general3A_15 = tpu.matmul %add3A, %get3A_14, %dot_general3A {dimension_numbers = #tpu.dot_dimension_numbers<[1], [0], [0], [1], [0, 0, 1, 1], [], []>, transpose_lhs_hint = false} : vector<2000x64xf32>, vector<64x64xf32>, vector<2000x64xf32> -> vector<2000x64xf32>
    %get3A_16 = arith.constant 0 : index
    %get3A_17 = arith.constant 0 : index
    %get3A_18 = vector.load %arg4[%get3A_16, %get3A_17] : memref<1x64xf32, #tpu.memory_space<vmem>>, vector<1x64xf32>
    %add3A_19 = vector.broadcast %get3A_18 : vector<1x64xf32> to vector<2000x64xf32>
    %add3A_20 = arith.addf %dot_general3A_15, %add3A_19 : vector<2000x64xf32>
    %get3A_21 = arith.constant 0 : index
    %get3A_22 = arith.constant 0 : index
    %get3A_23 = vector.load %arg5[%get3A_21, %get3A_22] : memref<64x64xf32, #tpu.memory_space<vmem>>, vector<64x64xf32>
    %dot_general3A_24 = arith.constant dense<0.000000e+00> : vector<2000x64xf32>
    %dot_general3A_25 = tpu.matmul %add3A_20, %get3A_23, %dot_general3A_24 {dimension_numbers = #tpu.dot_dimension_numbers<[1], [0], [0], [1], [0, 0, 1, 1], [], []>, transpose_lhs_hint = false} : vector<2000x64xf32>, vector<64x64xf32>, vector<2000x64xf32> -> vector<2000x64xf32>
    %get3A_26 = arith.constant 0 : index
    %get3A_27 = arith.constant 0 : index
    %get3A_28 = vector.load %arg6[%get3A_26, %get3A_27] : memref<1x64xf32, #tpu.memory_space<vmem>>, vector<1x64xf32>
    %add3A_29 = vector.broadcast %get3A_28 : vector<1x64xf32> to vector<2000x64xf32>
    %add3A_30 = arith.addf %dot_general3A_25, %add3A_29 : vector<2000x64xf32>
    %swap3A = arith.constant 0 : index
    %swap3A_31 = arith.constant 0 : index
    %swap3A_32 = vector.load %arg7[%swap3A, %swap3A_31] : memref<2000x64xf32, #tpu.memory_space<vmem>>, vector<2000x64xf32>
    tpu.vector_store %arg7[%swap3A, %swap3A_31], %add3A_30 {strides = array<i32>} : memref<2000x64xf32, #tpu.memory_space<vmem>>, vector<2000x64xf32>,
    %eq3A = arith.constant 0 : i32
    %eq3A_33 = arith.cmpi eq, %arg0, %eq3A : i32
    %convert_element_type3A = arith.extui %eq3A_33 : i1 to i32
    %cond3A = arith.constant 0 : i32
    %cond3A_34 = arith.cmpi ne, %convert_element_type3A, %cond3A : i32
    scf.if %cond3A_34 {
      %broadcast_in_dim3A_53 = arith.constant 0.000000e+00 : f32
      %broadcast_in_dim3A_54 = vector.broadcast %broadcast_in_dim3A_53 : f32 to vector<1x64xf32>
      %swap3A_55 = arith.constant 0 : index
      %swap3A_56 = arith.constant 0 : index
      %swap3A_57 = vector.load %arg8[%swap3A_55, %swap3A_56] : memref<1x64xf32, #tpu.memory_space<vmem>>, vector<1x64xf32>
      tpu.vector_store %arg8[%swap3A_55, %swap3A_56], %broadcast_in_dim3A_54 {strides = array<i32>} : memref<1x64xf32, #tpu.memory_space<vmem>>, vector<1x64xf32>,
      %broadcast_in_dim3A_58 = arith.constant 0.000000e+00 : f32
      %broadcast_in_dim3A_59 = vector.broadcast %broadcast_in_dim3A_58 : f32 to vector<1x64xf32>
      %swap3A_60 = arith.constant 0 : index
      %swap3A_61 = arith.constant 0 : index
      %swap3A_62 = vector.load %arg9[%swap3A_60, %swap3A_61] : memref<1x64xf32, #tpu.memory_space<vmem>>, vector<1x64xf32>
      tpu.vector_store %arg9[%swap3A_60, %swap3A_61], %broadcast_in_dim3A_59 {strides = array<i32>} : memref<1x64xf32, #tpu.memory_space<vmem>>, vector<1x64xf32>,
    } else {
    }
    %get3A_35 = arith.constant 0 : index
    %get3A_36 = arith.constant 0 : index
    %get3A_37 = vector.load %arg8[%get3A_35, %get3A_36] : memref<1x64xf32, #tpu.memory_space<vmem>>, vector<1x64xf32>
    %reduce_sum3A = arith.constant dense<0.000000e+00> : vector<64xf32>
    %reduce_sum3A_38 = vector.multi_reduction <add>, %add3A_30, %reduce_sum3A [0] : vector<2000x64xf32> to vector<64xf32>
    %broadcast_in_dim3A = vector.shape_cast %reduce_sum3A_38 : vector<64xf32> to vector<1x64xf32>
    %add3A_39 = arith.addf %get3A_37, %broadcast_in_dim3A : vector<1x64xf32>
    %swap3A_40 = arith.constant 0 : index
    %swap3A_41 = arith.constant 0 : index
    %swap3A_42 = vector.load %arg8[%swap3A_40, %swap3A_41] : memref<1x64xf32, #tpu.memory_space<vmem>>, vector<1x64xf32>
    tpu.vector_store %arg8[%swap3A_40, %swap3A_41], %add3A_39 {strides = array<i32>} : memref<1x64xf32, #tpu.memory_space<vmem>>, vector<1x64xf32>,
    %get3A_43 = arith.constant 0 : index
    %get3A_44 = arith.constant 0 : index
    %get3A_45 = vector.load %arg9[%get3A_43, %get3A_44] : memref<1x64xf32, #tpu.memory_space<vmem>>, vector<1x64xf32>
    %mul3A = arith.mulf %add3A_30, %add3A_30 : vector<2000x64xf32>
    %reduce_sum3A_46 = arith.constant dense<0.000000e+00> : vector<64xf32>
    %reduce_sum3A_47 = vector.multi_reduction <add>, %mul3A, %reduce_sum3A_46 [0] : vector<2000x64xf32> to vector<64xf32>
    %broadcast_in_dim3A_48 = vector.shape_cast %reduce_sum3A_47 : vector<64xf32> to vector<1x64xf32>
    %add3A_49 = arith.addf %get3A_45, %broadcast_in_dim3A_48 : vector<1x64xf32>
    %swap3A_50 = arith.constant 0 : index
    %swap3A_51 = arith.constant 0 : index
    %swap3A_52 = vector.load %arg9[%swap3A_50, %swap3A_51] : memref<1x64xf32, #tpu.memory_space<vmem>>, vector<1x64xf32>
    tpu.vector_store %arg9[%swap3A_50, %swap3A_51], %add3A_49 {strides = array<i32>} : memref<1x64xf32, #tpu.memory_space<vmem>>, vector<1x64xf32>,
    return
  }
  func.func @transform_0(%arg0: i32) -> (i32, i32) {
    %c0_i32 = arith.constant 0 : i32
    %c0_i32_0 = arith.constant 0 : i32
    return %arg0, %c0_i32 : i32, i32
  }
  func.func @transform_1(%arg0: i32) -> (i32, i32, i32) {
    %c0_i32 = arith.constant 0 : i32
    %c0_i32_0 = arith.constant 0 : i32
    %c0_i32_1 = arith.constant 0 : i32
    return %c0_i32, %arg0, %c0_i32_0 : i32, i32, i32
  }
  func.func @transform_2(%arg0: i32) -> (i32, i32) {
    %c0_i32 = arith.constant 0 : i32
    %c0_i32_0 = arith.constant 0 : i32
    %c0_i32_1 = arith.constant 0 : i32
    return %c0_i32, %c0_i32_0 : i32, i32
  }
  func.func @transform_3(%arg0: i32) -> (i32, i32) {
    %c0_i32 = arith.constant 0 : i32
    %c0_i32_0 = arith.constant 0 : i32
    %c0_i32_1 = arith.constant 0 : i32
    return %c0_i32, %c0_i32_0 : i32, i32
  }
  func.func @transform_4(%arg0: i32) -> (i32, i32) {
    %c0_i32 = arith.constant 0 : i32
    %c0_i32_0 = arith.constant 0 : i32
    %c0_i32_1 = arith.constant 0 : i32
    return %c0_i32, %c0_i32_0 : i32, i32
  }
  func.func @transform_5(%arg0: i32) -> (i32, i32) {
    %c0_i32 = arith.constant 0 : i32
    %c0_i32_0 = arith.constant 0 : i32
    %c0_i32_1 = arith.constant 0 : i32
    return %c0_i32, %c0_i32_0 : i32, i32
  }
  func.func @transform_6(%arg0: i32) -> (i32, i32) {
    %c0_i32 = arith.constant 0 : i32
    %c0_i32_0 = arith.constant 0 : i32
    return %arg0, %c0_i32 : i32, i32
  }
  func.func @transform_7(%arg0: i32) -> (i32, i32) {
    %c0_i32 = arith.constant 0 : i32
    %c0_i32_0 = arith.constant 0 : i32
    %c0_i32_1 = arith.constant 0 : i32
    return %c0_i32, %c0_i32_0 : i32, i32
  }
  func.func @transform_8(%arg0: i32) -> (i32, i32) {
    %c0_i32 = arith.constant 0 : i32
    %c0_i32_0 = arith.constant 0 : i32
    %c0_i32_1 = arith.constant 0 : i32
    return %c0_i32, %c0_i32_0 : i32, i32
  }
}

module attributes {stable_mosaic.version = 14 : i64} {
  func.func @_pass2_body(%arg0: i32, %arg1: memref<2000x64xf32, #tpu.memory_space<vmem>>, %arg2: memref<1x64xf32, #tpu.memory_space<vmem>>, %arg3: memref<1x64xf32, #tpu.memory_space<vmem>>, %arg4: memref<1x64xf32, #tpu.memory_space<vmem>>, %arg5: memref<1x64xf32, #tpu.memory_space<vmem>>, %arg6: memref<2000x64xf32, #tpu.memory_space<vmem>>, %arg7: memref<1x20x64xf32, #tpu.memory_space<vmem>>) attributes {dimension_semantics = [#tpu.dimension_semantics<arbitrary>], iteration_bounds = array<i64: 25>, scalar_prefetch = 0 : i64, scratch_operands = 0 : i64, tpu.core_type = #tpu.core_type<tc>, window_params = [{transform_indices = @transform_0, window_bounds = array<i64: 2000, 64>}, {pipeline_mode = #tpu.pipeline_mode<synchronous>, transform_indices = @transform_1, window_bounds = array<i64: 1, 64>}, {pipeline_mode = #tpu.pipeline_mode<synchronous>, transform_indices = @transform_2, window_bounds = array<i64: 1, 64>}, {pipeline_mode = #tpu.pipeline_mode<synchronous>, transform_indices = @transform_3, window_bounds = array<i64: 1, 64>}, {pipeline_mode = #tpu.pipeline_mode<synchronous>, transform_indices = @transform_4, window_bounds = array<i64: 1, 64>}, {transform_indices = @transform_5, window_bounds = array<i64: 2000, 64>}, {transform_indices = @transform_6, window_bounds = array<i64: 1, 20, 64>}]} {
    %get3A = arith.constant 0 : index
    %get3A_0 = arith.constant 0 : index
    %get3A_1 = vector.load %arg2[%get3A, %get3A_0] : memref<1x64xf32, #tpu.memory_space<vmem>>, vector<1x64xf32>
    %mul3A = arith.constant 2.000000e-05 : f32
    %mul3A_2 = vector.broadcast %mul3A : f32 to vector<1x64xf32>
    %mul3A_3 = arith.mulf %get3A_1, %mul3A_2 : vector<1x64xf32>
    %get3A_4 = arith.constant 0 : index
    %get3A_5 = arith.constant 0 : index
    %get3A_6 = vector.load %arg3[%get3A_4, %get3A_5] : memref<1x64xf32, #tpu.memory_space<vmem>>, vector<1x64xf32>
    %mul3A_7 = arith.constant 2.000000e-05 : f32
    %mul3A_8 = vector.broadcast %mul3A_7 : f32 to vector<1x64xf32>
    %mul3A_9 = arith.mulf %get3A_6, %mul3A_8 : vector<1x64xf32>
    %mul3A_10 = arith.mulf %mul3A_3, %mul3A_3 : vector<1x64xf32>
    %sub3A = arith.subf %mul3A_9, %mul3A_10 : vector<1x64xf32>
    %add3A = arith.constant 9.99999974E-6 : f32
    %add3A_11 = vector.broadcast %add3A : f32 to vector<1x64xf32>
    %add3A_12 = arith.addf %sub3A, %add3A_11 : vector<1x64xf32>
    %rsqrt3A = math.rsqrt %add3A_12 : vector<1x64xf32>
    %get3A_13 = arith.constant 0 : index
    %get3A_14 = arith.constant 0 : index
    %get3A_15 = vector.load %arg4[%get3A_13, %get3A_14] : memref<1x64xf32, #tpu.memory_space<vmem>>, vector<1x64xf32>
    %mul3A_16 = arith.mulf %get3A_15, %rsqrt3A : vector<1x64xf32>
    %get3A_17 = arith.constant 0 : index
    %get3A_18 = arith.constant 0 : index
    %get3A_19 = vector.load %arg5[%get3A_17, %get3A_18] : memref<1x64xf32, #tpu.memory_space<vmem>>, vector<1x64xf32>
    %mul3A_20 = arith.mulf %mul3A_3, %mul3A_16 : vector<1x64xf32>
    %sub3A_21 = arith.subf %get3A_19, %mul3A_20 : vector<1x64xf32>
    %get3A_22 = arith.constant 0 : index
    %get3A_23 = arith.constant 0 : index
    %get3A_24 = vector.load %arg1[%get3A_22, %get3A_23] : memref<2000x64xf32, #tpu.memory_space<vmem>>, vector<2000x64xf32>
    %mul3A_25 = vector.broadcast %mul3A_16 : vector<1x64xf32> to vector<2000x64xf32>
    %mul3A_26 = arith.mulf %get3A_24, %mul3A_25 : vector<2000x64xf32>
    %add3A_27 = vector.broadcast %sub3A_21 : vector<1x64xf32> to vector<2000x64xf32>
    %add3A_28 = arith.addf %mul3A_26, %add3A_27 : vector<2000x64xf32>
    %max3A = arith.constant 0.000000e+00 : f32
    %max3A_29 = vector.broadcast %max3A : f32 to vector<2000x64xf32>
    %max3A_30 = arith.maximumf %add3A_28, %max3A_29 : vector<2000x64xf32>
    %swap3A = arith.constant 0 : index
    %swap3A_31 = arith.constant 0 : index
    %swap3A_32 = vector.load %arg6[%swap3A, %swap3A_31] : memref<2000x64xf32, #tpu.memory_space<vmem>>, vector<2000x64xf32>
    tpu.vector_store %arg6[%swap3A, %swap3A_31], %max3A_30 {strides = array<i32>} : memref<2000x64xf32, #tpu.memory_space<vmem>>, vector<2000x64xf32>,
    %reshape3A = vector.shape_cast %max3A_30 : vector<2000x64xf32> to vector<20x100x64xf32>
    %reduce_sum3A = arith.constant dense<0.000000e+00> : vector<20x64xf32>
    %reduce_sum3A_33 = vector.multi_reduction <add>, %reshape3A, %reduce_sum3A [1] : vector<20x100x64xf32> to vector<20x64xf32>
    %broadcast_in_dim3A = vector.shape_cast %reduce_sum3A_33 : vector<20x64xf32> to vector<1x20x64xf32>
    %swap3A_34 = arith.constant 0 : index
    %swap3A_35 = arith.constant 0 : index
    %swap3A_36 = arith.constant 0 : index
    %swap3A_37 = vector.load %arg7[%swap3A_34, %swap3A_35, %swap3A_36] : memref<1x20x64xf32, #tpu.memory_space<vmem>>, vector<1x20x64xf32>
    tpu.vector_store %arg7[%swap3A_34, %swap3A_35, %swap3A_36], %broadcast_in_dim3A {strides = array<i32>} : memref<1x20x64xf32, #tpu.memory_space<vmem>>, vector<1x20x64xf32>,
    return
  }
  func.func @transform_0(%arg0: i32) -> (i32, i32) {
    %c0_i32 = arith.constant 0 : i32
    %c0_i32_0 = arith.constant 0 : i32
    return %arg0, %c0_i32 : i32, i32
  }
  func.func @transform_1(%arg0: i32) -> (i32, i32) {
    %c0_i32 = arith.constant 0 : i32
    %c0_i32_0 = arith.constant 0 : i32
    %c0_i32_1 = arith.constant 0 : i32
    return %c0_i32, %c0_i32_0 : i32, i32
  }
  func.func @transform_2(%arg0: i32) -> (i32, i32) {
    %c0_i32 = arith.constant 0 : i32
    %c0_i32_0 = arith.constant 0 : i32
    %c0_i32_1 = arith.constant 0 : i32
    return %c0_i32, %c0_i32_0 : i32, i32
  }
  func.func @transform_3(%arg0: i32) -> (i32, i32) {
    %c0_i32 = arith.constant 0 : i32
    %c0_i32_0 = arith.constant 0 : i32
    %c0_i32_1 = arith.constant 0 : i32
    return %c0_i32, %c0_i32_0 : i32, i32
  }
  func.func @transform_4(%arg0: i32) -> (i32, i32) {
    %c0_i32 = arith.constant 0 : i32
    %c0_i32_0 = arith.constant 0 : i32
    %c0_i32_1 = arith.constant 0 : i32
    return %c0_i32, %c0_i32_0 : i32, i32
  }
  func.func @transform_5(%arg0: i32) -> (i32, i32) {
    %c0_i32 = arith.constant 0 : i32
    %c0_i32_0 = arith.constant 0 : i32
    return %arg0, %c0_i32 : i32, i32
  }
  func.func @transform_6(%arg0: i32) -> (i32, i32, i32) {
    %c0_i32 = arith.constant 0 : i32
    %c0_i32_0 = arith.constant 0 : i32
    %c0_i32_1 = arith.constant 0 : i32
    return %arg0, %c0_i32, %c0_i32_0 : i32, i32, i32
  }
}

module attributes {stable_mosaic.version = 14 : i64} {
  func.func @_cls_body(%arg0: memref<500x64xf32, #tpu.memory_space<vmem>>, %arg1: memref<500x64xf32, #tpu.memory_space<vmem>>, %arg2: memref<500x64xf32, #tpu.memory_space<vmem>>, %arg3: memref<64x128xf32, #tpu.memory_space<vmem>>, %arg4: memref<64x128xf32, #tpu.memory_space<vmem>>, %arg5: memref<64x128xf32, #tpu.memory_space<vmem>>, %arg6: memref<1x128xf32, #tpu.memory_space<vmem>>, %arg7: memref<500x128xf32, #tpu.memory_space<vmem>>) attributes {dimension_semantics = [], scalar_prefetch = 0 : i64, scratch_operands = 0 : i64, tpu.core_type = #tpu.core_type<tc>} {
    %get3A = arith.constant 0 : index
    %get3A_0 = arith.constant 0 : index
    %get3A_1 = vector.load %arg0[%get3A, %get3A_0] : memref<500x64xf32, #tpu.memory_space<vmem>>, vector<500x64xf32>
    %get3A_2 = arith.constant 0 : index
    %get3A_3 = arith.constant 0 : index
    %get3A_4 = vector.load %arg3[%get3A_2, %get3A_3] : memref<64x128xf32, #tpu.memory_space<vmem>>, vector<64x128xf32>
    %dot_general3A = arith.constant dense<0.000000e+00> : vector<500x128xf32>
    %dot_general3A_5 = tpu.matmul %get3A_1, %get3A_4, %dot_general3A {dimension_numbers = #tpu.dot_dimension_numbers<[1], [0], [0], [1], [0, 0, 1, 1], [], []>, transpose_lhs_hint = false} : vector<500x64xf32>, vector<64x128xf32>, vector<500x128xf32> -> vector<500x128xf32>
    %get3A_6 = arith.constant 0 : index
    %get3A_7 = arith.constant 0 : index
    %get3A_8 = vector.load %arg1[%get3A_6, %get3A_7] : memref<500x64xf32, #tpu.memory_space<vmem>>, vector<500x64xf32>
    %get3A_9 = arith.constant 0 : index
    %get3A_10 = arith.constant 0 : index
    %get3A_11 = vector.load %arg4[%get3A_9, %get3A_10] : memref<64x128xf32, #tpu.memory_space<vmem>>, vector<64x128xf32>
    %dot_general3A_12 = arith.constant dense<0.000000e+00> : vector<500x128xf32>
    %dot_general3A_13 = tpu.matmul %get3A_8, %get3A_11, %dot_general3A_12 {dimension_numbers = #tpu.dot_dimension_numbers<[1], [0], [0], [1], [0, 0, 1, 1], [], []>, transpose_lhs_hint = false} : vector<500x64xf32>, vector<64x128xf32>, vector<500x128xf32> -> vector<500x128xf32>
    %add3A = arith.addf %dot_general3A_5, %dot_general3A_13 : vector<500x128xf32>
    %get3A_14 = arith.constant 0 : index
    %get3A_15 = arith.constant 0 : index
    %get3A_16 = vector.load %arg2[%get3A_14, %get3A_15] : memref<500x64xf32, #tpu.memory_space<vmem>>, vector<500x64xf32>
    %get3A_17 = arith.constant 0 : index
    %get3A_18 = arith.constant 0 : index
    %get3A_19 = vector.load %arg5[%get3A_17, %get3A_18] : memref<64x128xf32, #tpu.memory_space<vmem>>, vector<64x128xf32>
    %dot_general3A_20 = arith.constant dense<0.000000e+00> : vector<500x128xf32>
    %dot_general3A_21 = tpu.matmul %get3A_16, %get3A_19, %dot_general3A_20 {dimension_numbers = #tpu.dot_dimension_numbers<[1], [0], [0], [1], [0, 0, 1, 1], [], []>, transpose_lhs_hint = false} : vector<500x64xf32>, vector<64x128xf32>, vector<500x128xf32> -> vector<500x128xf32>
    %add3A_22 = arith.addf %add3A, %dot_general3A_21 : vector<500x128xf32>
    %get3A_23 = arith.constant 0 : index
    %get3A_24 = arith.constant 0 : index
    %get3A_25 = vector.load %arg6[%get3A_23, %get3A_24] : memref<1x128xf32, #tpu.memory_space<vmem>>, vector<1x128xf32>
    %add3A_26 = vector.broadcast %get3A_25 : vector<1x128xf32> to vector<500x128xf32>
    %add3A_27 = arith.addf %add3A_22, %add3A_26 : vector<500x128xf32>
    %swap3A = arith.constant 0 : index
    %swap3A_28 = arith.constant 0 : index
    %swap3A_29 = vector.load %arg7[%swap3A, %swap3A_28] : memref<500x128xf32, #tpu.memory_space<vmem>>, vector<500x128xf32>
    tpu.vector_store %arg7[%swap3A, %swap3A_28], %add3A_27 {strides = array<i32>} : memref<500x128xf32, #tpu.memory_space<vmem>>, vector<500x128xf32>,
    return
  }
}

</mosaic_0001>

<sc_bundles>
// kernel: kernel.13.cloned.1.call-start
scs
__scs_entry_jumppad:
0x0: {  	(pc) =	sbr.rel $0x88, $3  }
0x1: {  	(tag) =	ssettag $0x0;
	lr =	simm.s32 $0x1  }
0x2: {  	[smem:$0x3F95] =	sst lr;
	_ =	strace $0xD0000000  }
0x3: {  	_ = 	snop  }
0x4: {  	_ = 	snop  }
0x5: {  	_ = 	snop  }
0x6: {  	_ = 	snop  }
0x7: {  	_ = 	snop  }
__scs_overlays_trampoline_lowered:
0x8: {  	[smem:$0x3FA4] =	sst s0  }
0x9: {  	[smem:$0x3FA5] =	sst s1  }
0xa: {  	[smem:$0x3FA6] =	sst s2  }
0xb: {  	[smem:$0x3FA7] =	sst s3  }
0xc: {  	[smem:$0x3FA8] =	sst s4  }
0xd: {  	[smem:$0x3FA9] =	sst s5  }
0xe: {  	[smem:$0x3FAA] =	sst s6  }
0xf: {  	[smem:$0x3FAB] =	sst s7  }
0x10: {  	[smem:$0x3FAC] =	sst s8  }
0x11: {  	[smem:$0x3FAD] =	sst s9;
	s0 =	simm.s32 @!p0 $0x0  }
0x12: {  	s1 =	sld [smem:$0x3F93];
	s0 =	simm.s32 @p0 $0x1  }
0x13: {  	[smem:$0x3FAE] =	sst s0;
	s0 =	simm.s32 @!p1 $0x0  }
0x14: {  	s2 =	sld [smem:$0x3F92];
	s0 =	simm.s32 @p1 $0x1  }
0x15: {  	[smem:$0x3FAF] =	sst s0;
	s0 =	simm.s32 @!p2 $0x0  }
0x16: {  	s3 =	sld [smem:$0x3FDB];
	s0 =	simm.s32 @p2 $0x1  }
0x17: {  	s4 =	simm.s32 $0x1BF5;
	[smem:$0x3FB1] =	sst s0  }
0x18: {  	s0 =	sld [smem:$0x3F94];
	_ =	swait.ge [sflag:s4], $0x0  }
0x19: {  	s7 =	sld [smem:$0x3F95]  }
0x1a: {  	s8 =	sadd.s32 $0xFFFFE003, lr  }
0x1b: {  	s9 =	sadd.s32 $0xFFFFFEF7, lr;
	s5 =	simm.s32 $0xFFFFFFFF;
	p2 =	slt.u32 s8, $0xFFFFF086  }
0x1c: {  	p1 =	slt.u32 s9, $0xF7A;
	s5 =	simm.s32 @!p2 $0x0  }
0x1d: {  	s5 =	simm.s32 @p1 $0x1;
	p0 =	seq.s32 s7, s2  }
0x1e: {  	s7 =	smul.u32 @!p0 $0xF7A, s2;
	p2 =	seq.s32 @!p0 s5, $0x0  }
0x1f: {  	s9 =	smul.u32 $0xF7A, s1;
	s8 =	simm.s32 @!p0 $0x1BF5;
	p2 =	por !p2, p0  }
0x20: {  	[sflag:s8] =	ssyncset.s32 @!p0 $0xFFFFF086;
	s6 =	sadd.s32 @!p0 s3, s7;
	s7 =	simm.s32 @!p0 $0x108  }
0x21: {  	s3 =	sadd.s32 s3, s9;
	s6 =	sadd.s32 @!p0 $0x88, s6;
	s7 =	simm.s32 @p2 $0x1082  }
0x22: {  	[simem:s7], [sflag:s8] =	dma.local @!p0 [hbm:s6], $0xF7A  }
0x23: {  	s9 =	sor.u32 $0xD0000000, s2;
	s6 =	simm.s32 $0x108;
	_ =	swait.ge @!p0 [sflag:s8], $0x0  }
0x24: {  	s3 =	sadd.s32 $0x88, s3;
	s6 =	simm.s32 @!p1 $0x1082;
	[sflag:s4] =	ssyncset.s32 $0xFFFFF086  }
0x25: {  	[simem:s6], [sflag:s4] =	dma.local [hbm:s3], $0xF7A  }
0x26: {  	[smem:$0x3F95] =	sst s1;
	(tag) =	ssettag s2;
	_ =	strace s9  }
0x27: {  	s1 =	sld [smem:$0x3FA5]  }
0x28: {  	s2 =	sld [smem:$0x3FA6]  }
0x29: {  	s4 =	sld [smem:$0x3FA8]  }
0x2a: {  	p0 =	seq.s32 s5, $0x0;
	s5 =	sld [smem:$0x3FA9]  }
0x2b: {  	s6 =	sld [smem:$0x3FAA]  }
0x2c: {  	s7 =	sld [smem:$0x3FAB]  }
0x2d: {  	s3 =	simm.s32 $0x108;
	s8 =	sld [smem:$0x3FAC]  }
0x2e: {  	s3 =	simm.s32 @!p0 $0x1082;
	s9 =	sld [smem:$0x3FAD]  }
0x2f: {  	lr =	sadd.s32 s0, s3;
	s0 =	sld [smem:$0x3FA4]  }
0x30: {  	s3 =	sld [smem:$0x3FA7]  }
0x31: {  	[smem:$0x3FB0] =	sst s10  }
0x32: {  	s10 =	sld [smem:$0x3FAE];
	_ =	sdelay $0x3  }
0x33: {  	p0 =	seq.s32 s10, $0x1;
	s10 =	sld [smem:$0x3FB0];
	_ =	sdelay $0x3  }
0x34: {  	[smem:$0x3FB0] =	sst s10  }
0x35: {  	s10 =	sld [smem:$0x3FAF];
	_ =	sdelay $0x3  }
0x36: {  	p1 =	seq.s32 s10, $0x1;
	s10 =	sld [smem:$0x3FB0];
	_ =	sdelay $0x3  }
0x37: {  	[smem:$0x3FB0] =	sst s10  }
0x38: {  	s10 =	sld [smem:$0x3FB1]  }
0x39: {  	_ = 	snop;
	(pc) =	sbr.ind lr, $3  }
0x3a: {  	_ = 	snop  }
0x3b: {  	_ = 	snop  }
0x3c: {  	p2 =	seq.s32 s10, $0x1;
	s10 =	sld [smem:$0x3FB0]  }
0x3d: {  	_ =	shalt  }
0x3e: {  	_ =	shalt  }
0x3f: {  	_ =	shalt  }
0x40: {  	_ =	shalt  }
0x41: {  	_ =	shalt  }
0x42: {  	_ =	shalt  }
0x43: {  	_ =	shalt  }
0x44: {  	_ =	shalt  }
0x45: {  	_ =	shalt  }
0x46: {  	_ =	shalt  }
0x47: {  	_ =	shalt  }
0x48: {  	_ =	shalt  }
0x49: {  	_ =	shalt  }
0x4a: {  	_ =	shalt  }
0x4b: {  	_ =	shalt  }
0x4c: {  	_ =	shalt  }
0x4d: {  	_ =	shalt  }
0x4e: {  	_ =	shalt  }
0x4f: {  	_ =	shalt  }
0x50: {  	_ =	shalt  }
0x51: {  	_ =	shalt  }
0x52: {  	_ =	shalt  }
0x53: {  	_ =	shalt  }
0x54: {  	_ =	shalt  }
0x55: {  	_ =	shalt  }
0x56: {  	_ =	shalt  }
0x57: {  	_ =	shalt  }
0x58: {  	_ =	shalt  }
0x59: {  	_ =	shalt  }
0x5a: {  	_ =	shalt  }
0x5b: {  	_ =	shalt  }
0x5c: {  	_ =	shalt  }
0x5d: {  	_ =	shalt  }
0x5e: {  	_ =	shalt  }
0x5f: {  	_ =	shalt  }
0x60: {  	_ =	shalt  }
0x61: {  	_ =	shalt  }
0x62: {  	_ =	shalt  }
0x63: {  	_ =	shalt  }
0x64: {  	_ =	shalt  }
0x65: {  	_ =	shalt  }
0x66: {  	_ =	shalt  }
0x67: {  	_ =	shalt  }
0x68: {  	_ =	shalt  }
0x69: {  	_ =	shalt  }
0x6a: {  	_ =	shalt  }
0x6b: {  	_ =	shalt  }
0x6c: {  	_ =	shalt  }
0x6d: {  	_ =	shalt  }
0x6e: {  	_ =	shalt  }
0x6f: {  	_ =	shalt  }
0x70: {  	_ =	shalt  }
0x71: {  	_ =	shalt  }
0x72: {  	_ =	shalt  }
0x73: {  	_ =	shalt  }
0x74: {  	_ =	shalt  }
0x75: {  	_ =	shalt  }
0x76: {  	_ =	shalt  }
0x77: {  	_ =	shalt  }
0x78: {  	_ =	shalt  }
0x79: {  	_ =	shalt  }
0x7a: {  	_ =	shalt  }
0x7b: {  	_ =	shalt  }
0x7c: {  	_ =	shalt  }
0x7d: {  	_ =	shalt  }
0x7e: {  	_ =	shalt  }
0x7f: {  	_ =	shalt  }
0x80: {  	_ =	shalt  }
0x81: {  	_ =	shalt  }
0x82: {  	_ =	shalt  }
0x83: {  	_ =	shalt  }
0x84: {  	_ =	shalt  }
0x85: {  	_ =	shalt  }
0x86: {  	_ =	shalt  }
0x87: {  	_ =	shalt  }
.Lfunc_end0:
.L_simem_size_0:
called_computation_lowered:
.L_overlay_start_0:
0x88: {  	s2 =	sld [smem:$0x3FD9]  }
0x89: {  	s3 =	sld [smem:$0x3FFE];
	_ =	sdelay $0x1  }
0x8a: {  	s1 =	srdreg.scid  }
0x8b: {  	s0 =	sand.u32 $0x1, s1  }
0x8c: {  	s16 =	sshll.u32 s0, $0xA;
	s2 =	sadd.s32 s3, s2  }
0x8d: {  	s2 =	sadd.s32 s2, s16  }
0x8e: {  	[smem:$0x3FBC] =	sst s2  }
0x8f: {  	_ = 	snop  }
0x90: {  	(tm) =	ssettm $0x1  }
0x91: {  	s17 =	sld [smem:$0x3FFB];
	_ =	sdelay $0x3  }
0x92: {  	_ =	strace s17  }
0x93: {  	s2 =	sld [smem:$0x3FFC];
	_ =	sdelay $0x3  }
0x94: {  	_ =	strace s2  }
0x95: {  	s2 =	sld [smem:$0x3FFD];
	_ =	sdelay $0x3  }
0x96: {  	_ =	strace s2  }
0x97: {  	_ =	strace $0x8FFFFFFF  }
0x98: {  	s18 =	sld [smem:$0x3FDB];
	_ =	sdelay $0x1  }
0x99: {  	s19 =	simm.s32 $_scs_section_size  }
0x9a: {  	s4 =	simm.s32 $_size__tile_overlayer_lowered;
	s5 =	simm.s32 $_tile_overlayer_lowered  }
0x9b: {  	s22 =	simm.s32 $0x1BFF;
	s21 =	sshll.u32 s5, $0x1;
	s2 =	sadd.s32 s19, s18  }
0x9c: {  	s6 =	simm.s32 $0x0;
	s20 =	sshll.u32 s4, $0x1;
	s4 =	sadd.s32 s21, s2  }
0x9d: {  	[timem:s6], [sflag:s22] =	dma.local [hbm:s4], s20  }
0x9e: {  	_ =	swait.ge [sflag:s22], s20  }
0x9f: {  	s3 =	ssub.s32 $0x0, s20;
	[sflag:s22] =	ssyncset.done $0x0  }
0xa0: {  	[sflag:s22] =	ssyncadd.s32 s3;
	_ =	sdelay $0x1  }
0xa1: {  	s23 =	simm.s32 $0x1B8B  }
0xa2: {  	_ =	swait.ge [sflag:s23], $0x1  }
0xa3: {  	[sflag:s23] =	ssyncset.done $0x0  }
0xa4: {  	s25 =	simm.s32 $0x1B8E;
	s24 =	sld [smem:$0x3FFE];
	[sflag:s23] =	ssyncadd.s32 $0xFFFFFFFF  }
0xa5: {  	s26 =	simm.s32 $execute0_lowered;
	[smem:$0x3FD2] =	sst s25  }
0xa6: {  	s4 =	sshll.u32 s26, $0x1;
	_ =	strace $0x80000046;
	[dreg:$0x1] =	wrdreg $0xFFFFFFFF  }
0xa7: {  	s28 =	simm.s32 $_size_execute0_lowered;
	s2 =	sadd.s32 s2, s4;
	[dreg:$0x0] =	wrdreg $0x0  }
0xa8: {  	s4 =	sshll.u32 s28, $0x1;
	[dreg:$0x2] =	wrdreg s2  }
0xa9: {  	[dreg:$0x3] =	wrdreg s4  }
0xaa: {  	[dreg:$0x4] =	wrdreg $0xC0  }
0xab: {  	_ =	task [dreg:s6], $0x5FFFF  }
0xac: {  	[dreg:$0x1] =	wrdreg $0xFFFFFFFF  }
0xad: {  	[dreg:$0x0] =	wrdreg $0x60  }
0xae: {  	[dreg:$0x2] =	wrdreg s24  }
0xaf: {  	[dreg:$0x3] =	wrdreg $0x23000  }
0xb0: {  	[dreg:$0x4] =	wrdreg $0x9  }
0xb1: {  	_ =	task.clear_ibuf [dreg:s6], $0x5FFFF;
	_ =	strace $0x90000046  }
0xb2: {  	s29 =	simm.s32 $0x9;
	_ =	strace $0x80000048  }
0xb3: {  	_ =	swait.ge [sflag:s29], $0x1  }
0xb4: {  	[sflag:s29] =	ssyncadd.s32 $0xFFFFFFFF  }
0xb5: {  	_ =	strace $0x90000048  }
0xb6: {  	_ =	sfence  }
0xb7: {  	s30 =	sld [smem:$0x0];
	_ =	sdelay $0x2  }
0xb8: {  	s31 =	sshll.u32 s1, $0xD;
	s1 =	sshrl.u32 s1, $0x2  }
0xb9: {  	s3 =	sand.u32 $0x4000, s31;
	s1 =	sadd.s32 s1, s30  }
0xba: {  	s0 =	sor.u32 s3, s0;
	s1 =	sshll.u32 s1, $0x11  }
0xbb: {  	s0 =	sor.u32 s1, s0  }
0xbc: {  	s0 =	sadd.s32 $0x8F2B, s0  }
0xbd: {  	[sflag:s0] =	ssyncadd.remote.s32 $0x1  }
0xbe: {  	_ =	sfence.sel $0xFFFF  }
0xbf: {  	[dreg:$0x0] =	wrdreg $0xFFFFFFFF;
	(pc) =	sbr.abs _section_cstart, $3  }
0xc0: {  	[dreg:$0x1] =	wrdreg $0xFFFFFFFF  }
0xc1: {  	_ =	task.clear_ibuf [dreg:s6], $0x2FFFF;
	_ =	strace $0x9FFFFFFF  }
0xc2: {  	(tm) =	ssettm $0x7FFFFFFF  }
0xc3: {  	_ =	shalt  }
tec
execute0_lowered:
.L_overlay_start_1:
0x0: {  	(tag) =	ssettag $0x1  }
0x1: {  	s0 =	rddreg [dreg:$0x0]  }
0x2: {  	s1 =	rddreg [dreg:$0x1];
	s2 =	simm.s32 $0x0  }
0x3: {  	s3 =	srdreg.scid;
	s7 =	stileid.u32;
	s25 =	simm.s32 $0x280  }
0x4: {  	s28 =	simm.s32 $0x180;
	s29 =	simm.s32 $0x4;
	s30 =	simm.s32 $0x1  }
0x5: {  	s31 =	simm.s32 $0x1300;
	[smem:$0x7FF] =	sst s2;
	s4 =	sadd.s32 $0x4000, s0  }
0x6: {  	s3 =	sand.u32 $0x1, s3;
	s5 =	sadd.s32 $0x7E400, s0;
	s6 =	sadd.s32 $0x65C00, s0  }
0x7: {  	s10 =	smul.u32 $0x61C00, s7;
	s11 =	sadd.s32 $0x96C00, s0;
	s0 =	sadd.s32 $0x18AC00, s0  }
0x8: {  	s18 =	sshll.u32 s7, $0x6;
	s13 =	smul.u32 $0x1860, s7;
	p0 =	slt.u32 s7, $0xA  }
0x9: {  	s21 =	smul.u32 $0x61800, s7;
	s23 =	sadd.s32 $0x16DA00, s1;
	p1 =	seq.s32 s7, $0xF  }
0xa: {  	_ =	strace $0x80000047;
	s8 =	ssub.s32 $0x2, s3;
	[dreg:$0x4] =	wrdreg s11  }
0xb: {  	s14 =	smul.u32 $0x186A00, s3;
	s11 =	sor.u32 $0x1860, s7;
	[dreg:$0x3] =	wrdreg s25  }
0xc: {  	s26 =	sshrl.u32 s23, $0x3;
	s9 =	sshrl.u32 s8, $0x1;
	s17 =	sshrl.u32 s10, $0x2  }
0xd: {  	s10 =	simm.s32 $0x187;
	s19 =	sadd.s32 s5, s13;
	s12 =	sadd.s32 s6, s13  }
0xe: {  	s15 =	sor.u32 $0x10, s13;
	s22 =	sshrl.u32 s21, $0x2;
	[dreg:$0x9] =	wrdreg s26  }
0xf: {  	s16 =	ssub.s32 s8, s9;
	s8 =	smul.u32 $0x186, s7;
	s17 =	sadd.s32 s17, s1  }
0x10: {  	s9 =	sor.u32 $0x1C05, s18;
	s10 =	simm.s32 @!p0 $0x186;
	s18 =	smul.u32 $0x30D40, s3  }
0x11: {  	[dreg:$0x5] =	wrdreg s19;
	s19 =	smul.u32 $0x30C0, s7;
	s13 =	sadd.s32 s5, s15  }
0x12: {  	s20 =	sshrl.u32 s14, $0x3;
	s14 =	sadd.s32 s6, s15;
	s24 =	sadd.s32 s22, s1  }
.Ltmp0:
0x13: {  	s22 =	simm.s32 $0x80;
	s20 =	sadd.s32 s0, s20;
	(pc) =	sbr.rel .LBB2_1-.Ltmp0, $4  }
0x14: {  	p0 =	sgt.u32 s7, $0x9;
	s20 =	sadd.s32 $0x2DB40, s20;
	s18 =	sadd.s32 s19, s18  }
0x15: {  	s19 =	sshrl.u32 s17, $0x3;
	[dreg:$0x6] =	wrdreg s20;
	s0 =	sadd.s32 s0, s18  }
0x16: {  	s18 =	smax.u32 s16, $0x1;
	[dreg:$0x7] =	wrdreg s0;
	s0 =	sshrl.u32 s24, $0x3  }
0x17: {  	v0 =	vmov s3;
	s20 =	simm.s32 $0x5;
	[dreg:$0x8] =	wrdreg s0;
	s0 =	simm.s32 $0x0  }
.LBB2_7:
0x18: {  	s3 =	rddreg [dreg:$0x6]  }
0x19: {  	s7 =	rddreg [dreg:$0x9]  }
0x1a: {  	[hbm:s3], [sflag:s9] =	dma.local [spmem:s7], $0x3200  }
0x1b: {  	_ =	swait.ge [sflag:s20], $0x3200  }
0x1c: {  	[sflag:s20] =	ssyncset.done $0x0  }
0x1d: {  	[sflag:s20] =	ssyncadd.s32 $0xFFFFCE00  }
.LBB2_8:
0x1e: {  	s0 =	sadd.s32 $0x1, s0  }
0x1f: {  	p2 =	sne.s32 s0, s18  }
.Ltmp1:
0x20: {  	_ = 	snop;
	(pc) =	sbr.rel @!p2 .LBB2_9-.Ltmp1, $1  }
0x21: {  	_ =	sdelay $0x3  }
.LBB2_1:
0x22: {  	s3 =	rddreg [dreg:$0x4]  }
0x23: {  	[spmem:s19], [sflag:s9] =	dma.local [hbm:s3], $0x30E0  }
0x24: {  	_ =	swait.ge [sflag:s20], $0x30E0  }
0x25: {  	[sflag:s20] =	ssyncset.done $0x0  }
0x26: {  	[sflag:s20] =	ssyncadd.s32 $0xFFFFCF20  }
0x27: {  	[bflag:$0x0] =	sbarrier.arrive $0xFFFF  }
0x28: {  	s23 =	rddreg [dreg:$0x5]  }
0x29: {  	[tilespmem:s2], [sflag:$0x5] =	stream.linear.gather [hbm4b:s23+s2], $0x80, $0x38;
	[tilespmem:$0x1AA00] =	vst v63  }
0x2a: {  	_ =	swait.ge [sflag:s20], $0x80  }
0x2b: {  	[sflag:s20] =	ssyncset.done $0x0  }
0x2c: {  	s24 =	simm.s32 $0x100;
	[sflag:s20] =	ssyncadd.s32 $0xFFFFFF80  }
0x2d: {  	[tilespmem:s24], [sflag:$0x5] =	stream.linear.gather [hbm4b:s12+s2], $0x80, $0x38;
	[tilespmem:$0x1AA00] =	vst v63  }
0x2e: {  	_ =	swait.ge [sflag:s20], $0x80  }
0x2f: {  	[sflag:s20] =	ssyncset.done $0x0  }
0x30: {  	[sflag:s20] =	ssyncadd.s32 $0xFFFFFF80  }
0x31: {  	v1 =	vld [tilespmem:$0x0]  }
0x32: {  	v2 =	vld [tilespmem:$0x10]  }
0x33: {  	v3 =	vld [tilespmem:$0x20]  }
0x34: {  	v4 =	vld [tilespmem:$0x30]  }
0x35: {  	v5 =	vld [tilespmem:$0x40]  }
0x36: {  	v6 =	vld [tilespmem:$0x50];
	v1 =	vshll.u32 v1, $0x1  }
0x37: {  	v7 =	vld [tilespmem:$0x60];
	v2 =	vshll.u32 v2, $0x1;
	v1 =	vor.u32 v0, v1  }
0x38: {  	[tilespmem:$0x200] =	vst v1;
	v1 =	vor.u32 v0, v2;
	v2 =	vshll.u32 v3, $0x1;
	v3 =	vld [tilespmem:$0x70]  }
0x39: {  	[tilespmem:$0x210] =	vst v1;
	v1 =	vor.u32 v0, v2;
	v2 =	vshll.u32 v4, $0x1  }
0x3a: {  	[tilespmem:$0x220] =	vst v1;
	v1 =	vor.u32 v0, v2;
	v2 =	vshll.u32 v5, $0x1  }
0x3b: {  	[tilespmem:$0x230] =	vst v1;
	v1 =	vor.u32 v0, v2;
	v2 =	vshll.u32 v6, $0x1  }
0x3c: {  	[tilespmem:$0x240] =	vst v1;
	v1 =	vor.u32 v0, v2;
	v2 =	vshll.u32 v7, $0x1  }
0x3d: {  	[tilespmem:$0x250] =	vst v1;
	v1 =	vor.u32 v0, v2;
	v2 =	vshll.u32 v3, $0x1  }
0x3e: {  	[tilespmem:$0x260] =	vst v1;
	v1 =	vor.u32 v0, v2  }
0x3f: {  	s25 =	simm.s32 $0x200;
	s7 =	simm.s32 $0x300;
	[tilespmem:$0x270] =	vst v1  }
0x40: {  	[tilespmem:s7], [sflag:$0x1] =	stream.indirect.gather [hbm4b:s4+s22], $0x20, s25, s22, $0xb8;
	[tilespmem:$0x1AA00] =	vst v63  }
0x41: {  	_ = 	snop  }
0x42: {  	[tilespmem:s22], [sflag:$0x4] =	stream.linear.gather [hbm4b:s13+s2], $0x80, $0x38;
	[tilespmem:$0x1AA00] =	vst v63  }
0x43: {  	_ = 	snop  }
0x44: {  	[tilespmem:s28], [sflag:$0x4] =	stream.linear.gather [hbm4b:s14+s2], $0x80, $0x38;
	[tilespmem:$0x1AA00] =	vst v63  }
0x45: {  	_ =	swait.ge [sflag:s29], $0x80  }
0x46: {  	[sflag:s29] =	ssyncset.done $0x0  }
0x47: {  	[sflag:s29] =	ssyncadd.s32 $0xFFFFFF80  }
0x48: {  	_ =	swait.ge [sflag:s29], $0x80  }
0x49: {  	[sflag:s29] =	ssyncset.done $0x0  }
0x4a: {  	[sflag:s29] =	ssyncadd.s32 $0xFFFFFF80  }
0x4b: {  	v1 =	vld [tilespmem:$0xE0]  }
0x4c: {  	v2 =	vld [tilespmem:$0xD0]  }
0x4d: {  	v3 =	vld [tilespmem:$0xB0]  }
0x4e: {  	v60 =	vld [tilespmem:$0xF0]  }
0x4f: {  	v61 =	vld [tilespmem:$0xA0]  }
0x50: {  	v62 =	vld [tilespmem:$0xC0];
	v1 =	vshll.u32 v1, $0x1  }
0x51: {  	v63 =	vld [tilespmem:$0x90];
	v2 =	vshll.u32 v2, $0x1;
	v1 =	vor.u32 v0, v1  }
0x52: {  	v8 =	vld [tilespmem:$0x80];
	v3 =	vshll.u32 v3, $0x1;
	v2 =	vor.u32 v0, v2;
	[tilespmem:$0x2E0] =	vst v1  }
0x53: {  	v1 =	vor.u32 v0, v3;
	[tilespmem:$0x2D0] =	vst v2;
	v2 =	vshll.u32 v60, $0x1  }
0x54: {  	v3 =	vshll.u32 v61, $0x1;
	[tilespmem:$0x2B0] =	vst v1;
	v1 =	vor.u32 v0, v2  }
0x55: {  	v2 =	vor.u32 v0, v3;
	v3 =	vshll.u32 v62, $0x1;
	[tilespmem:$0x2F0] =	vst v1  }
0x56: {  	v1 =	vshll.u32 v63, $0x1;
	[tilespmem:$0x2A0] =	vst v2;
	v2 =	vor.u32 v0, v3  }
0x57: {  	v3 =	vshll.u32 v8, $0x1;
	v1 =	vor.u32 v0, v1;
	[tilespmem:$0x2C0] =	vst v2  }
0x58: {  	v2 =	vor.u32 v0, v3;
	[tilespmem:$0x290] =	vst v1  }
0x59: {  	[tilespmem:$0x280] =	vst v2  }
0x5a: {  	p2 =	sle.u32 s10, $0x2;
	_ =	swait.ge [sflag:s30], $0x1000  }
0x5b: {  	s16 =	simm.s32 @p2 $0x5;
	[sflag:s30] =	ssyncset.done $0x0  }
0x5c: {  	s3 =	simm.s32 @p2 $0x80;
	s26 =	rddreg [dreg:$0x3];
	[sflag:s30] =	ssyncadd.s32 $0xFFFFF000  }
0x5d: {  	[tilespmem:s31], [sflag:$0x2] =	stream.indirect.gather [hbm4b:s4+s22], $0x20, s26, s22, $0xb8;
	[tilespmem:$0x1AA00] =	vst v63  }
0x5e: {  	s17 =	simm.s32 @p2 $0x100;
	s21 =	simm.s32 @p2 $0x300;
	p3 =	por @!p2 $0x0, $0x0  }
0x5f: {  	[spmem:s1] =	stream.indirect.scatter.add.f32 @p2 [tilespmem:s21], [sflag:$0x5], $0x20, s17, s3, $0xb8;
	[tilespmem:$0x1AA00] =	vst v63  }
0x60: {  	p3 =	por !p3, p2;
	s3 =	sadd.s32 @!p2 $0xFFFFFE7A, s8;
	_ =	swait.ge @p2 [sflag:s16], $0x1000  }
0x61: {  	s17 =	smov.u32 s11;
	s3 =	sadd.s32 @!p2 $0x188, s3;
	[sflag:s16] =	ssyncset.done @p2 $0x0  }
0x62: {  	s17 =	smov.u32 @p3 s3;
	s3 =	simm.s32 @p2 $0x2;
	[sflag:s16] =	ssyncadd.s32 @p2 $0xFFFFF000  }
0x63: {  	s16 =	sshll.u32 @!p2 s17, $0x4;
	_ =	swait.ge @p2 [sflag:s3], $0x1000  }
0x64: {  	s16 =	sand.u32 @!p2 $0x1FFFFFF0, s16;
	[sflag:s3] =	ssyncset.done @p2 $0x0  }
0x65: {  	s17 =	sadd.s32 @!p2 s5, s16;
	[sflag:s3] =	ssyncadd.s32 @p2 $0xFFFFF000;
	s3 =	simm.s32 @!p2 $0x0  }
0x66: {  	[tilespmem:s3], [sflag:$0x3] =	stream.linear.gather @!p2 [hbm4b:s17+s3], $0x80, $0x38;
	[tilespmem:$0x1AA00] =	vst v63  }
0x67: {  	s24 =	simm.s32 @!p2 $0x80;
	s16 =	sadd.s32 @!p2 s6, s16;
	s17 =	simm.s32 @!p2 $0x100  }
0x68: {  	[tilespmem:s17], [sflag:$0x3] =	stream.linear.gather @!p2 [hbm4b:s16+s3], $0x80, $0x38;
	[tilespmem:$0x1AA00] =	vst v63  }
0x69: {  	s25 =	simm.s32 @!p2 $0x300;
	s3 =	simm.s32 $0xFFFFFE7A;
	s16 =	simm.s32 $0xFFFFFE7C  }
.LBB2_2:
0x6a: {  	s26 =	simm.s32 @!p2 $0x5  }
0x6b: {  	[spmem:s1] =	stream.indirect.scatter.add.f32 @!p2 [tilespmem:s25], [sflag:$0x5], $0x20, s17, s24, $0xb8;
	[tilespmem:$0x1AA00] =	vst v63  }
0x6c: {  	_ =	swait.ge @!p2 [sflag:s26], $0x1000  }
0x6d: {  	[sflag:s26] =	ssyncset.done @!p2 $0x0  }
0x6e: {  	s17 =	simm.s32 @!p2 $0x3;
	[sflag:s26] =	ssyncadd.s32 @!p2 $0xFFFFF000  }
0x6f: {  	_ =	swait.ge @!p2 [sflag:s17], $0x80  }
0x70: {  	[sflag:s17] =	ssyncset.done @!p2 $0x0  }
0x71: {  	[sflag:s17] =	ssyncadd.s32 @!p2 $0xFFFFFF80  }
0x72: {  	_ =	swait.ge @!p2 [sflag:s17], $0x80  }
0x73: {  	[sflag:s17] =	ssyncset.done @!p2 $0x0  }
0x74: {  	[sflag:s17] =	ssyncadd.s32 @!p2 $0xFFFFFF80  }
0x75: {  	v1 =	vld @!p2 [tilespmem:$0x0]  }
0x76: {  	v2 =	vld @!p2 [tilespmem:$0x10]  }
0x77: {  	v3 =	vld @!p2 [tilespmem:$0x30]  }
0x78: {  	v4 =	vld @!p2 [tilespmem:$0x40]  }
0x79: {  	v5 =	vld @!p2 [tilespmem:$0x50]  }
0x7a: {  	v6 =	vld @!p2 [tilespmem:$0x60];
	v1 =	vshll.u32 @!p2 v1, $0x1  }
0x7b: {  	v7 =	vld @!p2 [tilespmem:$0x70];
	v2 =	vshll.u32 @!p2 v2, $0x1;
	v1 =	vor.u32 @!p2 v0, v1  }
0x7c: {  	v3 =	vshll.u32 @!p2 v3, $0x1;
	[tilespmem:$0x200] =	vst @!p2 v1;
	v1 =	vor.u32 @!p2 v0, v2;
	v2 =	vld @!p2 [tilespmem:$0x20]  }
0x7d: {  	[tilespmem:$0x210] =	vst @!p2 v1;
	v1 =	vor.u32 @!p2 v0, v3;
	v3 =	vshll.u32 @!p2 v4, $0x1  }
0x7e: {  	[tilespmem:$0x230] =	vst @!p2 v1;
	v1 =	vor.u32 @!p2 v0, v3;
	v3 =	vshll.u32 @!p2 v5, $0x1  }
0x7f: {  	s23 =	sadd.s32 $0x189, s3;
	[tilespmem:$0x240] =	vst @!p2 v1;
	v1 =	vor.u32 @!p2 v0, v3;
	v3 =	vshll.u32 @!p2 v6, $0x1  }
0x80: {  	p4 =	sge.u32 s23, s10;
	[tilespmem:$0x250] =	vst @!p2 v1;
	v1 =	vor.u32 @!p2 v0, v3;
	v3 =	vshll.u32 @!p2 v7, $0x1  }
0x81: {  	s21 =	smov.u32 s16;
	p5 =	seq.s32 @!p4 s3, $0xFFFFFFFE;
	v2 =	vshll.u32 @!p2 v2, $0x1;
	[tilespmem:$0x260] =	vst @!p2 v1;
	v1 =	vor.u32 @!p2 v0, v3  }
0x82: {  	p5 =	por !p5, p4;
	s26 =	smov.u32 s11;
	s17 =	sadd.s32 @!p4 s3, s8;
	v2 =	vor.u32 @!p2 v0, v2;
	[tilespmem:$0x270] =	vst @!p2 v1  }
0x83: {  	s3 =	smov.u32 s21;
	s21 =	simm.s32 @!p2 $0x2;
	s17 =	sadd.s32 @!p4 $0x189, s17;
	[tilespmem:$0x220] =	vst @!p2 v2  }
0x84: {  	s26 =	smov.u32 @p5 s17;
	_ =	swait.ge @!p2 [sflag:s21], $0x1000  }
0x85: {  	s26 =	sshll.u32 @!p4 s26, $0x4;
	[sflag:s21] =	ssyncset.done @!p2 $0x0  }
0x86: {  	s23 =	simm.s32 @!p2 $0x200;
	s26 =	sand.u32 @!p4 $0x1FFFFFF0, s26;
	[sflag:s21] =	ssyncadd.s32 @!p2 $0xFFFFF000  }
0x87: {  	[tilespmem:s25], [sflag:$0x1] =	stream.indirect.gather @!p2 [hbm4b:s4+s24], $0x20, s23, s24, $0xb8;
	[tilespmem:$0x1AA00] =	vst v63  }
0x88: {  	s7 =	simm.s32 @!p4 $0x0;
	s17 =	simm.s32 @!p4 $0x80;
	s21 =	sadd.s32 @!p4 s5, s26  }
0x89: {  	[tilespmem:s17], [sflag:$0x4] =	stream.linear.gather @!p4 [hbm4b:s21+s7], $0x80, $0x38;
	[tilespmem:$0x1AA00] =	vst v63  }
0x8a: {  	s26 =	sadd.s32 @!p4 s6, s26;
	s23 =	simm.s32 @!p4 $0x180  }
0x8b: {  	[tilespmem:s23], [sflag:$0x4] =	stream.linear.gather @!p4 [hbm4b:s26+s7], $0x80, $0x38;
	[tilespmem:$0x1AA00] =	vst v63  }
0x8c: {  	_ = 	snop  }
0x8d: {  	[spmem:s1] =	stream.indirect.scatter.add.f32 [tilespmem:s31], [sflag:$0x5], $0x20, s28, s22, $0xb8;
	[tilespmem:$0x1AA00] =	vst v63  }
0x8e: {  	_ =	swait.ge [sflag:s20], $0x1000  }
0x8f: {  	[sflag:s20] =	ssyncset.done $0x0  }
0x90: {  	[sflag:s20] =	ssyncadd.s32 $0xFFFFF000  }
0x91: {  	_ =	swait.ge [sflag:s29], $0x80  }
0x92: {  	[sflag:s29] =	ssyncset.done $0x0  }
0x93: {  	[sflag:s29] =	ssyncadd.s32 $0xFFFFFF80  }
0x94: {  	_ =	swait.ge [sflag:s29], $0x80  }
0x95: {  	[sflag:s29] =	ssyncset.done $0x0  }
0x96: {  	[sflag:s29] =	ssyncadd.s32 $0xFFFFFF80  }
0x97: {  	v1 =	vld [tilespmem:$0xE0]  }
0x98: {  	v2 =	vld [tilespmem:$0xD0]  }
0x99: {  	v3 =	vld [tilespmem:$0xB0]  }
0x9a: {  	v60 =	vld [tilespmem:$0xF0]  }
0x9b: {  	v61 =	vld [tilespmem:$0xA0]  }
0x9c: {  	v62 =	vld [tilespmem:$0xC0];
	v1 =	vshll.u32 v1, $0x1  }
0x9d: {  	v63 =	vld [tilespmem:$0x90];
	v2 =	vshll.u32 v2, $0x1;
	v1 =	vor.u32 v0, v1  }
0x9e: {  	v8 =	vld [tilespmem:$0x80];
	v3 =	vshll.u32 v3, $0x1;
	v2 =	vor.u32 v0, v2;
	[tilespmem:$0x2E0] =	vst v1  }
0x9f: {  	v1 =	vor.u32 v0, v3;
	[tilespmem:$0x2D0] =	vst v2;
	v2 =	vshll.u32 v60, $0x1  }
0xa0: {  	v3 =	vshll.u32 v61, $0x1;
	[tilespmem:$0x2B0] =	vst v1;
	v1 =	vor.u32 v0, v2  }
0xa1: {  	v2 =	vor.u32 v0, v3;
	v3 =	vshll.u32 v62, $0x1;
	[tilespmem:$0x2F0] =	vst v1  }
0xa2: {  	v1 =	vshll.u32 v63, $0x1;
	[tilespmem:$0x2A0] =	vst v2;
	v2 =	vor.u32 v0, v3  }
0xa3: {  	s26 =	sadd.s32 $0x188, s3;
	v3 =	vshll.u32 v8, $0x1;
	v1 =	vor.u32 v0, v1;
	[tilespmem:$0x2C0] =	vst v2  }
0xa4: {  	p2 =	sge.u32 s26, s10;
	v2 =	vor.u32 v0, v3;
	[tilespmem:$0x290] =	vst v1  }
0xa5: {  	s15 =	smov.u32 s11;
	s7 =	simm.s32 @p2 $0x5;
	[tilespmem:$0x280] =	vst v2  }
0xa6: {  	p4 =	seq.s32 @!p2 s3, $0xFFFFFFFE;
	s17 =	simm.s32 @p2 $0x80;
	_ =	swait.ge [sflag:s30], $0x1000  }
0xa7: {  	s23 =	sadd.s32 @!p2 s3, s8;
	p4 =	por !p4, p2;
	[sflag:s30] =	ssyncset.done $0x0  }
0xa8: {  	s23 =	sadd.s32 @!p2 $0x188, s23;
	s26 =	rddreg [dreg:$0x3];
	[sflag:s30] =	ssyncadd.s32 $0xFFFFF000  }
0xa9: {  	[tilespmem:s31], [sflag:$0x2] =	stream.indirect.gather [hbm4b:s4+s22], $0x20, s26, s22, $0xb8;
	[tilespmem:$0x1AA00] =	vst v63  }
0xaa: {  	s21 =	simm.s32 @p2 $0x100;
	s15 =	smov.u32 @p4 s23;
	s23 =	simm.s32 @p2 $0x300  }
0xab: {  	[spmem:s1] =	stream.indirect.scatter.add.f32 @p2 [tilespmem:s23], [sflag:$0x5], $0x20, s21, s17, $0xb8;
	[tilespmem:$0x1AA00] =	vst v63  }
0xac: {  	_ =	swait.ge @p2 [sflag:s7], $0x1000  }
0xad: {  	s16 =	sadd.s32 $0x2, s16;
	[sflag:s7] =	ssyncset.done @p2 $0x0  }
0xae: {  	p3 =	sne.s32 s16, $0x0;
	[sflag:s7] =	ssyncadd.s32 @p2 $0xFFFFF000;
	s7 =	simm.s32 @p2 $0x2  }
0xaf: {  	s24 =	simm.s32 @!p2 $0x80;
	s15 =	sshll.u32 @!p2 s15, $0x4;
	_ =	swait.ge @p2 [sflag:s7], $0x1000  }
.Ltmp2:
0xb0: {  	s15 =	sand.u32 @!p2 $0x1FFFFFF0, s15;
	[sflag:s7] =	ssyncset.done @p2 $0x0;
	(pc) =	sbr.rel @p3 .LBB2_2-.Ltmp2, $4  }
0xb1: {  	s26 =	sadd.s32 @!p2 s5, s15;
	[sflag:s7] =	ssyncadd.s32 @p2 $0xFFFFF000;
	s7 =	simm.s32 @!p2 $0x0  }
0xb2: {  	[tilespmem:s7], [sflag:$0x3] =	stream.linear.gather @!p2 [hbm4b:s26+s7], $0x80, $0x38;
	[tilespmem:$0x1AA00] =	vst v63  }
0xb3: {  	s25 =	simm.s32 @!p2 $0x300;
	s15 =	sadd.s32 @!p2 s6, s15;
	s17 =	simm.s32 @!p2 $0x100  }
0xb4: {  	[tilespmem:s17], [sflag:$0x3] =	stream.linear.gather @!p2 [hbm4b:s15+s7], $0x80, $0x38;
	[tilespmem:$0x1AA00] =	vst v63  }
0xb5: {  	s7 =	simm.s32 @!p2 $0x5  }
0xb6: {  	[spmem:s1] =	stream.indirect.scatter.add.f32 @!p2 [tilespmem:s25], [sflag:$0x5], $0x20, s17, s24, $0xb8;
	[tilespmem:$0x1AA00] =	vst v63  }
0xb7: {  	_ =	swait.ge @!p2 [sflag:s7], $0x1000  }
0xb8: {  	[sflag:s7] =	ssyncset.done @!p2 $0x0  }
0xb9: {  	[sflag:s7] =	ssyncadd.s32 @!p2 $0xFFFFF000;
	s7 =	simm.s32 @!p2 $0x3  }
0xba: {  	_ =	swait.ge @!p2 [sflag:s7], $0x80  }
0xbb: {  	[sflag:s7] =	ssyncset.done @!p2 $0x0  }
0xbc: {  	[sflag:s7] =	ssyncadd.s32 @!p2 $0xFFFFFF80  }
0xbd: {  	_ =	swait.ge @!p2 [sflag:s7], $0x80  }
0xbe: {  	[sflag:s7] =	ssyncset.done @!p2 $0x0  }
0xbf: {  	[sflag:s7] =	ssyncadd.s32 @!p2 $0xFFFFFF80  }
0xc0: {  	v1 =	vld @!p2 [tilespmem:$0x0]  }
0xc1: {  	v2 =	vld @!p2 [tilespmem:$0x10]  }
0xc2: {  	v3 =	vld @!p2 [tilespmem:$0x30]  }
0xc3: {  	v4 =	vld @!p2 [tilespmem:$0x40]  }
0xc4: {  	v5 =	vld @!p2 [tilespmem:$0x50]  }
0xc5: {  	v6 =	vld @!p2 [tilespmem:$0x60];
	v1 =	vshll.u32 @!p2 v1, $0x1  }
0xc6: {  	v7 =	vld @!p2 [tilespmem:$0x70];
	v2 =	vshll.u32 @!p2 v2, $0x1;
	v1 =	vor.u32 @!p2 v0, v1  }
0xc7: {  	v3 =	vshll.u32 @!p2 v3, $0x1;
	[tilespmem:$0x200] =	vst @!p2 v1;
	v1 =	vor.u32 @!p2 v0, v2;
	v2 =	vld @!p2 [tilespmem:$0x20]  }
0xc8: {  	[tilespmem:$0x210] =	vst @!p2 v1;
	v1 =	vor.u32 @!p2 v0, v3;
	v3 =	vshll.u32 @!p2 v4, $0x1  }
0xc9: {  	[tilespmem:$0x230] =	vst @!p2 v1;
	v1 =	vor.u32 @!p2 v0, v3;
	v3 =	vshll.u32 @!p2 v5, $0x1  }
0xca: {  	[tilespmem:$0x240] =	vst @!p2 v1;
	v1 =	vor.u32 @!p2 v0, v3;
	v3 =	vshll.u32 @!p2 v6, $0x1  }
0xcb: {  	s26 =	sadd.s32 $0x189, s3;
	[tilespmem:$0x250] =	vst @!p2 v1;
	v1 =	vor.u32 @!p2 v0, v3;
	v3 =	vshll.u32 @!p2 v7, $0x1  }
0xcc: {  	p3 =	sge.u32 s26, s10;
	v2 =	vshll.u32 @!p2 v2, $0x1;
	[tilespmem:$0x260] =	vst @!p2 v1;
	v1 =	vor.u32 @!p2 v0, v3  }
0xcd: {  	s15 =	smov.u32 s11;
	p4 =	seq.s32 @!p3 s3, $0xFFFFFFFE;
	s3 =	sadd.s32 @!p3 s3, s8;
	v2 =	vor.u32 @!p2 v0, v2;
	[tilespmem:$0x270] =	vst @!p2 v1  }
0xce: {  	s3 =	sadd.s32 @!p3 $0x189, s3;
	p4 =	por !p4, p3;
	s7 =	simm.s32 @!p2 $0x2;
	[tilespmem:$0x220] =	vst @!p2 v2  }
0xcf: {  	s15 =	smov.u32 @p4 s3;
	_ =	swait.ge @!p2 [sflag:s7], $0x1000  }
0xd0: {  	s3 =	sshll.u32 @!p3 s15, $0x4;
	[sflag:s7] =	ssyncset.done @!p2 $0x0  }
0xd1: {  	s15 =	simm.s32 @!p2 $0x200;
	s3 =	sand.u32 @!p3 $0x1FFFFFF0, s3;
	[sflag:s7] =	ssyncadd.s32 @!p2 $0xFFFFF000  }
0xd2: {  	[tilespmem:s25], [sflag:$0x1] =	stream.indirect.gather @!p2 [hbm4b:s4+s24], $0x20, s15, s24, $0xb8;
	[tilespmem:$0x1AA00] =	vst v63  }
0xd3: {  	s16 =	sadd.s32 @!p3 s5, s3;
	s7 =	simm.s32 @!p3 $0x80;
	s15 =	simm.s32 @!p3 $0x0  }
0xd4: {  	[tilespmem:s7], [sflag:$0x4] =	stream.linear.gather @!p3 [hbm4b:s16+s15], $0x80, $0x38;
	[tilespmem:$0x1AA00] =	vst v63  }
0xd5: {  	s3 =	sadd.s32 @!p3 s6, s3;
	s7 =	simm.s32 @!p3 $0x180  }
0xd6: {  	[tilespmem:s7], [sflag:$0x4] =	stream.linear.gather @!p3 [hbm4b:s3+s15], $0x80, $0x38;
	[tilespmem:$0x1AA00] =	vst v63  }
.Ltmp3:
0xd7: {  	_ = 	snop;
	(pc) =	sbr.rel @p0 .LBB2_5-.Ltmp3, $4  }
0xd8: {  	[spmem:s1] =	stream.indirect.scatter.add.f32 [tilespmem:s31], [sflag:$0x5], $0x20, s28, s22, $0xb8;
	[tilespmem:$0x1AA00] =	vst v63  }
0xd9: {  	_ =	swait.ge [sflag:s20], $0x1000  }
0xda: {  	[sflag:s20] =	ssyncset.done $0x0  }
0xdb: {  	[sflag:s20] =	ssyncadd.s32 $0xFFFFF000  }
0xdc: {  	_ =	swait.ge [sflag:s30], $0x1000  }
0xdd: {  	[sflag:s30] =	ssyncset.done $0x0  }
0xde: {  	s3 =	simm.s32 $0x100;
	s7 =	simm.s32 $0x300;
	[sflag:s30] =	ssyncadd.s32 $0xFFFFF000  }
0xdf: {  	[spmem:s1] =	stream.indirect.scatter.add.f32 [tilespmem:s7], [sflag:$0x5], $0x20, s3, s22, $0xb8;
	[tilespmem:$0x1AA00] =	vst v63  }
.Ltmp4:
0xe0: {  	_ =	swait.ge [sflag:s20], $0x1000;
	(pc) =	sbr.rel .LBB2_6-.Ltmp4, $3  }
0xe1: {  	[sflag:s20] =	ssyncset.done $0x0  }
0xe2: {  	[sflag:s20] =	ssyncadd.s32 $0xFFFFF000  }
0xe3: {  	[bflag:$0x0] =	sbarrier.arrive $0xFFFF;
	_ =	sdelay $0x1  }
.LBB2_5:
.Ltmp5:
0xe4: {  	(pc) =	sbr.rel @p1 .LBB2_7-.Ltmp5, $2  }
0xe5: {  	_ =	sdelay $0x1  }
0xe6: {  	[bflag:$0x0] =	sbarrier.arrive $0xFFFF;
	_ =	sdelay $0x1  }
.LBB2_6:
0xe7: {  	s3 =	rddreg [dreg:$0x7]  }
.Ltmp6:
0xe8: {  	s7 =	rddreg [dreg:$0x8];
	(pc) =	sbr.rel .LBB2_8-.Ltmp6, $4  }
0xe9: {  	[hbm:s3], [sflag:s9] =	dma.local [spmem:s7], $0x30C0  }
0xea: {  	_ =	swait.ge [sflag:s20], $0x30C0  }
0xeb: {  	[sflag:s20] =	ssyncset.done $0x0  }
0xec: {  	[sflag:s20] =	ssyncadd.s32 $0xFFFFCF40  }
.LBB2_9:
0xed: {  	_ =	sfence.sel $0x180000  }
0xee: {  	[bflag:$0x0] =	sbarrier.arrive $0xFFFF  }
0xef: {  	_ =	strace $0x90000047  }
0xf0: {  	s0 =	stileid.u32;
	[bflag:$0x2] =	sbarrier.arrive $0xFFFF  }
0xf1: {  	p0 =	sne.s32 s0, $0x0;
	s0 =	rddreg [dreg:$0x2]  }
0xf2: {  	s0 =	sadd.s32 @!p0 $0x100000, s0  }
0xf3: {  	[sflag:s0] =	ssyncadd.tile.s32 @!p0 $0x1;
	_ =	shalt  }
.Lfunc_end2:
_tile_overlayer_lowered:
.L_overlay_start_2:
0xf4: {  	(tag) =	ssettag $0x2  }
0xf5: {  	s0 =	rddreg [dreg:$0x0];
	s2 =	stileid.u32  }
0xf6: {  	s1 =	rddreg [dreg:$0x1];
	p0 =	sne.s32 s2, $0x0  }
0xf7: {  	s3 =	rddreg [dreg:$0x2];
	[bflag:$0x3] =	sbarrier.arrive $0xFFFF;
	s2 =	simm.s32 @!p0 $0x1C05  }
0xf8: {  	[timem:s3], [sflag:s2] =	dma.local @!p0 [hbm:s0], s1  }
0xf9: {  	s0 =	simm.s32 @!p0 $0x5  }
0xfa: {  	_ =	swait.ge @!p0 [sflag:s0], s1  }
0xfb: {  	s1 =	ssub.s32 @!p0 $0x0, s1;
	[sflag:s0] =	ssyncset.done @!p0 $0x0  }
0xfc: {  	[sflag:s0] =	ssyncadd.s32 @!p0 s1  }
0xfd: {  	[bflag:$0x3] =	sbarrier.arrive $0xFFFF  }
0xfe: {  	_ =	shalt  }

// kernel: kernel.16.cloned.1.call-start
scs
__scs_entry_jumppad:
0x0: {  	(pc) =	sbr.rel $0x88, $3  }
0x1: {  	(tag) =	ssettag $0x0;
	lr =	simm.s32 $0x1  }
0x2: {  	[smem:$0x3F95] =	sst lr;
	_ =	strace $0xD0000000  }
0x3: {  	_ = 	snop  }
0x4: {  	_ = 	snop  }
0x5: {  	_ = 	snop  }
0x6: {  	_ = 	snop  }
0x7: {  	_ = 	snop  }
__scs_overlays_trampoline_lowered:
0x8: {  	[smem:$0x3FA4] =	sst s0  }
0x9: {  	[smem:$0x3FA5] =	sst s1  }
0xa: {  	[smem:$0x3FA6] =	sst s2  }
0xb: {  	[smem:$0x3FA7] =	sst s3  }
0xc: {  	[smem:$0x3FA8] =	sst s4  }
0xd: {  	[smem:$0x3FA9] =	sst s5  }
0xe: {  	[smem:$0x3FAA] =	sst s6  }
0xf: {  	[smem:$0x3FAB] =	sst s7  }
0x10: {  	[smem:$0x3FAC] =	sst s8  }
0x11: {  	[smem:$0x3FAD] =	sst s9;
	s0 =	simm.s32 @!p0 $0x0  }
0x12: {  	s1 =	sld [smem:$0x3F93];
	s0 =	simm.s32 @p0 $0x1  }
0x13: {  	[smem:$0x3FAE] =	sst s0;
	s0 =	simm.s32 @!p1 $0x0  }
0x14: {  	s2 =	sld [smem:$0x3F92];
	s0 =	simm.s32 @p1 $0x1  }
0x15: {  	[smem:$0x3FAF] =	sst s0;
	s0 =	simm.s32 @!p2 $0x0  }
0x16: {  	s3 =	sld [smem:$0x3FDB];
	s0 =	simm.s32 @p2 $0x1  }
0x17: {  	s4 =	simm.s32 $0x1BF5;
	[smem:$0x3FB1] =	sst s0  }
0x18: {  	s0 =	sld [smem:$0x3F94];
	_ =	swait.ge [sflag:s4], $0x0  }
0x19: {  	s7 =	sld [smem:$0x3F95]  }
0x1a: {  	s8 =	sadd.s32 $0xFFFFE003, lr  }
0x1b: {  	s9 =	sadd.s32 $0xFFFFFEF7, lr;
	s5 =	simm.s32 $0xFFFFFFFF;
	p2 =	slt.u32 s8, $0xFFFFF086  }
0x1c: {  	p1 =	slt.u32 s9, $0xF7A;
	s5 =	simm.s32 @!p2 $0x0  }
0x1d: {  	s5 =	simm.s32 @p1 $0x1;
	p0 =	seq.s32 s7, s2  }
0x1e: {  	s7 =	smul.u32 @!p0 $0xF7A, s2;
	p2 =	seq.s32 @!p0 s5, $0x0  }
0x1f: {  	s9 =	smul.u32 $0xF7A, s1;
	s8 =	simm.s32 @!p0 $0x1BF5;
	p2 =	por !p2, p0  }
0x20: {  	[sflag:s8] =	ssyncset.s32 @!p0 $0xFFFFF086;
	s6 =	sadd.s32 @!p0 s3, s7;
	s7 =	simm.s32 @!p0 $0x108  }
0x21: {  	s3 =	sadd.s32 s3, s9;
	s6 =	sadd.s32 @!p0 $0x88, s6;
	s7 =	simm.s32 @p2 $0x1082  }
0x22: {  	[simem:s7], [sflag:s8] =	dma.local @!p0 [hbm:s6], $0xF7A  }
0x23: {  	s9 =	sor.u32 $0xD0000000, s2;
	s6 =	simm.s32 $0x108;
	_ =	swait.ge @!p0 [sflag:s8], $0x0  }
0x24: {  	s3 =	sadd.s32 $0x88, s3;
	s6 =	simm.s32 @!p1 $0x1082;
	[sflag:s4] =	ssyncset.s32 $0xFFFFF086  }
0x25: {  	[simem:s6], [sflag:s4] =	dma.local [hbm:s3], $0xF7A  }
0x26: {  	[smem:$0x3F95] =	sst s1;
	(tag) =	ssettag s2;
	_ =	strace s9  }
0x27: {  	s1 =	sld [smem:$0x3FA5]  }
0x28: {  	s2 =	sld [smem:$0x3FA6]  }
0x29: {  	s4 =	sld [smem:$0x3FA8]  }
0x2a: {  	p0 =	seq.s32 s5, $0x0;
	s5 =	sld [smem:$0x3FA9]  }
0x2b: {  	s6 =	sld [smem:$0x3FAA]  }
0x2c: {  	s7 =	sld [smem:$0x3FAB]  }
0x2d: {  	s3 =	simm.s32 $0x108;
	s8 =	sld [smem:$0x3FAC]  }
0x2e: {  	s3 =	simm.s32 @!p0 $0x1082;
	s9 =	sld [smem:$0x3FAD]  }
0x2f: {  	lr =	sadd.s32 s0, s3;
	s0 =	sld [smem:$0x3FA4]  }
0x30: {  	s3 =	sld [smem:$0x3FA7]  }
0x31: {  	[smem:$0x3FB0] =	sst s10  }
0x32: {  	s10 =	sld [smem:$0x3FAE];
	_ =	sdelay $0x3  }
0x33: {  	p0 =	seq.s32 s10, $0x1;
	s10 =	sld [smem:$0x3FB0];
	_ =	sdelay $0x3  }
0x34: {  	[smem:$0x3FB0] =	sst s10  }
0x35: {  	s10 =	sld [smem:$0x3FAF];
	_ =	sdelay $0x3  }
0x36: {  	p1 =	seq.s32 s10, $0x1;
	s10 =	sld [smem:$0x3FB0];
	_ =	sdelay $0x3  }
0x37: {  	[smem:$0x3FB0] =	sst s10  }
0x38: {  	s10 =	sld [smem:$0x3FB1]  }
0x39: {  	_ = 	snop;
	(pc) =	sbr.ind lr, $3  }
0x3a: {  	_ = 	snop  }
0x3b: {  	_ = 	snop  }
0x3c: {  	p2 =	seq.s32 s10, $0x1;
	s10 =	sld [smem:$0x3FB0]  }
0x3d: {  	_ =	shalt  }
0x3e: {  	_ =	shalt  }
0x3f: {  	_ =	shalt  }
0x40: {  	_ =	shalt  }
0x41: {  	_ =	shalt  }
0x42: {  	_ =	shalt  }
0x43: {  	_ =	shalt  }
0x44: {  	_ =	shalt  }
0x45: {  	_ =	shalt  }
0x46: {  	_ =	shalt  }
0x47: {  	_ =	shalt  }
0x48: {  	_ =	shalt  }
0x49: {  	_ =	shalt  }
0x4a: {  	_ =	shalt  }
0x4b: {  	_ =	shalt  }
0x4c: {  	_ =	shalt  }
0x4d: {  	_ =	shalt  }
0x4e: {  	_ =	shalt  }
0x4f: {  	_ =	shalt  }
0x50: {  	_ =	shalt  }
0x51: {  	_ =	shalt  }
0x52: {  	_ =	shalt  }
0x53: {  	_ =	shalt  }
0x54: {  	_ =	shalt  }
0x55: {  	_ =	shalt  }
0x56: {  	_ =	shalt  }
0x57: {  	_ =	shalt  }
0x58: {  	_ =	shalt  }
0x59: {  	_ =	shalt  }
0x5a: {  	_ =	shalt  }
0x5b: {  	_ =	shalt  }
0x5c: {  	_ =	shalt  }
0x5d: {  	_ =	shalt  }
0x5e: {  	_ =	shalt  }
0x5f: {  	_ =	shalt  }
0x60: {  	_ =	shalt  }
0x61: {  	_ =	shalt  }
0x62: {  	_ =	shalt  }
0x63: {  	_ =	shalt  }
0x64: {  	_ =	shalt  }
0x65: {  	_ =	shalt  }
0x66: {  	_ =	shalt  }
0x67: {  	_ =	shalt  }
0x68: {  	_ =	shalt  }
0x69: {  	_ =	shalt  }
0x6a: {  	_ =	shalt  }
0x6b: {  	_ =	shalt  }
0x6c: {  	_ =	shalt  }
0x6d: {  	_ =	shalt  }
0x6e: {  	_ =	shalt  }
0x6f: {  	_ =	shalt  }
0x70: {  	_ =	shalt  }
0x71: {  	_ =	shalt  }
0x72: {  	_ =	shalt  }
0x73: {  	_ =	shalt  }
0x74: {  	_ =	shalt  }
0x75: {  	_ =	shalt  }
0x76: {  	_ =	shalt  }
0x77: {  	_ =	shalt  }
0x78: {  	_ =	shalt  }
0x79: {  	_ =	shalt  }
0x7a: {  	_ =	shalt  }
0x7b: {  	_ =	shalt  }
0x7c: {  	_ =	shalt  }
0x7d: {  	_ =	shalt  }
0x7e: {  	_ =	shalt  }
0x7f: {  	_ =	shalt  }
0x80: {  	_ =	shalt  }
0x81: {  	_ =	shalt  }
0x82: {  	_ =	shalt  }
0x83: {  	_ =	shalt  }
0x84: {  	_ =	shalt  }
0x85: {  	_ =	shalt  }
0x86: {  	_ =	shalt  }
0x87: {  	_ =	shalt  }
.Lfunc_end0:
.L_simem_size_0:
called_computation.1_lowered:
.L_overlay_start_0:
0x88: {  	s2 =	sld [smem:$0x3FD9]  }
0x89: {  	s3 =	sld [smem:$0x3FFE];
	_ =	sdelay $0x1  }
0x8a: {  	s1 =	srdreg.scid  }
0x8b: {  	s0 =	sand.u32 $0x1, s1  }
0x8c: {  	s16 =	sshll.u32 s0, $0xA;
	s2 =	sadd.s32 s3, s2  }
0x8d: {  	s2 =	sadd.s32 s2, s16  }
0x8e: {  	[smem:$0x3FBC] =	sst s2  }
0x8f: {  	_ = 	snop  }
0x90: {  	(tm) =	ssettm $0x1  }
0x91: {  	s17 =	sld [smem:$0x3FFB];
	_ =	sdelay $0x3  }
0x92: {  	_ =	strace s17  }
0x93: {  	s2 =	sld [smem:$0x3FFC];
	_ =	sdelay $0x3  }
0x94: {  	_ =	strace s2  }
0x95: {  	s2 =	sld [smem:$0x3FFD];
	_ =	sdelay $0x3  }
0x96: {  	_ =	strace s2  }
0x97: {  	_ =	strace $0x8FFFFFFF  }
0x98: {  	s18 =	sld [smem:$0x3FDB];
	_ =	sdelay $0x1  }
0x99: {  	s19 =	simm.s32 $_scs_section_size  }
0x9a: {  	s4 =	simm.s32 $_size__tile_overlayer_lowered;
	s5 =	simm.s32 $_tile_overlayer_lowered  }
0x9b: {  	s22 =	simm.s32 $0x1BFF;
	s21 =	sshll.u32 s5, $0x1;
	s2 =	sadd.s32 s19, s18  }
0x9c: {  	s6 =	simm.s32 $0x0;
	s20 =	sshll.u32 s4, $0x1;
	s4 =	sadd.s32 s21, s2  }
0x9d: {  	[timem:s6], [sflag:s22] =	dma.local [hbm:s4], s20  }
0x9e: {  	_ =	swait.ge [sflag:s22], s20  }
0x9f: {  	s3 =	ssub.s32 $0x0, s20;
	[sflag:s22] =	ssyncset.done $0x0  }
0xa0: {  	[sflag:s22] =	ssyncadd.s32 s3;
	_ =	sdelay $0x1  }
0xa1: {  	s23 =	simm.s32 $0x1B8B  }
0xa2: {  	_ =	swait.ge [sflag:s23], $0x1  }
0xa3: {  	[sflag:s23] =	ssyncset.done $0x0  }
0xa4: {  	s25 =	simm.s32 $0x1B8E;
	s24 =	sld [smem:$0x3FFE];
	[sflag:s23] =	ssyncadd.s32 $0xFFFFFFFF  }
0xa5: {  	s26 =	simm.s32 $execute0_lowered;
	[smem:$0x3FD2] =	sst s25  }
0xa6: {  	s4 =	sshll.u32 s26, $0x1;
	_ =	strace $0x80000049;
	[dreg:$0x1] =	wrdreg $0xFFFFFFFF  }
0xa7: {  	s28 =	simm.s32 $_size_execute0_lowered;
	s2 =	sadd.s32 s2, s4;
	[dreg:$0x0] =	wrdreg $0x0  }
0xa8: {  	s4 =	sshll.u32 s28, $0x1;
	[dreg:$0x2] =	wrdreg s2  }
0xa9: {  	[dreg:$0x3] =	wrdreg s4  }
0xaa: {  	[dreg:$0x4] =	wrdreg $0xC0  }
0xab: {  	_ =	task [dreg:s6], $0x5FFFF  }
0xac: {  	[dreg:$0x1] =	wrdreg $0xFFFFFFFF  }
0xad: {  	[dreg:$0x0] =	wrdreg $0x60  }
0xae: {  	[dreg:$0x2] =	wrdreg s24  }
0xaf: {  	[dreg:$0x3] =	wrdreg $0x23000  }
0xb0: {  	[dreg:$0x4] =	wrdreg $0x9  }
0xb1: {  	_ =	task.clear_ibuf [dreg:s6], $0x5FFFF;
	_ =	strace $0x90000049  }
0xb2: {  	s29 =	simm.s32 $0x9;
	_ =	strace $0x8000004B  }
0xb3: {  	_ =	swait.ge [sflag:s29], $0x1  }
0xb4: {  	[sflag:s29] =	ssyncadd.s32 $0xFFFFFFFF  }
0xb5: {  	_ =	strace $0x9000004B  }
0xb6: {  	_ =	sfence  }
0xb7: {  	s30 =	sld [smem:$0x0];
	_ =	sdelay $0x2  }
0xb8: {  	s31 =	sshll.u32 s1, $0xD;
	s1 =	sshrl.u32 s1, $0x2  }
0xb9: {  	s3 =	sand.u32 $0x4000, s31;
	s1 =	sadd.s32 s1, s30  }
0xba: {  	s0 =	sor.u32 s3, s0;
	s1 =	sshll.u32 s1, $0x11  }
0xbb: {  	s0 =	sor.u32 s1, s0  }
0xbc: {  	s0 =	sadd.s32 $0x8F2B, s0  }
0xbd: {  	[sflag:s0] =	ssyncadd.remote.s32 $0x1  }
0xbe: {  	_ =	sfence.sel $0xFFFF  }
0xbf: {  	[dreg:$0x0] =	wrdreg $0xFFFFFFFF;
	(pc) =	sbr.abs _section_cstart, $3  }
0xc0: {  	[dreg:$0x1] =	wrdreg $0xFFFFFFFF  }
0xc1: {  	_ =	task.clear_ibuf [dreg:s6], $0x2FFFF;
	_ =	strace $0x9FFFFFFF  }
0xc2: {  	(tm) =	ssettm $0x7FFFFFFF  }
0xc3: {  	_ =	shalt  }
tec
execute0_lowered:
.L_overlay_start_1:
0x0: {  	(tag) =	ssettag $0x1  }
0x1: {  	s0 =	rddreg [dreg:$0x0]  }
0x2: {  	s1 =	rddreg [dreg:$0x1];
	s2 =	simm.s32 $0x0  }
0x3: {  	s3 =	srdreg.scid;
	s7 =	stileid.u32;
	s25 =	simm.s32 $0x280  }
0x4: {  	s28 =	simm.s32 $0x180;
	s29 =	simm.s32 $0x4;
	s30 =	simm.s32 $0x1  }
0x5: {  	s31 =	simm.s32 $0x1300;
	[smem:$0x7FF] =	sst s2;
	s4 =	sadd.s32 $0x4000, s0  }
0x6: {  	s3 =	sand.u32 $0x1, s3;
	s5 =	sadd.s32 $0x7E400, s0;
	s6 =	sadd.s32 $0x65C00, s0  }
0x7: {  	s10 =	smul.u32 $0x61C00, s7;
	s11 =	sadd.s32 $0x96C00, s0;
	s0 =	sadd.s32 $0x15E000, s0  }
0x8: {  	s18 =	sshll.u32 s7, $0x6;
	s13 =	smul.u32 $0x1860, s7;
	p0 =	slt.u32 s7, $0xA  }
0x9: {  	s21 =	smul.u32 $0x61800, s7;
	s23 =	sadd.s32 $0x16DA00, s1;
	p1 =	seq.s32 s7, $0xF  }
0xa: {  	_ =	strace $0x8000004A;
	s8 =	ssub.s32 $0x2, s3;
	[dreg:$0x4] =	wrdreg s11  }
0xb: {  	s14 =	smul.u32 $0x186A00, s3;
	s11 =	sor.u32 $0x1860, s7;
	[dreg:$0x3] =	wrdreg s25  }
0xc: {  	s26 =	sshrl.u32 s23, $0x3;
	s9 =	sshrl.u32 s8, $0x1;
	s17 =	sshrl.u32 s10, $0x2  }
0xd: {  	s10 =	simm.s32 $0x187;
	s19 =	sadd.s32 s5, s13;
	s12 =	sadd.s32 s6, s13  }
0xe: {  	s15 =	sor.u32 $0x10, s13;
	s22 =	sshrl.u32 s21, $0x2;
	[dreg:$0x9] =	wrdreg s26  }
0xf: {  	s16 =	ssub.s32 s8, s9;
	s8 =	smul.u32 $0x186, s7;
	s17 =	sadd.s32 s17, s1  }
0x10: {  	s9 =	sor.u32 $0x1C05, s18;
	s10 =	simm.s32 @!p0 $0x186;
	s18 =	smul.u32 $0x30D40, s3  }
0x11: {  	[dreg:$0x5] =	wrdreg s19;
	s19 =	smul.u32 $0x30C0, s7;
	s13 =	sadd.s32 s5, s15  }
0x12: {  	s20 =	sshrl.u32 s14, $0x3;
	s14 =	sadd.s32 s6, s15;
	s24 =	sadd.s32 s22, s1  }
.Ltmp0:
0x13: {  	s22 =	simm.s32 $0x80;
	s20 =	sadd.s32 s0, s20;
	(pc) =	sbr.rel .LBB2_1-.Ltmp0, $4  }
0x14: {  	p0 =	sgt.u32 s7, $0x9;
	s20 =	sadd.s32 $0x2DB40, s20;
	s18 =	sadd.s32 s19, s18  }
0x15: {  	s19 =	sshrl.u32 s17, $0x3;
	[dreg:$0x6] =	wrdreg s20;
	s0 =	sadd.s32 s0, s18  }
0x16: {  	s18 =	smax.u32 s16, $0x1;
	[dreg:$0x7] =	wrdreg s0;
	s0 =	sshrl.u32 s24, $0x3  }
0x17: {  	v0 =	vmov s3;
	s20 =	simm.s32 $0x5;
	[dreg:$0x8] =	wrdreg s0;
	s0 =	simm.s32 $0x0  }
.LBB2_7:
0x18: {  	s3 =	rddreg [dreg:$0x6]  }
0x19: {  	s7 =	rddreg [dreg:$0x9]  }
0x1a: {  	[hbm:s3], [sflag:s9] =	dma.local [spmem:s7], $0x3200  }
0x1b: {  	_ =	swait.ge [sflag:s20], $0x3200  }
0x1c: {  	[sflag:s20] =	ssyncset.done $0x0  }
0x1d: {  	[sflag:s20] =	ssyncadd.s32 $0xFFFFCE00  }
.LBB2_8:
0x1e: {  	s0 =	sadd.s32 $0x1, s0  }
0x1f: {  	p2 =	sne.s32 s0, s18  }
.Ltmp1:
0x20: {  	_ = 	snop;
	(pc) =	sbr.rel @!p2 .LBB2_9-.Ltmp1, $1  }
0x21: {  	_ =	sdelay $0x3  }
.LBB2_1:
0x22: {  	s3 =	rddreg [dreg:$0x4]  }
0x23: {  	[spmem:s19], [sflag:s9] =	dma.local [hbm:s3], $0x30E0  }
0x24: {  	_ =	swait.ge [sflag:s20], $0x30E0  }
0x25: {  	[sflag:s20] =	ssyncset.done $0x0  }
0x26: {  	[sflag:s20] =	ssyncadd.s32 $0xFFFFCF20  }
0x27: {  	[bflag:$0x0] =	sbarrier.arrive $0xFFFF  }
0x28: {  	s23 =	rddreg [dreg:$0x5]  }
0x29: {  	[tilespmem:s2], [sflag:$0x5] =	stream.linear.gather [hbm4b:s23+s2], $0x80, $0x38;
	[tilespmem:$0x1AA00] =	vst v63  }
0x2a: {  	_ =	swait.ge [sflag:s20], $0x80  }
0x2b: {  	[sflag:s20] =	ssyncset.done $0x0  }
0x2c: {  	s24 =	simm.s32 $0x100;
	[sflag:s20] =	ssyncadd.s32 $0xFFFFFF80  }
0x2d: {  	[tilespmem:s24], [sflag:$0x5] =	stream.linear.gather [hbm4b:s12+s2], $0x80, $0x38;
	[tilespmem:$0x1AA00] =	vst v63  }
0x2e: {  	_ =	swait.ge [sflag:s20], $0x80  }
0x2f: {  	[sflag:s20] =	ssyncset.done $0x0  }
0x30: {  	[sflag:s20] =	ssyncadd.s32 $0xFFFFFF80  }
0x31: {  	v1 =	vld [tilespmem:$0x0]  }
0x32: {  	v2 =	vld [tilespmem:$0x10]  }
0x33: {  	v3 =	vld [tilespmem:$0x20]  }
0x34: {  	v4 =	vld [tilespmem:$0x30]  }
0x35: {  	v5 =	vld [tilespmem:$0x40]  }
0x36: {  	v6 =	vld [tilespmem:$0x50];
	v1 =	vshll.u32 v1, $0x1  }
0x37: {  	v7 =	vld [tilespmem:$0x60];
	v2 =	vshll.u32 v2, $0x1;
	v1 =	vor.u32 v0, v1  }
0x38: {  	[tilespmem:$0x200] =	vst v1;
	v1 =	vor.u32 v0, v2;
	v2 =	vshll.u32 v3, $0x1;
	v3 =	vld [tilespmem:$0x70]  }
0x39: {  	[tilespmem:$0x210] =	vst v1;
	v1 =	vor.u32 v0, v2;
	v2 =	vshll.u32 v4, $0x1  }
0x3a: {  	[tilespmem:$0x220] =	vst v1;
	v1 =	vor.u32 v0, v2;
	v2 =	vshll.u32 v5, $0x1  }
0x3b: {  	[tilespmem:$0x230] =	vst v1;
	v1 =	vor.u32 v0, v2;
	v2 =	vshll.u32 v6, $0x1  }
0x3c: {  	[tilespmem:$0x240] =	vst v1;
	v1 =	vor.u32 v0, v2;
	v2 =	vshll.u32 v7, $0x1  }
0x3d: {  	[tilespmem:$0x250] =	vst v1;
	v1 =	vor.u32 v0, v2;
	v2 =	vshll.u32 v3, $0x1  }
0x3e: {  	[tilespmem:$0x260] =	vst v1;
	v1 =	vor.u32 v0, v2  }
0x3f: {  	s25 =	simm.s32 $0x200;
	s7 =	simm.s32 $0x300;
	[tilespmem:$0x270] =	vst v1  }
0x40: {  	[tilespmem:s7], [sflag:$0x1] =	stream.indirect.gather [hbm4b:s4+s22], $0x20, s25, s22, $0xb8;
	[tilespmem:$0x1AA00] =	vst v63  }
0x41: {  	_ = 	snop  }
0x42: {  	[tilespmem:s22], [sflag:$0x4] =	stream.linear.gather [hbm4b:s13+s2], $0x80, $0x38;
	[tilespmem:$0x1AA00] =	vst v63  }
0x43: {  	_ = 	snop  }
0x44: {  	[tilespmem:s28], [sflag:$0x4] =	stream.linear.gather [hbm4b:s14+s2], $0x80, $0x38;
	[tilespmem:$0x1AA00] =	vst v63  }
0x45: {  	_ =	swait.ge [sflag:s29], $0x80  }
0x46: {  	[sflag:s29] =	ssyncset.done $0x0  }
0x47: {  	[sflag:s29] =	ssyncadd.s32 $0xFFFFFF80  }
0x48: {  	_ =	swait.ge [sflag:s29], $0x80  }
0x49: {  	[sflag:s29] =	ssyncset.done $0x0  }
0x4a: {  	[sflag:s29] =	ssyncadd.s32 $0xFFFFFF80  }
0x4b: {  	v1 =	vld [tilespmem:$0xE0]  }
0x4c: {  	v2 =	vld [tilespmem:$0xD0]  }
0x4d: {  	v3 =	vld [tilespmem:$0xB0]  }
0x4e: {  	v60 =	vld [tilespmem:$0xF0]  }
0x4f: {  	v61 =	vld [tilespmem:$0xA0]  }
0x50: {  	v62 =	vld [tilespmem:$0xC0];
	v1 =	vshll.u32 v1, $0x1  }
0x51: {  	v63 =	vld [tilespmem:$0x90];
	v2 =	vshll.u32 v2, $0x1;
	v1 =	vor.u32 v0, v1  }
0x52: {  	v8 =	vld [tilespmem:$0x80];
	v3 =	vshll.u32 v3, $0x1;
	v2 =	vor.u32 v0, v2;
	[tilespmem:$0x2E0] =	vst v1  }
0x53: {  	v1 =	vor.u32 v0, v3;
	[tilespmem:$0x2D0] =	vst v2;
	v2 =	vshll.u32 v60, $0x1  }
0x54: {  	v3 =	vshll.u32 v61, $0x1;
	[tilespmem:$0x2B0] =	vst v1;
	v1 =	vor.u32 v0, v2  }
0x55: {  	v2 =	vor.u32 v0, v3;
	v3 =	vshll.u32 v62, $0x1;
	[tilespmem:$0x2F0] =	vst v1  }
0x56: {  	v1 =	vshll.u32 v63, $0x1;
	[tilespmem:$0x2A0] =	vst v2;
	v2 =	vor.u32 v0, v3  }
0x57: {  	v3 =	vshll.u32 v8, $0x1;
	v1 =	vor.u32 v0, v1;
	[tilespmem:$0x2C0] =	vst v2  }
0x58: {  	v2 =	vor.u32 v0, v3;
	[tilespmem:$0x290] =	vst v1  }
0x59: {  	[tilespmem:$0x280] =	vst v2  }
0x5a: {  	p2 =	sle.u32 s10, $0x2;
	_ =	swait.ge [sflag:s30], $0x1000  }
0x5b: {  	s16 =	simm.s32 @p2 $0x5;
	[sflag:s30] =	ssyncset.done $0x0  }
0x5c: {  	s3 =	simm.s32 @p2 $0x80;
	s26 =	rddreg [dreg:$0x3];
	[sflag:s30] =	ssyncadd.s32 $0xFFFFF000  }
0x5d: {  	[tilespmem:s31], [sflag:$0x2] =	stream.indirect.gather [hbm4b:s4+s22], $0x20, s26, s22, $0xb8;
	[tilespmem:$0x1AA00] =	vst v63  }
0x5e: {  	s17 =	simm.s32 @p2 $0x100;
	s21 =	simm.s32 @p2 $0x300;
	p3 =	por @!p2 $0x0, $0x0  }
0x5f: {  	[spmem:s1] =	stream.indirect.scatter.add.f32 @p2 [tilespmem:s21], [sflag:$0x5], $0x20, s17, s3, $0xb8;
	[tilespmem:$0x1AA00] =	vst v63  }
0x60: {  	p3 =	por !p3, p2;
	s3 =	sadd.s32 @!p2 $0xFFFFFE7A, s8;
	_ =	swait.ge @p2 [sflag:s16], $0x1000  }
0x61: {  	s17 =	smov.u32 s11;
	s3 =	sadd.s32 @!p2 $0x188, s3;
	[sflag:s16] =	ssyncset.done @p2 $0x0  }
0x62: {  	s17 =	smov.u32 @p3 s3;
	s3 =	simm.s32 @p2 $0x2;
	[sflag:s16] =	ssyncadd.s32 @p2 $0xFFFFF000  }
0x63: {  	s16 =	sshll.u32 @!p2 s17, $0x4;
	_ =	swait.ge @p2 [sflag:s3], $0x1000  }
0x64: {  	s16 =	sand.u32 @!p2 $0x1FFFFFF0, s16;
	[sflag:s3] =	ssyncset.done @p2 $0x0  }
0x65: {  	s17 =	sadd.s32 @!p2 s5, s16;
	[sflag:s3] =	ssyncadd.s32 @p2 $0xFFFFF000;
	s3 =	simm.s32 @!p2 $0x0  }
0x66: {  	[tilespmem:s3], [sflag:$0x3] =	stream.linear.gather @!p2 [hbm4b:s17+s3], $0x80, $0x38;
	[tilespmem:$0x1AA00] =	vst v63  }
0x67: {  	s24 =	simm.s32 @!p2 $0x80;
	s16 =	sadd.s32 @!p2 s6, s16;
	s17 =	simm.s32 @!p2 $0x100  }
0x68: {  	[tilespmem:s17], [sflag:$0x3] =	stream.linear.gather @!p2 [hbm4b:s16+s3], $0x80, $0x38;
	[tilespmem:$0x1AA00] =	vst v63  }
0x69: {  	s25 =	simm.s32 @!p2 $0x300;
	s3 =	simm.s32 $0xFFFFFE7A;
	s16 =	simm.s32 $0xFFFFFE7C  }
.LBB2_2:
0x6a: {  	s26 =	simm.s32 @!p2 $0x5  }
0x6b: {  	[spmem:s1] =	stream.indirect.scatter.add.f32 @!p2 [tilespmem:s25], [sflag:$0x5], $0x20, s17, s24, $0xb8;
	[tilespmem:$0x1AA00] =	vst v63  }
0x6c: {  	_ =	swait.ge @!p2 [sflag:s26], $0x1000  }
0x6d: {  	[sflag:s26] =	ssyncset.done @!p2 $0x0  }
0x6e: {  	s17 =	simm.s32 @!p2 $0x3;
	[sflag:s26] =	ssyncadd.s32 @!p2 $0xFFFFF000  }
0x6f: {  	_ =	swait.ge @!p2 [sflag:s17], $0x80  }
0x70: {  	[sflag:s17] =	ssyncset.done @!p2 $0x0  }
0x71: {  	[sflag:s17] =	ssyncadd.s32 @!p2 $0xFFFFFF80  }
0x72: {  	_ =	swait.ge @!p2 [sflag:s17], $0x80  }
0x73: {  	[sflag:s17] =	ssyncset.done @!p2 $0x0  }
0x74: {  	[sflag:s17] =	ssyncadd.s32 @!p2 $0xFFFFFF80  }
0x75: {  	v1 =	vld @!p2 [tilespmem:$0x0]  }
0x76: {  	v2 =	vld @!p2 [tilespmem:$0x10]  }
0x77: {  	v3 =	vld @!p2 [tilespmem:$0x30]  }
0x78: {  	v4 =	vld @!p2 [tilespmem:$0x40]  }
0x79: {  	v5 =	vld @!p2 [tilespmem:$0x50]  }
0x7a: {  	v6 =	vld @!p2 [tilespmem:$0x60];
	v1 =	vshll.u32 @!p2 v1, $0x1  }
0x7b: {  	v7 =	vld @!p2 [tilespmem:$0x70];
	v2 =	vshll.u32 @!p2 v2, $0x1;
	v1 =	vor.u32 @!p2 v0, v1  }
0x7c: {  	v3 =	vshll.u32 @!p2 v3, $0x1;
	[tilespmem:$0x200] =	vst @!p2 v1;
	v1 =	vor.u32 @!p2 v0, v2;
	v2 =	vld @!p2 [tilespmem:$0x20]  }
0x7d: {  	[tilespmem:$0x210] =	vst @!p2 v1;
	v1 =	vor.u32 @!p2 v0, v3;
	v3 =	vshll.u32 @!p2 v4, $0x1  }
0x7e: {  	[tilespmem:$0x230] =	vst @!p2 v1;
	v1 =	vor.u32 @!p2 v0, v3;
	v3 =	vshll.u32 @!p2 v5, $0x1  }
0x7f: {  	s23 =	sadd.s32 $0x189, s3;
	[tilespmem:$0x240] =	vst @!p2 v1;
	v1 =	vor.u32 @!p2 v0, v3;
	v3 =	vshll.u32 @!p2 v6, $0x1  }
0x80: {  	p4 =	sge.u32 s23, s10;
	[tilespmem:$0x250] =	vst @!p2 v1;
	v1 =	vor.u32 @!p2 v0, v3;
	v3 =	vshll.u32 @!p2 v7, $0x1  }
0x81: {  	s21 =	smov.u32 s16;
	p5 =	seq.s32 @!p4 s3, $0xFFFFFFFE;
	v2 =	vshll.u32 @!p2 v2, $0x1;
	[tilespmem:$0x260] =	vst @!p2 v1;
	v1 =	vor.u32 @!p2 v0, v3  }
0x82: {  	p5 =	por !p5, p4;
	s26 =	smov.u32 s11;
	s17 =	sadd.s32 @!p4 s3, s8;
	v2 =	vor.u32 @!p2 v0, v2;
	[tilespmem:$0x270] =	vst @!p2 v1  }
0x83: {  	s3 =	smov.u32 s21;
	s21 =	simm.s32 @!p2 $0x2;
	s17 =	sadd.s32 @!p4 $0x189, s17;
	[tilespmem:$0x220] =	vst @!p2 v2  }
0x84: {  	s26 =	smov.u32 @p5 s17;
	_ =	swait.ge @!p2 [sflag:s21], $0x1000  }
0x85: {  	s26 =	sshll.u32 @!p4 s26, $0x4;
	[sflag:s21] =	ssyncset.done @!p2 $0x0  }
0x86: {  	s23 =	simm.s32 @!p2 $0x200;
	s26 =	sand.u32 @!p4 $0x1FFFFFF0, s26;
	[sflag:s21] =	ssyncadd.s32 @!p2 $0xFFFFF000  }
0x87: {  	[tilespmem:s25], [sflag:$0x1] =	stream.indirect.gather @!p2 [hbm4b:s4+s24], $0x20, s23, s24, $0xb8;
	[tilespmem:$0x1AA00] =	vst v63  }
0x88: {  	s7 =	simm.s32 @!p4 $0x0;
	s17 =	simm.s32 @!p4 $0x80;
	s21 =	sadd.s32 @!p4 s5, s26  }
0x89: {  	[tilespmem:s17], [sflag:$0x4] =	stream.linear.gather @!p4 [hbm4b:s21+s7], $0x80, $0x38;
	[tilespmem:$0x1AA00] =	vst v63  }
0x8a: {  	s26 =	sadd.s32 @!p4 s6, s26;
	s23 =	simm.s32 @!p4 $0x180  }
0x8b: {  	[tilespmem:s23], [sflag:$0x4] =	stream.linear.gather @!p4 [hbm4b:s26+s7], $0x80, $0x38;
	[tilespmem:$0x1AA00] =	vst v63  }
0x8c: {  	_ = 	snop  }
0x8d: {  	[spmem:s1] =	stream.indirect.scatter.add.f32 [tilespmem:s31], [sflag:$0x5], $0x20, s28, s22, $0xb8;
	[tilespmem:$0x1AA00] =	vst v63  }
0x8e: {  	_ =	swait.ge [sflag:s20], $0x1000  }
0x8f: {  	[sflag:s20] =	ssyncset.done $0x0  }
0x90: {  	[sflag:s20] =	ssyncadd.s32 $0xFFFFF000  }
0x91: {  	_ =	swait.ge [sflag:s29], $0x80  }
0x92: {  	[sflag:s29] =	ssyncset.done $0x0  }
0x93: {  	[sflag:s29] =	ssyncadd.s32 $0xFFFFFF80  }
0x94: {  	_ =	swait.ge [sflag:s29], $0x80  }
0x95: {  	[sflag:s29] =	ssyncset.done $0x0  }
0x96: {  	[sflag:s29] =	ssyncadd.s32 $0xFFFFFF80  }
0x97: {  	v1 =	vld [tilespmem:$0xE0]  }
0x98: {  	v2 =	vld [tilespmem:$0xD0]  }
0x99: {  	v3 =	vld [tilespmem:$0xB0]  }
0x9a: {  	v60 =	vld [tilespmem:$0xF0]  }
0x9b: {  	v61 =	vld [tilespmem:$0xA0]  }
0x9c: {  	v62 =	vld [tilespmem:$0xC0];
	v1 =	vshll.u32 v1, $0x1  }
0x9d: {  	v63 =	vld [tilespmem:$0x90];
	v2 =	vshll.u32 v2, $0x1;
	v1 =	vor.u32 v0, v1  }
0x9e: {  	v8 =	vld [tilespmem:$0x80];
	v3 =	vshll.u32 v3, $0x1;
	v2 =	vor.u32 v0, v2;
	[tilespmem:$0x2E0] =	vst v1  }
0x9f: {  	v1 =	vor.u32 v0, v3;
	[tilespmem:$0x2D0] =	vst v2;
	v2 =	vshll.u32 v60, $0x1  }
0xa0: {  	v3 =	vshll.u32 v61, $0x1;
	[tilespmem:$0x2B0] =	vst v1;
	v1 =	vor.u32 v0, v2  }
0xa1: {  	v2 =	vor.u32 v0, v3;
	v3 =	vshll.u32 v62, $0x1;
	[tilespmem:$0x2F0] =	vst v1  }
0xa2: {  	v1 =	vshll.u32 v63, $0x1;
	[tilespmem:$0x2A0] =	vst v2;
	v2 =	vor.u32 v0, v3  }
0xa3: {  	s26 =	sadd.s32 $0x188, s3;
	v3 =	vshll.u32 v8, $0x1;
	v1 =	vor.u32 v0, v1;
	[tilespmem:$0x2C0] =	vst v2  }
0xa4: {  	p2 =	sge.u32 s26, s10;
	v2 =	vor.u32 v0, v3;
	[tilespmem:$0x290] =	vst v1  }
0xa5: {  	s15 =	smov.u32 s11;
	s7 =	simm.s32 @p2 $0x5;
	[tilespmem:$0x280] =	vst v2  }
0xa6: {  	p4 =	seq.s32 @!p2 s3, $0xFFFFFFFE;
	s17 =	simm.s32 @p2 $0x80;
	_ =	swait.ge [sflag:s30], $0x1000  }
0xa7: {  	s23 =	sadd.s32 @!p2 s3, s8;
	p4 =	por !p4, p2;
	[sflag:s30] =	ssyncset.done $0x0  }
0xa8: {  	s23 =	sadd.s32 @!p2 $0x188, s23;
	s26 =	rddreg [dreg:$0x3];
	[sflag:s30] =	ssyncadd.s32 $0xFFFFF000  }
0xa9: {  	[tilespmem:s31], [sflag:$0x2] =	stream.indirect.gather [hbm4b:s4+s22], $0x20, s26, s22, $0xb8;
	[tilespmem:$0x1AA00] =	vst v63  }
0xaa: {  	s21 =	simm.s32 @p2 $0x100;
	s15 =	smov.u32 @p4 s23;
	s23 =	simm.s32 @p2 $0x300  }
0xab: {  	[spmem:s1] =	stream.indirect.scatter.add.f32 @p2 [tilespmem:s23], [sflag:$0x5], $0x20, s21, s17, $0xb8;
	[tilespmem:$0x1AA00] =	vst v63  }
0xac: {  	_ =	swait.ge @p2 [sflag:s7], $0x1000  }
0xad: {  	s16 =	sadd.s32 $0x2, s16;
	[sflag:s7] =	ssyncset.done @p2 $0x0  }
0xae: {  	p3 =	sne.s32 s16, $0x0;
	[sflag:s7] =	ssyncadd.s32 @p2 $0xFFFFF000;
	s7 =	simm.s32 @p2 $0x2  }
0xaf: {  	s24 =	simm.s32 @!p2 $0x80;
	s15 =	sshll.u32 @!p2 s15, $0x4;
	_ =	swait.ge @p2 [sflag:s7], $0x1000  }
.Ltmp2:
0xb0: {  	s15 =	sand.u32 @!p2 $0x1FFFFFF0, s15;
	[sflag:s7] =	ssyncset.done @p2 $0x0;
	(pc) =	sbr.rel @p3 .LBB2_2-.Ltmp2, $4  }
0xb1: {  	s26 =	sadd.s32 @!p2 s5, s15;
	[sflag:s7] =	ssyncadd.s32 @p2 $0xFFFFF000;
	s7 =	simm.s32 @!p2 $0x0  }
0xb2: {  	[tilespmem:s7], [sflag:$0x3] =	stream.linear.gather @!p2 [hbm4b:s26+s7], $0x80, $0x38;
	[tilespmem:$0x1AA00] =	vst v63  }
0xb3: {  	s25 =	simm.s32 @!p2 $0x300;
	s15 =	sadd.s32 @!p2 s6, s15;
	s17 =	simm.s32 @!p2 $0x100  }
0xb4: {  	[tilespmem:s17], [sflag:$0x3] =	stream.linear.gather @!p2 [hbm4b:s15+s7], $0x80, $0x38;
	[tilespmem:$0x1AA00] =	vst v63  }
0xb5: {  	s7 =	simm.s32 @!p2 $0x5  }
0xb6: {  	[spmem:s1] =	stream.indirect.scatter.add.f32 @!p2 [tilespmem:s25], [sflag:$0x5], $0x20, s17, s24, $0xb8;
	[tilespmem:$0x1AA00] =	vst v63  }
0xb7: {  	_ =	swait.ge @!p2 [sflag:s7], $0x1000  }
0xb8: {  	[sflag:s7] =	ssyncset.done @!p2 $0x0  }
0xb9: {  	[sflag:s7] =	ssyncadd.s32 @!p2 $0xFFFFF000;
	s7 =	simm.s32 @!p2 $0x3  }
0xba: {  	_ =	swait.ge @!p2 [sflag:s7], $0x80  }
0xbb: {  	[sflag:s7] =	ssyncset.done @!p2 $0x0  }
0xbc: {  	[sflag:s7] =	ssyncadd.s32 @!p2 $0xFFFFFF80  }
0xbd: {  	_ =	swait.ge @!p2 [sflag:s7], $0x80  }
0xbe: {  	[sflag:s7] =	ssyncset.done @!p2 $0x0  }
0xbf: {  	[sflag:s7] =	ssyncadd.s32 @!p2 $0xFFFFFF80  }
0xc0: {  	v1 =	vld @!p2 [tilespmem:$0x0]  }
0xc1: {  	v2 =	vld @!p2 [tilespmem:$0x10]  }
0xc2: {  	v3 =	vld @!p2 [tilespmem:$0x30]  }
0xc3: {  	v4 =	vld @!p2 [tilespmem:$0x40]  }
0xc4: {  	v5 =	vld @!p2 [tilespmem:$0x50]  }
0xc5: {  	v6 =	vld @!p2 [tilespmem:$0x60];
	v1 =	vshll.u32 @!p2 v1, $0x1  }
0xc6: {  	v7 =	vld @!p2 [tilespmem:$0x70];
	v2 =	vshll.u32 @!p2 v2, $0x1;
	v1 =	vor.u32 @!p2 v0, v1  }
0xc7: {  	v3 =	vshll.u32 @!p2 v3, $0x1;
	[tilespmem:$0x200] =	vst @!p2 v1;
	v1 =	vor.u32 @!p2 v0, v2;
	v2 =	vld @!p2 [tilespmem:$0x20]  }
0xc8: {  	[tilespmem:$0x210] =	vst @!p2 v1;
	v1 =	vor.u32 @!p2 v0, v3;
	v3 =	vshll.u32 @!p2 v4, $0x1  }
0xc9: {  	[tilespmem:$0x230] =	vst @!p2 v1;
	v1 =	vor.u32 @!p2 v0, v3;
	v3 =	vshll.u32 @!p2 v5, $0x1  }
0xca: {  	[tilespmem:$0x240] =	vst @!p2 v1;
	v1 =	vor.u32 @!p2 v0, v3;
	v3 =	vshll.u32 @!p2 v6, $0x1  }
0xcb: {  	s26 =	sadd.s32 $0x189, s3;
	[tilespmem:$0x250] =	vst @!p2 v1;
	v1 =	vor.u32 @!p2 v0, v3;
	v3 =	vshll.u32 @!p2 v7, $0x1  }
0xcc: {  	p3 =	sge.u32 s26, s10;
	v2 =	vshll.u32 @!p2 v2, $0x1;
	[tilespmem:$0x260] =	vst @!p2 v1;
	v1 =	vor.u32 @!p2 v0, v3  }
0xcd: {  	s15 =	smov.u32 s11;
	p4 =	seq.s32 @!p3 s3, $0xFFFFFFFE;
	s3 =	sadd.s32 @!p3 s3, s8;
	v2 =	vor.u32 @!p2 v0, v2;
	[tilespmem:$0x270] =	vst @!p2 v1  }
0xce: {  	s3 =	sadd.s32 @!p3 $0x189, s3;
	p4 =	por !p4, p3;
	s7 =	simm.s32 @!p2 $0x2;
	[tilespmem:$0x220] =	vst @!p2 v2  }
0xcf: {  	s15 =	smov.u32 @p4 s3;
	_ =	swait.ge @!p2 [sflag:s7], $0x1000  }
0xd0: {  	s3 =	sshll.u32 @!p3 s15, $0x4;
	[sflag:s7] =	ssyncset.done @!p2 $0x0  }
0xd1: {  	s15 =	simm.s32 @!p2 $0x200;
	s3 =	sand.u32 @!p3 $0x1FFFFFF0, s3;
	[sflag:s7] =	ssyncadd.s32 @!p2 $0xFFFFF000  }
0xd2: {  	[tilespmem:s25], [sflag:$0x1] =	stream.indirect.gather @!p2 [hbm4b:s4+s24], $0x20, s15, s24, $0xb8;
	[tilespmem:$0x1AA00] =	vst v63  }
0xd3: {  	s16 =	sadd.s32 @!p3 s5, s3;
	s7 =	simm.s32 @!p3 $0x80;
	s15 =	simm.s32 @!p3 $0x0  }
0xd4: {  	[tilespmem:s7], [sflag:$0x4] =	stream.linear.gather @!p3 [hbm4b:s16+s15], $0x80, $0x38;
	[tilespmem:$0x1AA00] =	vst v63  }
0xd5: {  	s3 =	sadd.s32 @!p3 s6, s3;
	s7 =	simm.s32 @!p3 $0x180  }
0xd6: {  	[tilespmem:s7], [sflag:$0x4] =	stream.linear.gather @!p3 [hbm4b:s3+s15], $0x80, $0x38;
	[tilespmem:$0x1AA00] =	vst v63  }
.Ltmp3:
0xd7: {  	_ = 	snop;
	(pc) =	sbr.rel @p0 .LBB2_5-.Ltmp3, $4  }
0xd8: {  	[spmem:s1] =	stream.indirect.scatter.add.f32 [tilespmem:s31], [sflag:$0x5], $0x20, s28, s22, $0xb8;
	[tilespmem:$0x1AA00] =	vst v63  }
0xd9: {  	_ =	swait.ge [sflag:s20], $0x1000  }
0xda: {  	[sflag:s20] =	ssyncset.done $0x0  }
0xdb: {  	[sflag:s20] =	ssyncadd.s32 $0xFFFFF000  }
0xdc: {  	_ =	swait.ge [sflag:s30], $0x1000  }
0xdd: {  	[sflag:s30] =	ssyncset.done $0x0  }
0xde: {  	s3 =	simm.s32 $0x100;
	s7 =	simm.s32 $0x300;
	[sflag:s30] =	ssyncadd.s32 $0xFFFFF000  }
0xdf: {  	[spmem:s1] =	stream.indirect.scatter.add.f32 [tilespmem:s7], [sflag:$0x5], $0x20, s3, s22, $0xb8;
	[tilespmem:$0x1AA00] =	vst v63  }
.Ltmp4:
0xe0: {  	_ =	swait.ge [sflag:s20], $0x1000;
	(pc) =	sbr.rel .LBB2_6-.Ltmp4, $3  }
0xe1: {  	[sflag:s20] =	ssyncset.done $0x0  }
0xe2: {  	[sflag:s20] =	ssyncadd.s32 $0xFFFFF000  }
0xe3: {  	[bflag:$0x0] =	sbarrier.arrive $0xFFFF;
	_ =	sdelay $0x1  }
.LBB2_5:
.Ltmp5:
0xe4: {  	(pc) =	sbr.rel @p1 .LBB2_7-.Ltmp5, $2  }
0xe5: {  	_ =	sdelay $0x1  }
0xe6: {  	[bflag:$0x0] =	sbarrier.arrive $0xFFFF;
	_ =	sdelay $0x1  }
.LBB2_6:
0xe7: {  	s3 =	rddreg [dreg:$0x7]  }
.Ltmp6:
0xe8: {  	s7 =	rddreg [dreg:$0x8];
	(pc) =	sbr.rel .LBB2_8-.Ltmp6, $4  }
0xe9: {  	[hbm:s3], [sflag:s9] =	dma.local [spmem:s7], $0x30C0  }
0xea: {  	_ =	swait.ge [sflag:s20], $0x30C0  }
0xeb: {  	[sflag:s20] =	ssyncset.done $0x0  }
0xec: {  	[sflag:s20] =	ssyncadd.s32 $0xFFFFCF40  }
.LBB2_9:
0xed: {  	_ =	sfence.sel $0x180000  }
0xee: {  	[bflag:$0x0] =	sbarrier.arrive $0xFFFF  }
0xef: {  	_ =	strace $0x9000004A  }
0xf0: {  	s0 =	stileid.u32;
	[bflag:$0x2] =	sbarrier.arrive $0xFFFF  }
0xf1: {  	p0 =	sne.s32 s0, $0x0;
	s0 =	rddreg [dreg:$0x2]  }
0xf2: {  	s0 =	sadd.s32 @!p0 $0x100000, s0  }
0xf3: {  	[sflag:s0] =	ssyncadd.tile.s32 @!p0 $0x1;
	_ =	shalt  }
.Lfunc_end2:
_tile_overlayer_lowered:
.L_overlay_start_2:
0xf4: {  	(tag) =	ssettag $0x2  }
0xf5: {  	s0 =	rddreg [dreg:$0x0];
	s2 =	stileid.u32  }
0xf6: {  	s1 =	rddreg [dreg:$0x1];
	p0 =	sne.s32 s2, $0x0  }
0xf7: {  	s3 =	rddreg [dreg:$0x2];
	[bflag:$0x3] =	sbarrier.arrive $0xFFFF;
	s2 =	simm.s32 @!p0 $0x1C05  }
0xf8: {  	[timem:s3], [sflag:s2] =	dma.local @!p0 [hbm:s0], s1  }
0xf9: {  	s0 =	simm.s32 @!p0 $0x5  }
0xfa: {  	_ =	swait.ge @!p0 [sflag:s0], s1  }
0xfb: {  	s1 =	ssub.s32 @!p0 $0x0, s1;
	[sflag:s0] =	ssyncset.done @!p0 $0x0  }
0xfc: {  	[sflag:s0] =	ssyncadd.s32 @!p0 s1  }
0xfd: {  	[bflag:$0x3] =	sbarrier.arrive $0xFFFF  }
0xfe: {  	_ =	shalt  }

// kernel: kernel.19.cloned.1.call-start
scs
__scs_entry_jumppad:
0x0: {  	(pc) =	sbr.rel $0x88, $3  }
0x1: {  	(tag) =	ssettag $0x0;
	lr =	simm.s32 $0x1  }
0x2: {  	[smem:$0x3F95] =	sst lr;
	_ =	strace $0xD0000000  }
0x3: {  	_ = 	snop  }
0x4: {  	_ = 	snop  }
0x5: {  	_ = 	snop  }
0x6: {  	_ = 	snop  }
0x7: {  	_ = 	snop  }
__scs_overlays_trampoline_lowered:
0x8: {  	[smem:$0x3FA4] =	sst s0  }
0x9: {  	[smem:$0x3FA5] =	sst s1  }
0xa: {  	[smem:$0x3FA6] =	sst s2  }
0xb: {  	[smem:$0x3FA7] =	sst s3  }
0xc: {  	[smem:$0x3FA8] =	sst s4  }
0xd: {  	[smem:$0x3FA9] =	sst s5  }
0xe: {  	[smem:$0x3FAA] =	sst s6  }
0xf: {  	[smem:$0x3FAB] =	sst s7  }
0x10: {  	[smem:$0x3FAC] =	sst s8  }
0x11: {  	[smem:$0x3FAD] =	sst s9;
	s0 =	simm.s32 @!p0 $0x0  }
0x12: {  	s1 =	sld [smem:$0x3F93];
	s0 =	simm.s32 @p0 $0x1  }
0x13: {  	[smem:$0x3FAE] =	sst s0;
	s0 =	simm.s32 @!p1 $0x0  }
0x14: {  	s2 =	sld [smem:$0x3F92];
	s0 =	simm.s32 @p1 $0x1  }
0x15: {  	[smem:$0x3FAF] =	sst s0;
	s0 =	simm.s32 @!p2 $0x0  }
0x16: {  	s3 =	sld [smem:$0x3FDB];
	s0 =	simm.s32 @p2 $0x1  }
0x17: {  	s4 =	simm.s32 $0x1BF5;
	[smem:$0x3FB1] =	sst s0  }
0x18: {  	s0 =	sld [smem:$0x3F94];
	_ =	swait.ge [sflag:s4], $0x0  }
0x19: {  	s7 =	sld [smem:$0x3F95]  }
0x1a: {  	s8 =	sadd.s32 $0xFFFFE003, lr  }
0x1b: {  	s9 =	sadd.s32 $0xFFFFFEF7, lr;
	s5 =	simm.s32 $0xFFFFFFFF;
	p2 =	slt.u32 s8, $0xFFFFF086  }
0x1c: {  	p1 =	slt.u32 s9, $0xF7A;
	s5 =	simm.s32 @!p2 $0x0  }
0x1d: {  	s5 =	simm.s32 @p1 $0x1;
	p0 =	seq.s32 s7, s2  }
0x1e: {  	s7 =	smul.u32 @!p0 $0xF7A, s2;
	p2 =	seq.s32 @!p0 s5, $0x0  }
0x1f: {  	s9 =	smul.u32 $0xF7A, s1;
	s8 =	simm.s32 @!p0 $0x1BF5;
	p2 =	por !p2, p0  }
0x20: {  	[sflag:s8] =	ssyncset.s32 @!p0 $0xFFFFF086;
	s6 =	sadd.s32 @!p0 s3, s7;
	s7 =	simm.s32 @!p0 $0x108  }
0x21: {  	s3 =	sadd.s32 s3, s9;
	s6 =	sadd.s32 @!p0 $0x88, s6;
	s7 =	simm.s32 @p2 $0x1082  }
0x22: {  	[simem:s7], [sflag:s8] =	dma.local @!p0 [hbm:s6], $0xF7A  }
0x23: {  	s9 =	sor.u32 $0xD0000000, s2;
	s6 =	simm.s32 $0x108;
	_ =	swait.ge @!p0 [sflag:s8], $0x0  }
0x24: {  	s3 =	sadd.s32 $0x88, s3;
	s6 =	simm.s32 @!p1 $0x1082;
	[sflag:s4] =	ssyncset.s32 $0xFFFFF086  }
0x25: {  	[simem:s6], [sflag:s4] =	dma.local [hbm:s3], $0xF7A  }
0x26: {  	[smem:$0x3F95] =	sst s1;
	(tag) =	ssettag s2;
	_ =	strace s9  }
0x27: {  	s1 =	sld [smem:$0x3FA5]  }
0x28: {  	s2 =	sld [smem:$0x3FA6]  }
0x29: {  	s4 =	sld [smem:$0x3FA8]  }
0x2a: {  	p0 =	seq.s32 s5, $0x0;
	s5 =	sld [smem:$0x3FA9]  }
0x2b: {  	s6 =	sld [smem:$0x3FAA]  }
0x2c: {  	s7 =	sld [smem:$0x3FAB]  }
0x2d: {  	s3 =	simm.s32 $0x108;
	s8 =	sld [smem:$0x3FAC]  }
0x2e: {  	s3 =	simm.s32 @!p0 $0x1082;
	s9 =	sld [smem:$0x3FAD]  }
0x2f: {  	lr =	sadd.s32 s0, s3;
	s0 =	sld [smem:$0x3FA4]  }
0x30: {  	s3 =	sld [smem:$0x3FA7]  }
0x31: {  	[smem:$0x3FB0] =	sst s10  }
0x32: {  	s10 =	sld [smem:$0x3FAE];
	_ =	sdelay $0x3  }
0x33: {  	p0 =	seq.s32 s10, $0x1;
	s10 =	sld [smem:$0x3FB0];
	_ =	sdelay $0x3  }
0x34: {  	[smem:$0x3FB0] =	sst s10  }
0x35: {  	s10 =	sld [smem:$0x3FAF];
	_ =	sdelay $0x3  }
0x36: {  	p1 =	seq.s32 s10, $0x1;
	s10 =	sld [smem:$0x3FB0];
	_ =	sdelay $0x3  }
0x37: {  	[smem:$0x3FB0] =	sst s10  }
0x38: {  	s10 =	sld [smem:$0x3FB1]  }
0x39: {  	_ = 	snop;
	(pc) =	sbr.ind lr, $3  }
0x3a: {  	_ = 	snop  }
0x3b: {  	_ = 	snop  }
0x3c: {  	p2 =	seq.s32 s10, $0x1;
	s10 =	sld [smem:$0x3FB0]  }
0x3d: {  	_ =	shalt  }
0x3e: {  	_ =	shalt  }
0x3f: {  	_ =	shalt  }
0x40: {  	_ =	shalt  }
0x41: {  	_ =	shalt  }
0x42: {  	_ =	shalt  }
0x43: {  	_ =	shalt  }
0x44: {  	_ =	shalt  }
0x45: {  	_ =	shalt  }
0x46: {  	_ =	shalt  }
0x47: {  	_ =	shalt  }
0x48: {  	_ =	shalt  }
0x49: {  	_ =	shalt  }
0x4a: {  	_ =	shalt  }
0x4b: {  	_ =	shalt  }
0x4c: {  	_ =	shalt  }
0x4d: {  	_ =	shalt  }
0x4e: {  	_ =	shalt  }
0x4f: {  	_ =	shalt  }
0x50: {  	_ =	shalt  }
0x51: {  	_ =	shalt  }
0x52: {  	_ =	shalt  }
0x53: {  	_ =	shalt  }
0x54: {  	_ =	shalt  }
0x55: {  	_ =	shalt  }
0x56: {  	_ =	shalt  }
0x57: {  	_ =	shalt  }
0x58: {  	_ =	shalt  }
0x59: {  	_ =	shalt  }
0x5a: {  	_ =	shalt  }
0x5b: {  	_ =	shalt  }
0x5c: {  	_ =	shalt  }
0x5d: {  	_ =	shalt  }
0x5e: {  	_ =	shalt  }
0x5f: {  	_ =	shalt  }
0x60: {  	_ =	shalt  }
0x61: {  	_ =	shalt  }
0x62: {  	_ =	shalt  }
0x63: {  	_ =	shalt  }
0x64: {  	_ =	shalt  }
0x65: {  	_ =	shalt  }
0x66: {  	_ =	shalt  }
0x67: {  	_ =	shalt  }
0x68: {  	_ =	shalt  }
0x69: {  	_ =	shalt  }
0x6a: {  	_ =	shalt  }
0x6b: {  	_ =	shalt  }
0x6c: {  	_ =	shalt  }
0x6d: {  	_ =	shalt  }
0x6e: {  	_ =	shalt  }
0x6f: {  	_ =	shalt  }
0x70: {  	_ =	shalt  }
0x71: {  	_ =	shalt  }
0x72: {  	_ =	shalt  }
0x73: {  	_ =	shalt  }
0x74: {  	_ =	shalt  }
0x75: {  	_ =	shalt  }
0x76: {  	_ =	shalt  }
0x77: {  	_ =	shalt  }
0x78: {  	_ =	shalt  }
0x79: {  	_ =	shalt  }
0x7a: {  	_ =	shalt  }
0x7b: {  	_ =	shalt  }
0x7c: {  	_ =	shalt  }
0x7d: {  	_ =	shalt  }
0x7e: {  	_ =	shalt  }
0x7f: {  	_ =	shalt  }
0x80: {  	_ =	shalt  }
0x81: {  	_ =	shalt  }
0x82: {  	_ =	shalt  }
0x83: {  	_ =	shalt  }
0x84: {  	_ =	shalt  }
0x85: {  	_ =	shalt  }
0x86: {  	_ =	shalt  }
0x87: {  	_ =	shalt  }
.Lfunc_end0:
.L_simem_size_0:
called_computation.2_lowered:
.L_overlay_start_0:
0x88: {  	s2 =	sld [smem:$0x3FD9]  }
0x89: {  	s3 =	sld [smem:$0x3FFE];
	_ =	sdelay $0x1  }
0x8a: {  	s1 =	srdreg.scid  }
0x8b: {  	s0 =	sand.u32 $0x1, s1  }
0x8c: {  	s16 =	sshll.u32 s0, $0xA;
	s2 =	sadd.s32 s3, s2  }
0x8d: {  	s2 =	sadd.s32 s2, s16  }
0x8e: {  	[smem:$0x3FBC] =	sst s2  }
0x8f: {  	_ = 	snop  }
0x90: {  	(tm) =	ssettm $0x1  }
0x91: {  	s17 =	sld [smem:$0x3FFB];
	_ =	sdelay $0x3  }
0x92: {  	_ =	strace s17  }
0x93: {  	s2 =	sld [smem:$0x3FFC];
	_ =	sdelay $0x3  }
0x94: {  	_ =	strace s2  }
0x95: {  	s2 =	sld [smem:$0x3FFD];
	_ =	sdelay $0x3  }
0x96: {  	_ =	strace s2  }
0x97: {  	_ =	strace $0x8FFFFFFF  }
0x98: {  	s18 =	sld [smem:$0x3FDB];
	_ =	sdelay $0x1  }
0x99: {  	s19 =	simm.s32 $_scs_section_size  }
0x9a: {  	s4 =	simm.s32 $_size__tile_overlayer_lowered;
	s5 =	simm.s32 $_tile_overlayer_lowered  }
0x9b: {  	s22 =	simm.s32 $0x1BFF;
	s21 =	sshll.u32 s5, $0x1;
	s2 =	sadd.s32 s19, s18  }
0x9c: {  	s6 =	simm.s32 $0x0;
	s20 =	sshll.u32 s4, $0x1;
	s4 =	sadd.s32 s21, s2  }
0x9d: {  	[timem:s6], [sflag:s22] =	dma.local [hbm:s4], s20  }
0x9e: {  	_ =	swait.ge [sflag:s22], s20  }
0x9f: {  	s3 =	ssub.s32 $0x0, s20;
	[sflag:s22] =	ssyncset.done $0x0  }
0xa0: {  	[sflag:s22] =	ssyncadd.s32 s3;
	_ =	sdelay $0x1  }
0xa1: {  	s23 =	simm.s32 $0x1B8B  }
0xa2: {  	_ =	swait.ge [sflag:s23], $0x1  }
0xa3: {  	[sflag:s23] =	ssyncset.done $0x0  }
0xa4: {  	s25 =	simm.s32 $0x1B8E;
	s24 =	sld [smem:$0x3FFE];
	[sflag:s23] =	ssyncadd.s32 $0xFFFFFFFF  }
0xa5: {  	s26 =	simm.s32 $execute0_lowered;
	[smem:$0x3FD2] =	sst s25  }
0xa6: {  	s4 =	sshll.u32 s26, $0x1;
	_ =	strace $0x8000004C;
	[dreg:$0x1] =	wrdreg $0xFFFFFFFF  }
0xa7: {  	s28 =	simm.s32 $_size_execute0_lowered;
	s2 =	sadd.s32 s2, s4;
	[dreg:$0x0] =	wrdreg $0x0  }
0xa8: {  	s4 =	sshll.u32 s28, $0x1;
	[dreg:$0x2] =	wrdreg s2  }
0xa9: {  	[dreg:$0x3] =	wrdreg s4  }
0xaa: {  	[dreg:$0x4] =	wrdreg $0xC0  }
0xab: {  	_ =	task [dreg:s6], $0x5FFFF  }
0xac: {  	[dreg:$0x1] =	wrdreg $0xFFFFFFFF  }
0xad: {  	[dreg:$0x0] =	wrdreg $0x60  }
0xae: {  	[dreg:$0x2] =	wrdreg s24  }
0xaf: {  	[dreg:$0x3] =	wrdreg $0x23000  }
0xb0: {  	[dreg:$0x4] =	wrdreg $0x9  }
0xb1: {  	_ =	task.clear_ibuf [dreg:s6], $0x5FFFF;
	_ =	strace $0x9000004C  }
0xb2: {  	s29 =	simm.s32 $0x9;
	_ =	strace $0x8000004E  }
0xb3: {  	_ =	swait.ge [sflag:s29], $0x1  }
0xb4: {  	[sflag:s29] =	ssyncadd.s32 $0xFFFFFFFF  }
0xb5: {  	_ =	strace $0x9000004E  }
0xb6: {  	_ =	sfence  }
0xb7: {  	s30 =	sld [smem:$0x0];
	_ =	sdelay $0x2  }
0xb8: {  	s31 =	sshll.u32 s1, $0xD;
	s1 =	sshrl.u32 s1, $0x2  }
0xb9: {  	s3 =	sand.u32 $0x4000, s31;
	s1 =	sadd.s32 s1, s30  }
0xba: {  	s0 =	sor.u32 s3, s0;
	s1 =	sshll.u32 s1, $0x11  }
0xbb: {  	s0 =	sor.u32 s1, s0  }
0xbc: {  	s0 =	sadd.s32 $0x8F2B, s0  }
0xbd: {  	[sflag:s0] =	ssyncadd.remote.s32 $0x1  }
0xbe: {  	_ =	sfence.sel $0xFFFF  }
0xbf: {  	[dreg:$0x0] =	wrdreg $0xFFFFFFFF;
	(pc) =	sbr.abs _section_cstart, $3  }
0xc0: {  	[dreg:$0x1] =	wrdreg $0xFFFFFFFF  }
0xc1: {  	_ =	task.clear_ibuf [dreg:s6], $0x2FFFF;
	_ =	strace $0x9FFFFFFF  }
0xc2: {  	(tm) =	ssettm $0x7FFFFFFF  }
0xc3: {  	_ =	shalt  }
tec
execute0_lowered:
.L_overlay_start_1:
0x0: {  	(tag) =	ssettag $0x1  }
0x1: {  	s0 =	rddreg [dreg:$0x0]  }
0x2: {  	s1 =	rddreg [dreg:$0x1];
	s2 =	simm.s32 $0x0  }
0x3: {  	s3 =	srdreg.scid;
	s7 =	stileid.u32;
	s25 =	simm.s32 $0x280  }
0x4: {  	s28 =	simm.s32 $0x180;
	s29 =	simm.s32 $0x4;
	s30 =	simm.s32 $0x1  }
0x5: {  	s31 =	simm.s32 $0x1300;
	[smem:$0x7FF] =	sst s2;
	s4 =	sadd.s32 $0x4000, s0  }
0x6: {  	s3 =	sand.u32 $0x1, s3;
	s5 =	sadd.s32 $0x7E400, s0;
	s6 =	sadd.s32 $0x65C00, s0  }
0x7: {  	s10 =	smul.u32 $0x61C00, s7;
	s11 =	sadd.s32 $0x96C00, s0;
	s0 =	sadd.s32 $0x15E000, s0  }
0x8: {  	s18 =	sshll.u32 s7, $0x6;
	s13 =	smul.u32 $0x1860, s7;
	p0 =	slt.u32 s7, $0xA  }
0x9: {  	s21 =	smul.u32 $0x61800, s7;
	s23 =	sadd.s32 $0x16DA00, s1;
	p1 =	seq.s32 s7, $0xF  }
0xa: {  	_ =	strace $0x8000004D;
	s8 =	ssub.s32 $0x2, s3;
	[dreg:$0x4] =	wrdreg s11  }
0xb: {  	s14 =	smul.u32 $0x186A00, s3;
	s11 =	sor.u32 $0x1860, s7;
	[dreg:$0x3] =	wrdreg s25  }
0xc: {  	s26 =	sshrl.u32 s23, $0x3;
	s9 =	sshrl.u32 s8, $0x1;
	s17 =	sshrl.u32 s10, $0x2  }
0xd: {  	s10 =	simm.s32 $0x187;
	s19 =	sadd.s32 s5, s13;
	s12 =	sadd.s32 s6, s13  }
0xe: {  	s15 =	sor.u32 $0x10, s13;
	s22 =	sshrl.u32 s21, $0x2;
	[dreg:$0x9] =	wrdreg s26  }
0xf: {  	s16 =	ssub.s32 s8, s9;
	s8 =	smul.u32 $0x186, s7;
	s17 =	sadd.s32 s17, s1  }
0x10: {  	s9 =	sor.u32 $0x1C05, s18;
	s10 =	simm.s32 @!p0 $0x186;
	s18 =	smul.u32 $0x30D40, s3  }
0x11: {  	[dreg:$0x5] =	wrdreg s19;
	s19 =	smul.u32 $0x30C0, s7;
	s13 =	sadd.s32 s5, s15  }
0x12: {  	s20 =	sshrl.u32 s14, $0x3;
	s14 =	sadd.s32 s6, s15;
	s24 =	sadd.s32 s22, s1  }
.Ltmp0:
0x13: {  	s22 =	simm.s32 $0x80;
	s20 =	sadd.s32 s0, s20;
	(pc) =	sbr.rel .LBB2_1-.Ltmp0, $4  }
0x14: {  	p0 =	sgt.u32 s7, $0x9;
	s20 =	sadd.s32 $0x2DB40, s20;
	s18 =	sadd.s32 s19, s18  }
0x15: {  	s19 =	sshrl.u32 s17, $0x3;
	[dreg:$0x6] =	wrdreg s20;
	s0 =	sadd.s32 s0, s18  }
0x16: {  	s18 =	smax.u32 s16, $0x1;
	[dreg:$0x7] =	wrdreg s0;
	s0 =	sshrl.u32 s24, $0x3  }
0x17: {  	v0 =	vmov s3;
	s20 =	simm.s32 $0x5;
	[dreg:$0x8] =	wrdreg s0;
	s0 =	simm.s32 $0x0  }
.LBB2_7:
0x18: {  	s3 =	rddreg [dreg:$0x6]  }
0x19: {  	s7 =	rddreg [dreg:$0x9]  }
0x1a: {  	[hbm:s3], [sflag:s9] =	dma.local [spmem:s7], $0x3200  }
0x1b: {  	_ =	swait.ge [sflag:s20], $0x3200  }
0x1c: {  	[sflag:s20] =	ssyncset.done $0x0  }
0x1d: {  	[sflag:s20] =	ssyncadd.s32 $0xFFFFCE00  }
.LBB2_8:
0x1e: {  	s0 =	sadd.s32 $0x1, s0  }
0x1f: {  	p2 =	sne.s32 s0, s18  }
.Ltmp1:
0x20: {  	_ = 	snop;
	(pc) =	sbr.rel @!p2 .LBB2_9-.Ltmp1, $1  }
0x21: {  	_ =	sdelay $0x3  }
.LBB2_1:
0x22: {  	s3 =	rddreg [dreg:$0x4]  }
0x23: {  	[spmem:s19], [sflag:s9] =	dma.local [hbm:s3], $0x30E0  }
0x24: {  	_ =	swait.ge [sflag:s20], $0x30E0  }
0x25: {  	[sflag:s20] =	ssyncset.done $0x0  }
0x26: {  	[sflag:s20] =	ssyncadd.s32 $0xFFFFCF20  }
0x27: {  	[bflag:$0x0] =	sbarrier.arrive $0xFFFF  }
0x28: {  	s23 =	rddreg [dreg:$0x5]  }
0x29: {  	[tilespmem:s2], [sflag:$0x5] =	stream.linear.gather [hbm4b:s23+s2], $0x80, $0x38;
	[tilespmem:$0x1AA00] =	vst v63  }
0x2a: {  	_ =	swait.ge [sflag:s20], $0x80  }
0x2b: {  	[sflag:s20] =	ssyncset.done $0x0  }
0x2c: {  	s24 =	simm.s32 $0x100;
	[sflag:s20] =	ssyncadd.s32 $0xFFFFFF80  }
0x2d: {  	[tilespmem:s24], [sflag:$0x5] =	stream.linear.gather [hbm4b:s12+s2], $0x80, $0x38;
	[tilespmem:$0x1AA00] =	vst v63  }
0x2e: {  	_ =	swait.ge [sflag:s20], $0x80  }
0x2f: {  	[sflag:s20] =	ssyncset.done $0x0  }
0x30: {  	[sflag:s20] =	ssyncadd.s32 $0xFFFFFF80  }
0x31: {  	v1 =	vld [tilespmem:$0x0]  }
0x32: {  	v2 =	vld [tilespmem:$0x10]  }
0x33: {  	v3 =	vld [tilespmem:$0x20]  }
0x34: {  	v4 =	vld [tilespmem:$0x30]  }
0x35: {  	v5 =	vld [tilespmem:$0x40]  }
0x36: {  	v6 =	vld [tilespmem:$0x50];
	v1 =	vshll.u32 v1, $0x1  }
0x37: {  	v7 =	vld [tilespmem:$0x60];
	v2 =	vshll.u32 v2, $0x1;
	v1 =	vor.u32 v0, v1  }
0x38: {  	[tilespmem:$0x200] =	vst v1;
	v1 =	vor.u32 v0, v2;
	v2 =	vshll.u32 v3, $0x1;
	v3 =	vld [tilespmem:$0x70]  }
0x39: {  	[tilespmem:$0x210] =	vst v1;
	v1 =	vor.u32 v0, v2;
	v2 =	vshll.u32 v4, $0x1  }
0x3a: {  	[tilespmem:$0x220] =	vst v1;
	v1 =	vor.u32 v0, v2;
	v2 =	vshll.u32 v5, $0x1  }
0x3b: {  	[tilespmem:$0x230] =	vst v1;
	v1 =	vor.u32 v0, v2;
	v2 =	vshll.u32 v6, $0x1  }
0x3c: {  	[tilespmem:$0x240] =	vst v1;
	v1 =	vor.u32 v0, v2;
	v2 =	vshll.u32 v7, $0x1  }
0x3d: {  	[tilespmem:$0x250] =	vst v1;
	v1 =	vor.u32 v0, v2;
	v2 =	vshll.u32 v3, $0x1  }
0x3e: {  	[tilespmem:$0x260] =	vst v1;
	v1 =	vor.u32 v0, v2  }
0x3f: {  	s25 =	simm.s32 $0x200;
	s7 =	simm.s32 $0x300;
	[tilespmem:$0x270] =	vst v1  }
0x40: {  	[tilespmem:s7], [sflag:$0x1] =	stream.indirect.gather [hbm4b:s4+s22], $0x20, s25, s22, $0xb8;
	[tilespmem:$0x1AA00] =	vst v63  }
0x41: {  	_ = 	snop  }
0x42: {  	[tilespmem:s22], [sflag:$0x4] =	stream.linear.gather [hbm4b:s13+s2], $0x80, $0x38;
	[tilespmem:$0x1AA00] =	vst v63  }
0x43: {  	_ = 	snop  }
0x44: {  	[tilespmem:s28], [sflag:$0x4] =	stream.linear.gather [hbm4b:s14+s2], $0x80, $0x38;
	[tilespmem:$0x1AA00] =	vst v63  }
0x45: {  	_ =	swait.ge [sflag:s29], $0x80  }
0x46: {  	[sflag:s29] =	ssyncset.done $0x0  }
0x47: {  	[sflag:s29] =	ssyncadd.s32 $0xFFFFFF80  }
0x48: {  	_ =	swait.ge [sflag:s29], $0x80  }
0x49: {  	[sflag:s29] =	ssyncset.done $0x0  }
0x4a: {  	[sflag:s29] =	ssyncadd.s32 $0xFFFFFF80  }
0x4b: {  	v1 =	vld [tilespmem:$0xE0]  }
0x4c: {  	v2 =	vld [tilespmem:$0xD0]  }
0x4d: {  	v3 =	vld [tilespmem:$0xB0]  }
0x4e: {  	v60 =	vld [tilespmem:$0xF0]  }
0x4f: {  	v61 =	vld [tilespmem:$0xA0]  }
0x50: {  	v62 =	vld [tilespmem:$0xC0];
	v1 =	vshll.u32 v1, $0x1  }
0x51: {  	v63 =	vld [tilespmem:$0x90];
	v2 =	vshll.u32 v2, $0x1;
	v1 =	vor.u32 v0, v1  }
0x52: {  	v8 =	vld [tilespmem:$0x80];
	v3 =	vshll.u32 v3, $0x1;
	v2 =	vor.u32 v0, v2;
	[tilespmem:$0x2E0] =	vst v1  }
0x53: {  	v1 =	vor.u32 v0, v3;
	[tilespmem:$0x2D0] =	vst v2;
	v2 =	vshll.u32 v60, $0x1  }
0x54: {  	v3 =	vshll.u32 v61, $0x1;
	[tilespmem:$0x2B0] =	vst v1;
	v1 =	vor.u32 v0, v2  }
0x55: {  	v2 =	vor.u32 v0, v3;
	v3 =	vshll.u32 v62, $0x1;
	[tilespmem:$0x2F0] =	vst v1  }
0x56: {  	v1 =	vshll.u32 v63, $0x1;
	[tilespmem:$0x2A0] =	vst v2;
	v2 =	vor.u32 v0, v3  }
0x57: {  	v3 =	vshll.u32 v8, $0x1;
	v1 =	vor.u32 v0, v1;
	[tilespmem:$0x2C0] =	vst v2  }
0x58: {  	v2 =	vor.u32 v0, v3;
	[tilespmem:$0x290] =	vst v1  }
0x59: {  	[tilespmem:$0x280] =	vst v2  }
0x5a: {  	p2 =	sle.u32 s10, $0x2;
	_ =	swait.ge [sflag:s30], $0x1000  }
0x5b: {  	s16 =	simm.s32 @p2 $0x5;
	[sflag:s30] =	ssyncset.done $0x0  }
0x5c: {  	s3 =	simm.s32 @p2 $0x80;
	s26 =	rddreg [dreg:$0x3];
	[sflag:s30] =	ssyncadd.s32 $0xFFFFF000  }
0x5d: {  	[tilespmem:s31], [sflag:$0x2] =	stream.indirect.gather [hbm4b:s4+s22], $0x20, s26, s22, $0xb8;
	[tilespmem:$0x1AA00] =	vst v63  }
0x5e: {  	s17 =	simm.s32 @p2 $0x100;
	s21 =	simm.s32 @p2 $0x300;
	p3 =	por @!p2 $0x0, $0x0  }
0x5f: {  	[spmem:s1] =	stream.indirect.scatter.add.f32 @p2 [tilespmem:s21], [sflag:$0x5], $0x20, s17, s3, $0xb8;
	[tilespmem:$0x1AA00] =	vst v63  }
0x60: {  	p3 =	por !p3, p2;
	s3 =	sadd.s32 @!p2 $0xFFFFFE7A, s8;
	_ =	swait.ge @p2 [sflag:s16], $0x1000  }
0x61: {  	s17 =	smov.u32 s11;
	s3 =	sadd.s32 @!p2 $0x188, s3;
	[sflag:s16] =	ssyncset.done @p2 $0x0  }
0x62: {  	s17 =	smov.u32 @p3 s3;
	s3 =	simm.s32 @p2 $0x2;
	[sflag:s16] =	ssyncadd.s32 @p2 $0xFFFFF000  }
0x63: {  	s16 =	sshll.u32 @!p2 s17, $0x4;
	_ =	swait.ge @p2 [sflag:s3], $0x1000  }
0x64: {  	s16 =	sand.u32 @!p2 $0x1FFFFFF0, s16;
	[sflag:s3] =	ssyncset.done @p2 $0x0  }
0x65: {  	s17 =	sadd.s32 @!p2 s5, s16;
	[sflag:s3] =	ssyncadd.s32 @p2 $0xFFFFF000;
	s3 =	simm.s32 @!p2 $0x0  }
0x66: {  	[tilespmem:s3], [sflag:$0x3] =	stream.linear.gather @!p2 [hbm4b:s17+s3], $0x80, $0x38;
	[tilespmem:$0x1AA00] =	vst v63  }
0x67: {  	s24 =	simm.s32 @!p2 $0x80;
	s16 =	sadd.s32 @!p2 s6, s16;
	s17 =	simm.s32 @!p2 $0x100  }
0x68: {  	[tilespmem:s17], [sflag:$0x3] =	stream.linear.gather @!p2 [hbm4b:s16+s3], $0x80, $0x38;
	[tilespmem:$0x1AA00] =	vst v63  }
0x69: {  	s25 =	simm.s32 @!p2 $0x300;
	s3 =	simm.s32 $0xFFFFFE7A;
	s16 =	simm.s32 $0xFFFFFE7C  }
.LBB2_2:
0x6a: {  	s26 =	simm.s32 @!p2 $0x5  }
0x6b: {  	[spmem:s1] =	stream.indirect.scatter.add.f32 @!p2 [tilespmem:s25], [sflag:$0x5], $0x20, s17, s24, $0xb8;
	[tilespmem:$0x1AA00] =	vst v63  }
0x6c: {  	_ =	swait.ge @!p2 [sflag:s26], $0x1000  }
0x6d: {  	[sflag:s26] =	ssyncset.done @!p2 $0x0  }
0x6e: {  	s17 =	simm.s32 @!p2 $0x3;
	[sflag:s26] =	ssyncadd.s32 @!p2 $0xFFFFF000  }
0x6f: {  	_ =	swait.ge @!p2 [sflag:s17], $0x80  }
0x70: {  	[sflag:s17] =	ssyncset.done @!p2 $0x0  }
0x71: {  	[sflag:s17] =	ssyncadd.s32 @!p2 $0xFFFFFF80  }
0x72: {  	_ =	swait.ge @!p2 [sflag:s17], $0x80  }
0x73: {  	[sflag:s17] =	ssyncset.done @!p2 $0x0  }
0x74: {  	[sflag:s17] =	ssyncadd.s32 @!p2 $0xFFFFFF80  }
0x75: {  	v1 =	vld @!p2 [tilespmem:$0x0]  }
0x76: {  	v2 =	vld @!p2 [tilespmem:$0x10]  }
0x77: {  	v3 =	vld @!p2 [tilespmem:$0x30]  }
0x78: {  	v4 =	vld @!p2 [tilespmem:$0x40]  }
0x79: {  	v5 =	vld @!p2 [tilespmem:$0x50]  }
0x7a: {  	v6 =	vld @!p2 [tilespmem:$0x60];
	v1 =	vshll.u32 @!p2 v1, $0x1  }
0x7b: {  	v7 =	vld @!p2 [tilespmem:$0x70];
	v2 =	vshll.u32 @!p2 v2, $0x1;
	v1 =	vor.u32 @!p2 v0, v1  }
0x7c: {  	v3 =	vshll.u32 @!p2 v3, $0x1;
	[tilespmem:$0x200] =	vst @!p2 v1;
	v1 =	vor.u32 @!p2 v0, v2;
	v2 =	vld @!p2 [tilespmem:$0x20]  }
0x7d: {  	[tilespmem:$0x210] =	vst @!p2 v1;
	v1 =	vor.u32 @!p2 v0, v3;
	v3 =	vshll.u32 @!p2 v4, $0x1  }
0x7e: {  	[tilespmem:$0x230] =	vst @!p2 v1;
	v1 =	vor.u32 @!p2 v0, v3;
	v3 =	vshll.u32 @!p2 v5, $0x1  }
0x7f: {  	s23 =	sadd.s32 $0x189, s3;
	[tilespmem:$0x240] =	vst @!p2 v1;
	v1 =	vor.u32 @!p2 v0, v3;
	v3 =	vshll.u32 @!p2 v6, $0x1  }
0x80: {  	p4 =	sge.u32 s23, s10;
	[tilespmem:$0x250] =	vst @!p2 v1;
	v1 =	vor.u32 @!p2 v0, v3;
	v3 =	vshll.u32 @!p2 v7, $0x1  }
0x81: {  	s21 =	smov.u32 s16;
	p5 =	seq.s32 @!p4 s3, $0xFFFFFFFE;
	v2 =	vshll.u32 @!p2 v2, $0x1;
	[tilespmem:$0x260] =	vst @!p2 v1;
	v1 =	vor.u32 @!p2 v0, v3  }
0x82: {  	p5 =	por !p5, p4;
	s26 =	smov.u32 s11;
	s17 =	sadd.s32 @!p4 s3, s8;
	v2 =	vor.u32 @!p2 v0, v2;
	[tilespmem:$0x270] =	vst @!p2 v1  }
0x83: {  	s3 =	smov.u32 s21;
	s21 =	simm.s32 @!p2 $0x2;
	s17 =	sadd.s32 @!p4 $0x189, s17;
	[tilespmem:$0x220] =	vst @!p2 v2  }
0x84: {  	s26 =	smov.u32 @p5 s17;
	_ =	swait.ge @!p2 [sflag:s21], $0x1000  }
0x85: {  	s26 =	sshll.u32 @!p4 s26, $0x4;
	[sflag:s21] =	ssyncset.done @!p2 $0x0  }
0x86: {  	s23 =	simm.s32 @!p2 $0x200;
	s26 =	sand.u32 @!p4 $0x1FFFFFF0, s26;
	[sflag:s21] =	ssyncadd.s32 @!p2 $0xFFFFF000  }
0x87: {  	[tilespmem:s25], [sflag:$0x1] =	stream.indirect.gather @!p2 [hbm4b:s4+s24], $0x20, s23, s24, $0xb8;
	[tilespmem:$0x1AA00] =	vst v63  }
0x88: {  	s7 =	simm.s32 @!p4 $0x0;
	s17 =	simm.s32 @!p4 $0x80;
	s21 =	sadd.s32 @!p4 s5, s26  }
0x89: {  	[tilespmem:s17], [sflag:$0x4] =	stream.linear.gather @!p4 [hbm4b:s21+s7], $0x80, $0x38;
	[tilespmem:$0x1AA00] =	vst v63  }
0x8a: {  	s26 =	sadd.s32 @!p4 s6, s26;
	s23 =	simm.s32 @!p4 $0x180  }
0x8b: {  	[tilespmem:s23], [sflag:$0x4] =	stream.linear.gather @!p4 [hbm4b:s26+s7], $0x80, $0x38;
	[tilespmem:$0x1AA00] =	vst v63  }
0x8c: {  	_ = 	snop  }
0x8d: {  	[spmem:s1] =	stream.indirect.scatter.add.f32 [tilespmem:s31], [sflag:$0x5], $0x20, s28, s22, $0xb8;
	[tilespmem:$0x1AA00] =	vst v63  }
0x8e: {  	_ =	swait.ge [sflag:s20], $0x1000  }
0x8f: {  	[sflag:s20] =	ssyncset.done $0x0  }
0x90: {  	[sflag:s20] =	ssyncadd.s32 $0xFFFFF000  }
0x91: {  	_ =	swait.ge [sflag:s29], $0x80  }
0x92: {  	[sflag:s29] =	ssyncset.done $0x0  }
0x93: {  	[sflag:s29] =	ssyncadd.s32 $0xFFFFFF80  }
0x94: {  	_ =	swait.ge [sflag:s29], $0x80  }
0x95: {  	[sflag:s29] =	ssyncset.done $0x0  }
0x96: {  	[sflag:s29] =	ssyncadd.s32 $0xFFFFFF80  }
0x97: {  	v1 =	vld [tilespmem:$0xE0]  }
0x98: {  	v2 =	vld [tilespmem:$0xD0]  }
0x99: {  	v3 =	vld [tilespmem:$0xB0]  }
0x9a: {  	v60 =	vld [tilespmem:$0xF0]  }
0x9b: {  	v61 =	vld [tilespmem:$0xA0]  }
0x9c: {  	v62 =	vld [tilespmem:$0xC0];
	v1 =	vshll.u32 v1, $0x1  }
0x9d: {  	v63 =	vld [tilespmem:$0x90];
	v2 =	vshll.u32 v2, $0x1;
	v1 =	vor.u32 v0, v1  }
0x9e: {  	v8 =	vld [tilespmem:$0x80];
	v3 =	vshll.u32 v3, $0x1;
	v2 =	vor.u32 v0, v2;
	[tilespmem:$0x2E0] =	vst v1  }
0x9f: {  	v1 =	vor.u32 v0, v3;
	[tilespmem:$0x2D0] =	vst v2;
	v2 =	vshll.u32 v60, $0x1  }
0xa0: {  	v3 =	vshll.u32 v61, $0x1;
	[tilespmem:$0x2B0] =	vst v1;
	v1 =	vor.u32 v0, v2  }
0xa1: {  	v2 =	vor.u32 v0, v3;
	v3 =	vshll.u32 v62, $0x1;
	[tilespmem:$0x2F0] =	vst v1  }
0xa2: {  	v1 =	vshll.u32 v63, $0x1;
	[tilespmem:$0x2A0] =	vst v2;
	v2 =	vor.u32 v0, v3  }
0xa3: {  	s26 =	sadd.s32 $0x188, s3;
	v3 =	vshll.u32 v8, $0x1;
	v1 =	vor.u32 v0, v1;
	[tilespmem:$0x2C0] =	vst v2  }
0xa4: {  	p2 =	sge.u32 s26, s10;
	v2 =	vor.u32 v0, v3;
	[tilespmem:$0x290] =	vst v1  }
0xa5: {  	s15 =	smov.u32 s11;
	s7 =	simm.s32 @p2 $0x5;
	[tilespmem:$0x280] =	vst v2  }
0xa6: {  	p4 =	seq.s32 @!p2 s3, $0xFFFFFFFE;
	s17 =	simm.s32 @p2 $0x80;
	_ =	swait.ge [sflag:s30], $0x1000  }
0xa7: {  	s23 =	sadd.s32 @!p2 s3, s8;
	p4 =	por !p4, p2;
	[sflag:s30] =	ssyncset.done $0x0  }
0xa8: {  	s23 =	sadd.s32 @!p2 $0x188, s23;
	s26 =	rddreg [dreg:$0x3];
	[sflag:s30] =	ssyncadd.s32 $0xFFFFF000  }
0xa9: {  	[tilespmem:s31], [sflag:$0x2] =	stream.indirect.gather [hbm4b:s4+s22], $0x20, s26, s22, $0xb8;
	[tilespmem:$0x1AA00] =	vst v63  }
0xaa: {  	s21 =	simm.s32 @p2 $0x100;
	s15 =	smov.u32 @p4 s23;
	s23 =	simm.s32 @p2 $0x300  }
0xab: {  	[spmem:s1] =	stream.indirect.scatter.add.f32 @p2 [tilespmem:s23], [sflag:$0x5], $0x20, s21, s17, $0xb8;
	[tilespmem:$0x1AA00] =	vst v63  }
0xac: {  	_ =	swait.ge @p2 [sflag:s7], $0x1000  }
0xad: {  	s16 =	sadd.s32 $0x2, s16;
	[sflag:s7] =	ssyncset.done @p2 $0x0  }
0xae: {  	p3 =	sne.s32 s16, $0x0;
	[sflag:s7] =	ssyncadd.s32 @p2 $0xFFFFF000;
	s7 =	simm.s32 @p2 $0x2  }
0xaf: {  	s24 =	simm.s32 @!p2 $0x80;
	s15 =	sshll.u32 @!p2 s15, $0x4;
	_ =	swait.ge @p2 [sflag:s7], $0x1000  }
.Ltmp2:
0xb0: {  	s15 =	sand.u32 @!p2 $0x1FFFFFF0, s15;
	[sflag:s7] =	ssyncset.done @p2 $0x0;
	(pc) =	sbr.rel @p3 .LBB2_2-.Ltmp2, $4  }
0xb1: {  	s26 =	sadd.s32 @!p2 s5, s15;
	[sflag:s7] =	ssyncadd.s32 @p2 $0xFFFFF000;
	s7 =	simm.s32 @!p2 $0x0  }
0xb2: {  	[tilespmem:s7], [sflag:$0x3] =	stream.linear.gather @!p2 [hbm4b:s26+s7], $0x80, $0x38;
	[tilespmem:$0x1AA00] =	vst v63  }
0xb3: {  	s25 =	simm.s32 @!p2 $0x300;
	s15 =	sadd.s32 @!p2 s6, s15;
	s17 =	simm.s32 @!p2 $0x100  }
0xb4: {  	[tilespmem:s17], [sflag:$0x3] =	stream.linear.gather @!p2 [hbm4b:s15+s7], $0x80, $0x38;
	[tilespmem:$0x1AA00] =	vst v63  }
0xb5: {  	s7 =	simm.s32 @!p2 $0x5  }
0xb6: {  	[spmem:s1] =	stream.indirect.scatter.add.f32 @!p2 [tilespmem:s25], [sflag:$0x5], $0x20, s17, s24, $0xb8;
	[tilespmem:$0x1AA00] =	vst v63  }
0xb7: {  	_ =	swait.ge @!p2 [sflag:s7], $0x1000  }
0xb8: {  	[sflag:s7] =	ssyncset.done @!p2 $0x0  }
0xb9: {  	[sflag:s7] =	ssyncadd.s32 @!p2 $0xFFFFF000;
	s7 =	simm.s32 @!p2 $0x3  }
0xba: {  	_ =	swait.ge @!p2 [sflag:s7], $0x80  }
0xbb: {  	[sflag:s7] =	ssyncset.done @!p2 $0x0  }
0xbc: {  	[sflag:s7] =	ssyncadd.s32 @!p2 $0xFFFFFF80  }
0xbd: {  	_ =	swait.ge @!p2 [sflag:s7], $0x80  }
0xbe: {  	[sflag:s7] =	ssyncset.done @!p2 $0x0  }
0xbf: {  	[sflag:s7] =	ssyncadd.s32 @!p2 $0xFFFFFF80  }
0xc0: {  	v1 =	vld @!p2 [tilespmem:$0x0]  }
0xc1: {  	v2 =	vld @!p2 [tilespmem:$0x10]  }
0xc2: {  	v3 =	vld @!p2 [tilespmem:$0x30]  }
0xc3: {  	v4 =	vld @!p2 [tilespmem:$0x40]  }
0xc4: {  	v5 =	vld @!p2 [tilespmem:$0x50]  }
0xc5: {  	v6 =	vld @!p2 [tilespmem:$0x60];
	v1 =	vshll.u32 @!p2 v1, $0x1  }
0xc6: {  	v7 =	vld @!p2 [tilespmem:$0x70];
	v2 =	vshll.u32 @!p2 v2, $0x1;
	v1 =	vor.u32 @!p2 v0, v1  }
0xc7: {  	v3 =	vshll.u32 @!p2 v3, $0x1;
	[tilespmem:$0x200] =	vst @!p2 v1;
	v1 =	vor.u32 @!p2 v0, v2;
	v2 =	vld @!p2 [tilespmem:$0x20]  }
0xc8: {  	[tilespmem:$0x210] =	vst @!p2 v1;
	v1 =	vor.u32 @!p2 v0, v3;
	v3 =	vshll.u32 @!p2 v4, $0x1  }
0xc9: {  	[tilespmem:$0x230] =	vst @!p2 v1;
	v1 =	vor.u32 @!p2 v0, v3;
	v3 =	vshll.u32 @!p2 v5, $0x1  }
0xca: {  	[tilespmem:$0x240] =	vst @!p2 v1;
	v1 =	vor.u32 @!p2 v0, v3;
	v3 =	vshll.u32 @!p2 v6, $0x1  }
0xcb: {  	s26 =	sadd.s32 $0x189, s3;
	[tilespmem:$0x250] =	vst @!p2 v1;
	v1 =	vor.u32 @!p2 v0, v3;
	v3 =	vshll.u32 @!p2 v7, $0x1  }
0xcc: {  	p3 =	sge.u32 s26, s10;
	v2 =	vshll.u32 @!p2 v2, $0x1;
	[tilespmem:$0x260] =	vst @!p2 v1;
	v1 =	vor.u32 @!p2 v0, v3  }
0xcd: {  	s15 =	smov.u32 s11;
	p4 =	seq.s32 @!p3 s3, $0xFFFFFFFE;
	s3 =	sadd.s32 @!p3 s3, s8;
	v2 =	vor.u32 @!p2 v0, v2;
	[tilespmem:$0x270] =	vst @!p2 v1  }
0xce: {  	s3 =	sadd.s32 @!p3 $0x189, s3;
	p4 =	por !p4, p3;
	s7 =	simm.s32 @!p2 $0x2;
	[tilespmem:$0x220] =	vst @!p2 v2  }
0xcf: {  	s15 =	smov.u32 @p4 s3;
	_ =	swait.ge @!p2 [sflag:s7], $0x1000  }
0xd0: {  	s3 =	sshll.u32 @!p3 s15, $0x4;
	[sflag:s7] =	ssyncset.done @!p2 $0x0  }
0xd1: {  	s15 =	simm.s32 @!p2 $0x200;
	s3 =	sand.u32 @!p3 $0x1FFFFFF0, s3;
	[sflag:s7] =	ssyncadd.s32 @!p2 $0xFFFFF000  }
0xd2: {  	[tilespmem:s25], [sflag:$0x1] =	stream.indirect.gather @!p2 [hbm4b:s4+s24], $0x20, s15, s24, $0xb8;
	[tilespmem:$0x1AA00] =	vst v63  }
0xd3: {  	s16 =	sadd.s32 @!p3 s5, s3;
	s7 =	simm.s32 @!p3 $0x80;
	s15 =	simm.s32 @!p3 $0x0  }
0xd4: {  	[tilespmem:s7], [sflag:$0x4] =	stream.linear.gather @!p3 [hbm4b:s16+s15], $0x80, $0x38;
	[tilespmem:$0x1AA00] =	vst v63  }
0xd5: {  	s3 =	sadd.s32 @!p3 s6, s3;
	s7 =	simm.s32 @!p3 $0x180  }
0xd6: {  	[tilespmem:s7], [sflag:$0x4] =	stream.linear.gather @!p3 [hbm4b:s3+s15], $0x80, $0x38;
	[tilespmem:$0x1AA00] =	vst v63  }
.Ltmp3:
0xd7: {  	_ = 	snop;
	(pc) =	sbr.rel @p0 .LBB2_5-.Ltmp3, $4  }
0xd8: {  	[spmem:s1] =	stream.indirect.scatter.add.f32 [tilespmem:s31], [sflag:$0x5], $0x20, s28, s22, $0xb8;
	[tilespmem:$0x1AA00] =	vst v63  }
0xd9: {  	_ =	swait.ge [sflag:s20], $0x1000  }
0xda: {  	[sflag:s20] =	ssyncset.done $0x0  }
0xdb: {  	[sflag:s20] =	ssyncadd.s32 $0xFFFFF000  }
0xdc: {  	_ =	swait.ge [sflag:s30], $0x1000  }
0xdd: {  	[sflag:s30] =	ssyncset.done $0x0  }
0xde: {  	s3 =	simm.s32 $0x100;
	s7 =	simm.s32 $0x300;
	[sflag:s30] =	ssyncadd.s32 $0xFFFFF000  }
0xdf: {  	[spmem:s1] =	stream.indirect.scatter.add.f32 [tilespmem:s7], [sflag:$0x5], $0x20, s3, s22, $0xb8;
	[tilespmem:$0x1AA00] =	vst v63  }
.Ltmp4:
0xe0: {  	_ =	swait.ge [sflag:s20], $0x1000;
	(pc) =	sbr.rel .LBB2_6-.Ltmp4, $3  }
0xe1: {  	[sflag:s20] =	ssyncset.done $0x0  }
0xe2: {  	[sflag:s20] =	ssyncadd.s32 $0xFFFFF000  }
0xe3: {  	[bflag:$0x0] =	sbarrier.arrive $0xFFFF;
	_ =	sdelay $0x1  }
.LBB2_5:
.Ltmp5:
0xe4: {  	(pc) =	sbr.rel @p1 .LBB2_7-.Ltmp5, $2  }
0xe5: {  	_ =	sdelay $0x1  }
0xe6: {  	[bflag:$0x0] =	sbarrier.arrive $0xFFFF;
	_ =	sdelay $0x1  }
.LBB2_6:
0xe7: {  	s3 =	rddreg [dreg:$0x7]  }
.Ltmp6:
0xe8: {  	s7 =	rddreg [dreg:$0x8];
	(pc) =	sbr.rel .LBB2_8-.Ltmp6, $4  }
0xe9: {  	[hbm:s3], [sflag:s9] =	dma.local [spmem:s7], $0x30C0  }
0xea: {  	_ =	swait.ge [sflag:s20], $0x30C0  }
0xeb: {  	[sflag:s20] =	ssyncset.done $0x0  }
0xec: {  	[sflag:s20] =	ssyncadd.s32 $0xFFFFCF40  }
.LBB2_9:
0xed: {  	_ =	sfence.sel $0x180000  }
0xee: {  	[bflag:$0x0] =	sbarrier.arrive $0xFFFF  }
0xef: {  	_ =	strace $0x9000004D  }
0xf0: {  	s0 =	stileid.u32;
	[bflag:$0x2] =	sbarrier.arrive $0xFFFF  }
0xf1: {  	p0 =	sne.s32 s0, $0x0;
	s0 =	rddreg [dreg:$0x2]  }
0xf2: {  	s0 =	sadd.s32 @!p0 $0x100000, s0  }
0xf3: {  	[sflag:s0] =	ssyncadd.tile.s32 @!p0 $0x1;
	_ =	shalt  }
.Lfunc_end2:
_tile_overlayer_lowered:
.L_overlay_start_2:
0xf4: {  	(tag) =	ssettag $0x2  }
0xf5: {  	s0 =	rddreg [dreg:$0x0];
	s2 =	stileid.u32  }
0xf6: {  	s1 =	rddreg [dreg:$0x1];
	p0 =	sne.s32 s2, $0x0  }
0xf7: {  	s3 =	rddreg [dreg:$0x2];
	[bflag:$0x3] =	sbarrier.arrive $0xFFFF;
	s2 =	simm.s32 @!p0 $0x1C05  }
0xf8: {  	[timem:s3], [sflag:s2] =	dma.local @!p0 [hbm:s0], s1  }
0xf9: {  	s0 =	simm.s32 @!p0 $0x5  }
0xfa: {  	_ =	swait.ge @!p0 [sflag:s0], s1  }
0xfb: {  	s1 =	ssub.s32 @!p0 $0x0, s1;
	[sflag:s0] =	ssyncset.done @!p0 $0x0  }
0xfc: {  	[sflag:s0] =	ssyncadd.s32 @!p0 s1  }
0xfd: {  	[bflag:$0x3] =	sbarrier.arrive $0xFFFF  }
0xfe: {  	_ =	shalt  }

</sc_bundles>
